<compile_context>
chip_gen: v7x
topology: tpu7x:2x2x1
jax: 0.10.2.dev20260603
libtpu: 0.0.44.dev20260713+nightly
codegen_flags: <defaults>
</compile_context>

<pallas_src>
import functools

import jax
import jax.numpy as jnp
from jax import lax
from jax.experimental import pallas as pl
from jax.experimental.pallas import tpu as pltpu
from jax.experimental.pallas import tpu_sc as plsc

N = 10000
E = 320000
D = 128
H = 128

NC = 2
NS = 16
NW = NC * NS
E_PER_W = E // NW
CHUNK = 128
NCHUNK = E_PER_W // CHUNK
TAIL = E_PER_W - NCHUNK * CHUNK
GRP = 13
NGRP = NCHUNK // GRP
IDXG = GRP * CHUNK
NPAD = 10240
RPT = NPAD // NS
COLS_PT = NPAD // NS

_MESH = plsc.VectorSubcoreMesh(core_axis_name="c", subcore_axis_name="s")
_SC_PARAMS = pltpu.CompilerParams(needs_layout_passes=False)


@functools.partial(
    pl.kernel,
    out_type=jax.ShapeDtypeStruct((NC, NPAD), jnp.float32),
    mesh=_MESH,
    compiler_params=_SC_PARAMS,
    scratch_types=[
        pltpu.VMEM((E_PER_W,), jnp.int32),
        pltpu.VMEM((NPAD,), jnp.float32),
        pltpu.VMEM((NS, COLS_PT), jnp.float32),
        pltpu.VMEM((COLS_PT,), jnp.float32),
        pltpu.VMEM_SHARED((NS, NPAD), jnp.float32),
    ],
)
def _deg_kernel(ef_hbm, zeros_hbm, out_hbm, didx_v, hist_v, red_v, sum_v,
                acc_s):
    c = lax.axis_index("c")
    s = lax.axis_index("s")
    w = s * NC + c
    pltpu.sync_copy(ef_hbm.at[pl.ds(w * E_PER_W, E_PER_W)], didx_v)
    pltpu.sync_copy(zeros_hbm, hist_v)
    ones = jnp.ones((16,), jnp.float32)

    @pl.loop(0, E_PER_W // 16, unroll=25)
    def _(i):
        iv = didx_v[pl.ds(i * 16, 16)]
        plsc.addupdate_scatter(hist_v, [iv], ones)

    pltpu.sync_copy(hist_v, acc_s.at[s])
    plsc.subcore_barrier()
    pltpu.sync_copy(acc_s.at[:, pl.ds(s * COLS_PT, COLS_PT)], red_v)

    @pl.loop(0, COLS_PT // 16)
    def _(j):
        t = red_v[0, pl.ds(j * 16, 16)]
        for r in range(1, NS):
            t = t + red_v[r, pl.ds(j * 16, 16)]
        sum_v[pl.ds(j * 16, 16)] = t

    pltpu.sync_copy(sum_v, out_hbm.at[c, pl.ds(s * COLS_PT, COLS_PT)])


@functools.partial(
    pl.kernel,
    out_type=jax.ShapeDtypeStruct((NC, NPAD, H), jnp.float32),
    mesh=_MESH,
    compiler_params=_SC_PARAMS,
    scratch_types=[
        pltpu.VMEM((IDXG,), jnp.int32),
        pltpu.VMEM((IDXG,), jnp.int32),
        pltpu.VMEM((CHUNK, H), jnp.float32),
        pltpu.VMEM((CHUNK, H), jnp.float32),
        pltpu.SemaphoreType.DMA,
        pltpu.SemaphoreType.DMA,
        pltpu.VMEM_SHARED((NPAD, H), jnp.float32),
    ],
)
def _agg_kernel(g_hbm, ef_hbm, zeros_hbm, out_hbm,
                sidx_v, didx_v, rb0, rb1, sem0, sem1, acc_s):
    c = lax.axis_index("c")
    s = lax.axis_index("s")
    w = s * NC + c
    dbase = w * E_PER_W
    sbase = E + w * E_PER_W

    def fire(ci, n, buf, sem):
        pltpu.async_copy(g_hbm.at[sidx_v.at[pl.ds(ci * CHUNK, n)]],
                         buf.at[pl.ds(0, n)], sem)

    def drain(ci, n, buf, sem):
        pltpu.make_async_copy(g_hbm.at[sidx_v.at[pl.ds(ci * CHUNK, n)]],
                              buf.at[pl.ds(0, n)], sem).wait()

    def scat(ci, n, buf):
        pltpu.sync_copy(buf.at[pl.ds(0, n)],
                        acc_s.at[didx_v.at[pl.ds(ci * CHUNK, n)]],
                        add=True)

    pltpu.sync_copy(zeros_hbm, acc_s.at[pl.ds(s * RPT, RPT)])
    plsc.subcore_barrier()

    @pl.loop(0, NGRP)
    def _(grp):
        pltpu.sync_copy(ef_hbm.at[pl.ds(sbase + grp * IDXG, IDXG)], sidx_v)
        pltpu.sync_copy(ef_hbm.at[pl.ds(dbase + grp * IDXG, IDXG)], didx_v)
        fire(0, CHUNK, rb0, sem0)

        @pl.loop(0, (GRP - 1) // 2)
        def _(gi):
            c0 = 2 * gi
            fire(c0 + 1, CHUNK, rb1, sem1)
            drain(c0, CHUNK, rb0, sem0)
            scat(c0, CHUNK, rb0)
            fire(c0 + 2, CHUNK, rb0, sem0)
            drain(c0 + 1, CHUNK, rb1, sem1)
            scat(c0 + 1, CHUNK, rb1)

        drain(GRP - 1, CHUNK, rb0, sem0)
        scat(GRP - 1, CHUNK, rb0)

    pltpu.sync_copy(ef_hbm.at[pl.ds(sbase + NCHUNK * CHUNK, TAIL)],
                    sidx_v.at[pl.ds(0, TAIL)])
    pltpu.sync_copy(ef_hbm.at[pl.ds(dbase + NCHUNK * CHUNK, TAIL)],
                    didx_v.at[pl.ds(0, TAIL)])
    fire(0, TAIL, rb0, sem0)
    drain(0, TAIL, rb0, sem0)
    scat(0, TAIL, rb0)

    plsc.subcore_barrier()
    pltpu.sync_copy(acc_s.at[pl.ds(s * RPT, RPT)],
                    out_hbm.at[c, pl.ds(s * RPT, RPT)])


ROW_BLK = 2560
GRID = pl.cdiv(N, ROW_BLK)


def _mm_body(x_ref, w_ref, b_ref, o_ref):
    o_ref[...] = lax.dot_general(
        x_ref[...], w_ref[...], (((1,), (1,)), ((), ())),
        preferred_element_type=jnp.float32) + b_ref[...]


def _matmul(x, W0, b0):
    return pl.pallas_call(
        _mm_body,
        grid=(GRID,),
        in_specs=[
            pl.BlockSpec((ROW_BLK, D), lambda i: (i, 0)),
            pl.BlockSpec((H, D), lambda i: (0, 0)),
            pl.BlockSpec((1, H), lambda i: (0, 0)),
        ],
        out_specs=pl.BlockSpec((ROW_BLK, H), lambda i: (i, 0)),
        out_shape=jax.ShapeDtypeStruct((N, H), jnp.float32),
    )(x, W0, b0.reshape(1, H))


def _norm_body(deg_ref, h_ref, g_ref, norm_ref):
    d = deg_ref[...]
    deg = d[0, :] + d[1, :]
    nm = lax.rsqrt(1.0 + deg)[:, None]
    norm_ref[...] = nm
    g_ref[...] = nm * h_ref[...]


def _norm_scale(degp, h0):
    return pl.pallas_call(
        _norm_body,
        grid=(GRID,),
        in_specs=[
            pl.BlockSpec((NC, ROW_BLK), lambda i: (0, i)),
            pl.BlockSpec((ROW_BLK, H), lambda i: (i, 0)),
        ],
        out_specs=[
            pl.BlockSpec((ROW_BLK, H), lambda i: (i, 0)),
            pl.BlockSpec((ROW_BLK, 1), lambda i: (i, 0)),
        ],
        out_shape=[
            jax.ShapeDtypeStruct((N, H), jnp.float32),
            jax.ShapeDtypeStruct((N, 1), jnp.float32),
        ],
    )(degp, h0)


def _comb_body(square, sp_ref, g_ref, norm_ref, o_ref):
    t = sp_ref[0] + sp_ref[1] + g_ref[...]
    nm = norm_ref[...]
    if square:
        nm = nm * nm
    o_ref[...] = nm * t


def _combine(sp, g, norm, square):
    return pl.pallas_call(
        functools.partial(_comb_body, square),
        grid=(GRID,),
        in_specs=[
            pl.BlockSpec((NC, ROW_BLK, H), lambda i: (0, i, 0)),
            pl.BlockSpec((ROW_BLK, H), lambda i: (i, 0)),
            pl.BlockSpec((ROW_BLK, 1), lambda i: (i, 0)),
        ],
        out_specs=pl.BlockSpec((ROW_BLK, H), lambda i: (i, 0)),
        out_shape=jax.ShapeDtypeStruct((N, H), jnp.float32),
    )(sp, g, norm)


def kernel(x, edge_index, W0, b0):
    ef = edge_index.reshape(2 * E)
    zeros_row = jnp.zeros((RPT, H), jnp.float32)
    zeros1d = jnp.zeros((NPAD,), jnp.float32)

    degp = _deg_kernel(ef, zeros1d)
    h0 = _matmul(x, W0, b0)
    g1, norm = _norm_scale(degp, h0)

    s1 = _agg_kernel(g1, ef, zeros_row)
    g2 = _combine(s1, g1, norm, square=True)
    s2 = _agg_kernel(g2, ef, zeros_row)
    return _combine(s2, g2, norm, square=False)

# --- scband reference (transcript-rebuilt; emitter-appended) ---
"""Pipeline reference for scband-gcn-5162550690709 (READ-ONLY COPY).

The authoritative reference and input builder live on the scoring server;
editing this copy changes nothing except your own understanding.
"""

import jax, jax.numpy as jnp
import numpy as np

N = 10000
E = 320000
D = 128
H = 128
NUM_LAYERS = 2


def setup_inputs(seed: int = 0) -> dict:
    key = jax.random.key(seed)
    k1, k2, k3, k4 = jax.random.split(key, 4)
    x = jax.random.normal(k1, (N, D), dtype=jnp.float32)
    edge_index = jax.random.randint(k2, (2, E), 0, N, dtype=jnp.int32)
    # xemb linear (torch nn.Linear(D, H)): weight [H, D], bias [H]
    bound = 1.0 / np.sqrt(D)
    W0 = jax.random.uniform(k3, (H, D), dtype=jnp.float32, minval=-bound, maxval=bound)
    b0 = jax.random.uniform(k4, (H,), dtype=jnp.float32, minval=-bound, maxval=bound)
    return {"x": x, "edge_index": edge_index, "W0": W0, "b0": b0}


def _gcn_conv(h, src, dst, n):
    # PureConv(aggr='gcn'): norm = rsqrt(1 + row_degree); x = norm*x; x = spmm_add(A, x) + x; x = norm*x
    deg = jnp.zeros((n,), h.dtype).at[dst].add(1.0)
    norm = jax.lax.rsqrt(1.0 + deg)[:, None]
    h = norm * h
    agg = jnp.zeros_like(h).at[dst].add(h[src])
    h = agg + h
    h = norm * h
    return h


def reference(x, edge_index, W0, b0):
    dst = edge_index[0]
    src = edge_index[1]
    # xemb: Identity -> Linear(D, H) (dropout=0 -> Identity)
    h = x @ W0.T + b0
    # convs: PureConv(H, H), PureConv(H, H) with lin = Identity (indim == outdim)
    for _ in range(NUM_LAYERS):
        h = _gcn_conv(h, src, dst, N)
    return h

if __name__ == "__main__":
    import jax
    _d = setup_inputs()
    print(jax.jit(kernel)(*tuple(_d.values())))

</pallas_src>

<mosaic_0001>
#map = affine_map<(d0, d1) -> (0, 0)>
#map1 = affine_map<(d0, d1) -> (0)>
#map2 = affine_map<(d0, d1) -> (0, 0, 0)>
module attributes {stable_mosaic.version = 14 : i64} {
  func.func @_agg_kernel(%arg0: i32, %arg1: i32, %arg2: memref<10000x128xf32, #tpu.memory_space<hbm>>, %arg3: memref<640000xi32, #tpu.memory_space<hbm>>, %arg4: memref<640x128xf32, #tpu.memory_space<hbm>>, %arg5: memref<2x10240x128xf32, #tpu.memory_space<hbm>>, %arg6: memref<1664xi32, #tpu.memory_space<vmem>>, %arg7: memref<1664xi32, #tpu.memory_space<vmem>>, %arg8: memref<128x128xf32, #tpu.memory_space<vmem>>, %arg9: memref<128x128xf32, #tpu.memory_space<vmem>>, %arg10: memref<!tpu.dma_semaphore, #tpu.memory_space<semaphore_mem>>, %arg11: memref<!tpu.dma_semaphore, #tpu.memory_space<semaphore_mem>>, %arg12: memref<10240x128xf32, #tpu.memory_space<vmem_shared>>) attributes {dimension_semantics = [#tpu.dimension_semantics<core_parallel>, #tpu.dimension_semantics<subcore_parallel>], iteration_bounds = array<i64: 2, 16>, scalar_prefetch = 0 : i64, scratch_operands = 7 : i64, tpu.core_type = #tpu.core_type<sc_vector_subcore>, window_params = [{transform_indices = #map}, {transform_indices = #map1}, {transform_indices = #map}, {transform_indices = #map2}]} {
    %mul3A = arith.constant 2 : i32
    %mul3A_0 = arith.muli %arg1, %mul3A : i32
    %add3A = arith.addi %mul3A_0, %arg0 : i32
    %mul3A_1 = arith.constant 10000 : i32
    %mul3A_2 = arith.muli %add3A, %mul3A_1 : i32
    %mul3A_3 = arith.constant 10000 : i32
    %mul3A_4 = arith.muli %add3A, %mul3A_3 : i32
    %add3A_5 = arith.constant 320000 : i32
    %add3A_6 = arith.addi %add3A_5, %mul3A_4 : i32
    %mul3A_7 = arith.constant 640 : i32
    %mul3A_8 = arith.muli %arg1, %mul3A_7 : i32
    "tpu.region"() ({
      %run_scoped3A = tpu.sem_alloc : memref<!tpu.dma_semaphore, #tpu.memory_space<semaphore_mem>>
      %dma_start3A_36 = arith.constant 0 : i32
      %dma_start3A_37 = tpu.memref_slice %arg12[%mul3A_8, %dma_start3A_36] : memref<10240x128xf32, #tpu.memory_space<vmem_shared>> -> memref<640x128xf32, #tpu.memory_space<vmem_shared>>
      tpu.enqueue_dma source(%arg4 : memref<640x128xf32, #tpu.memory_space<hbm>>) target(%dma_start3A_37 : memref<640x128xf32, #tpu.memory_space<vmem_shared>>) target_semaphore(%run_scoped3A : memref<!tpu.dma_semaphore, #tpu.memory_space<semaphore_mem>>)
      %dma_wait3A_38 = arith.constant 0 : i32
      %dma_wait3A_39 = tpu.memref_slice %arg12[%mul3A_8, %dma_wait3A_38] : memref<10240x128xf32, #tpu.memory_space<vmem_shared>> -> memref<640x128xf32, #tpu.memory_space<vmem_shared>>
      tpu.wait_dma2 semaphore(%run_scoped3A : memref<!tpu.dma_semaphore, #tpu.memory_space<semaphore_mem>>) src(%arg4 : memref<640x128xf32, #tpu.memory_space<hbm>>) dst(%dma_wait3A_39 : memref<640x128xf32, #tpu.memory_space<vmem_shared>>)
      tpu.yield
    }) : () -> ()
    %barrier3A = arith.constant 0 : index
    tpu.barrier barrier_id(%barrier3A)
    %scan3A = arith.constant 0 : i32
    %scan3A_9 = arith.constant 6 : i32
    %scan3A_10 = arith.addi %scan3A, %scan3A_9 : i32
    %scan3A_11 = arith.constant 1 : i32
    scf.for %scan3A_36 = %scan3A to %scan3A_10 step %scan3A_11  : i32 {
      %mul3A_37 = arith.constant 1 : i32
      %mul3A_38 = arith.muli %scan3A_36, %mul3A_37 : i32
      %add3A_39 = arith.constant 0 : i32
      %add3A_40 = arith.addi %add3A_39, %mul3A_38 : i32
      %mul3A_41 = arith.constant 1664 : i32
      %mul3A_42 = arith.muli %add3A_40, %mul3A_41 : i32
      %add3A_43 = arith.addi %add3A_6, %mul3A_42 : i32
      "tpu.region"() ({
        %run_scoped3A = tpu.sem_alloc : memref<!tpu.dma_semaphore, #tpu.memory_space<semaphore_mem>>
        %dma_start3A_68 = tpu.memref_slice %arg3[%add3A_43] : memref<640000xi32, #tpu.memory_space<hbm>> -> memref<1664xi32, #tpu.memory_space<hbm>>
        %dma_start3A_69 = tpu.memref_slice %arg3[%add3A_43] : memref<640000xi32, #tpu.memory_space<hbm>> -> memref<1664xi32, #tpu.memory_space<hbm>>
        tpu.enqueue_dma source(%dma_start3A_69 : memref<1664xi32, #tpu.memory_space<hbm>>) target(%arg6 : memref<1664xi32, #tpu.memory_space<vmem>>) target_semaphore(%run_scoped3A : memref<!tpu.dma_semaphore, #tpu.memory_space<semaphore_mem>>)
        %dma_wait3A_70 = tpu.memref_slice %arg3[%add3A_43] : memref<640000xi32, #tpu.memory_space<hbm>> -> memref<1664xi32, #tpu.memory_space<hbm>>
        %dma_wait3A_71 = tpu.memref_slice %arg3[%add3A_43] : memref<640000xi32, #tpu.memory_space<hbm>> -> memref<1664xi32, #tpu.memory_space<hbm>>
        tpu.wait_dma2 semaphore(%run_scoped3A : memref<!tpu.dma_semaphore, #tpu.memory_space<semaphore_mem>>) src(%dma_wait3A_71 : memref<1664xi32, #tpu.memory_space<hbm>>) dst(%arg6 : memref<1664xi32, #tpu.memory_space<vmem>>)
        tpu.yield
      }) : () -> ()
      %mul3A_44 = arith.constant 1664 : i32
      %mul3A_45 = arith.muli %add3A_40, %mul3A_44 : i32
      %add3A_46 = arith.addi %mul3A_2, %mul3A_45 : i32
      "tpu.region"() ({
        %run_scoped3A = tpu.sem_alloc : memref<!tpu.dma_semaphore, #tpu.memory_space<semaphore_mem>>
        %dma_start3A_68 = tpu.memref_slice %arg3[%add3A_46] : memref<640000xi32, #tpu.memory_space<hbm>> -> memref<1664xi32, #tpu.memory_space<hbm>>
        %dma_start3A_69 = tpu.memref_slice %arg3[%add3A_46] : memref<640000xi32, #tpu.memory_space<hbm>> -> memref<1664xi32, #tpu.memory_space<hbm>>
        tpu.enqueue_dma source(%dma_start3A_69 : memref<1664xi32, #tpu.memory_space<hbm>>) target(%arg7 : memref<1664xi32, #tpu.memory_space<vmem>>) target_semaphore(%run_scoped3A : memref<!tpu.dma_semaphore, #tpu.memory_space<semaphore_mem>>)
        %dma_wait3A_70 = tpu.memref_slice %arg3[%add3A_46] : memref<640000xi32, #tpu.memory_space<hbm>> -> memref<1664xi32, #tpu.memory_space<hbm>>
        %dma_wait3A_71 = tpu.memref_slice %arg3[%add3A_46] : memref<640000xi32, #tpu.memory_space<hbm>> -> memref<1664xi32, #tpu.memory_space<hbm>>
        tpu.wait_dma2 semaphore(%run_scoped3A : memref<!tpu.dma_semaphore, #tpu.memory_space<semaphore_mem>>) src(%dma_wait3A_71 : memref<1664xi32, #tpu.memory_space<hbm>>) dst(%arg7 : memref<1664xi32, #tpu.memory_space<vmem>>)
        tpu.yield
      }) : () -> ()
      %dma_start3A_47 = arith.constant 0 : i32
      %dma_start3A_48 = arith.constant 0 : i32
      %dma_start3A_49 = tpu.memref_slice %arg8[%dma_start3A_47, %dma_start3A_48] : memref<128x128xf32, #tpu.memory_space<vmem>> -> memref<128x128xf32, #tpu.memory_space<vmem>>
      %dma_start3A_50 = arith.constant 0 : i32
      %dma_start3A_51 = tpu.memref_slice %arg6[%dma_start3A_50] : memref<1664xi32, #tpu.memory_space<vmem>> -> memref<128xi32, #tpu.memory_space<vmem>>
      %dma_start3A_52 = arith.constant 0 : i32
      %dma_start3A_53 = arith.constant 0 : i32
      %dma_start3A_54 = tpu.memref_slice %arg2[%dma_start3A_52, %dma_start3A_53] : memref<10000x128xf32, #tpu.memory_space<hbm>> -> memref<10000x128xf32, #tpu.memory_space<hbm>>
      tpu.enqueue_indirect_dma source(%dma_start3A_54 : memref<10000x128xf32, #tpu.memory_space<hbm>>) target(%dma_start3A_49 : memref<128x128xf32, #tpu.memory_space<vmem>>) offsets(%dma_start3A_51 : memref<128xi32, #tpu.memory_space<vmem>>) semaphore(%arg10 : memref<!tpu.dma_semaphore, #tpu.memory_space<semaphore_mem>>)
      %scan3A_55 = arith.constant 0 : i32
      %scan3A_56 = arith.constant 6 : i32
      %scan3A_57 = arith.addi %scan3A_55, %scan3A_56 : i32
      %scan3A_58 = arith.constant 1 : i32
      scf.for %scan3A_68 = %scan3A_55 to %scan3A_57 step %scan3A_58  : i32 {
        %mul3A_69 = arith.constant 1 : i32
        %mul3A_70 = arith.muli %scan3A_68, %mul3A_69 : i32
        %add3A_71 = arith.constant 0 : i32
        %add3A_72 = arith.addi %add3A_71, %mul3A_70 : i32
        %mul3A_73 = arith.constant 2 : i32
        %mul3A_74 = arith.muli %mul3A_73, %add3A_72 : i32
        %add3A_75 = arith.constant 1 : i32
        %add3A_76 = arith.addi %mul3A_74, %add3A_75 : i32
        %mul3A_77 = arith.constant 128 : i32
        %mul3A_78 = arith.muli %add3A_76, %mul3A_77 : i32
        %dma_start3A_79 = arith.constant 0 : i32
        %dma_start3A_80 = arith.constant 0 : i32
        %dma_start3A_81 = tpu.memref_slice %arg9[%dma_start3A_79, %dma_start3A_80] : memref<128x128xf32, #tpu.memory_space<vmem>> -> memref<128x128xf32, #tpu.memory_space<vmem>>
        %dma_start3A_82 = tpu.memref_slice %arg6[%mul3A_78] : memref<1664xi32, #tpu.memory_space<vmem>> -> memref<128xi32, #tpu.memory_space<vmem>>
        %dma_start3A_83 = arith.constant 0 : i32
        %dma_start3A_84 = arith.constant 0 : i32
        %dma_start3A_85 = tpu.memref_slice %arg2[%dma_start3A_83, %dma_start3A_84] : memref<10000x128xf32, #tpu.memory_space<hbm>> -> memref<10000x128xf32, #tpu.memory_space<hbm>>
        tpu.enqueue_indirect_dma source(%dma_start3A_85 : memref<10000x128xf32, #tpu.memory_space<hbm>>) target(%dma_start3A_81 : memref<128x128xf32, #tpu.memory_space<vmem>>) offsets(%dma_start3A_82 : memref<128xi32, #tpu.memory_space<vmem>>) semaphore(%arg11 : memref<!tpu.dma_semaphore, #tpu.memory_space<semaphore_mem>>)
        %mul3A_86 = arith.constant 128 : i32
        %mul3A_87 = arith.muli %mul3A_74, %mul3A_86 : i32
        %dma_wait3A_88 = arith.constant 0 : i32
        %dma_wait3A_89 = arith.constant 0 : i32
        %dma_wait3A_90 = tpu.memref_slice %arg8[%dma_wait3A_88, %dma_wait3A_89] : memref<128x128xf32, #tpu.memory_space<vmem>> -> memref<128x128xf32, #tpu.memory_space<vmem>>
        %dma_wait3A_91 = tpu.memref_slice %arg6[%mul3A_87] : memref<1664xi32, #tpu.memory_space<vmem>> -> memref<128xi32, #tpu.memory_space<vmem>>
        %dma_wait3A_92 = arith.constant 0 : i32
        %dma_wait3A_93 = arith.constant 0 : i32
        %dma_wait3A_94 = tpu.memref_slice %arg2[%dma_wait3A_92, %dma_wait3A_93] : memref<10000x128xf32, #tpu.memory_space<hbm>> -> memref<10000x128xf32, #tpu.memory_space<hbm>>
        tpu.wait_indirect_dma semaphore(%arg10 : memref<!tpu.dma_semaphore, #tpu.memory_space<semaphore_mem>>) src(%dma_wait3A_94 : memref<10000x128xf32, #tpu.memory_space<hbm>>) dst(%dma_wait3A_90 : memref<128x128xf32, #tpu.memory_space<vmem>>)
        %mul3A_95 = arith.constant 128 : i32
        %mul3A_96 = arith.muli %mul3A_74, %mul3A_95 : i32
        "tpu.region"() ({
          %run_scoped3A = tpu.sem_alloc : memref<!tpu.dma_semaphore, #tpu.memory_space<semaphore_mem>>
          %dma_start3A_123 = arith.constant 0 : i32
          %dma_start3A_124 = arith.constant 0 : i32
          %dma_start3A_125 = tpu.memref_slice %arg8[%dma_start3A_123, %dma_start3A_124] : memref<128x128xf32, #tpu.memory_space<vmem>> -> memref<128x128xf32, #tpu.memory_space<vmem>>
          %dma_start3A_126 = tpu.memref_slice %arg7[%mul3A_96] : memref<1664xi32, #tpu.memory_space<vmem>> -> memref<128xi32, #tpu.memory_space<vmem>>
          %dma_start3A_127 = arith.constant 0 : i32
          %dma_start3A_128 = arith.constant 0 : i32
          %dma_start3A_129 = tpu.memref_slice %arg12[%dma_start3A_127, %dma_start3A_128] : memref<10240x128xf32, #tpu.memory_space<vmem_shared>> -> memref<10240x128xf32, #tpu.memory_space<vmem_shared>>
          tpu.enqueue_indirect_dma source(%dma_start3A_125 : memref<128x128xf32, #tpu.memory_space<vmem>>) target(%dma_start3A_129 : memref<10240x128xf32, #tpu.memory_space<vmem_shared>>) offsets(%dma_start3A_126 : memref<128xi32, #tpu.memory_space<vmem>>) semaphore(%run_scoped3A : memref<!tpu.dma_semaphore, #tpu.memory_space<semaphore_mem>>) {add = true}
          %dma_wait3A_130 = arith.constant 0 : i32
          %dma_wait3A_131 = arith.constant 0 : i32
          %dma_wait3A_132 = tpu.memref_slice %arg8[%dma_wait3A_130, %dma_wait3A_131] : memref<128x128xf32, #tpu.memory_space<vmem>> -> memref<128x128xf32, #tpu.memory_space<vmem>>
          %dma_wait3A_133 = tpu.memref_slice %arg7[%mul3A_96] : memref<1664xi32, #tpu.memory_space<vmem>> -> memref<128xi32, #tpu.memory_space<vmem>>
          %dma_wait3A_134 = arith.constant 0 : i32
          %dma_wait3A_135 = arith.constant 0 : i32
          %dma_wait3A_136 = tpu.memref_slice %arg12[%dma_wait3A_134, %dma_wait3A_135] : memref<10240x128xf32, #tpu.memory_space<vmem_shared>> -> memref<10240x128xf32, #tpu.memory_space<vmem_shared>>
          tpu.wait_indirect_dma semaphore(%run_scoped3A : memref<!tpu.dma_semaphore, #tpu.memory_space<semaphore_mem>>) src(%dma_wait3A_132 : memref<128x128xf32, #tpu.memory_space<vmem>>) dst(%dma_wait3A_136 : memref<10240x128xf32, #tpu.memory_space<vmem_shared>>)
          tpu.yield
        }) : () -> ()
        %add3A_97 = arith.constant 2 : i32
        %add3A_98 = arith.addi %mul3A_74, %add3A_97 : i32
        %mul3A_99 = arith.constant 128 : i32
        %mul3A_100 = arith.muli %add3A_98, %mul3A_99 : i32
        %dma_start3A_101 = arith.constant 0 : i32
        %dma_start3A_102 = arith.constant 0 : i32
        %dma_start3A_103 = tpu.memref_slice %arg8[%dma_start3A_101, %dma_start3A_102] : memref<128x128xf32, #tpu.memory_space<vmem>> -> memref<128x128xf32, #tpu.memory_space<vmem>>
        %dma_start3A_104 = tpu.memref_slice %arg6[%mul3A_100] : memref<1664xi32, #tpu.memory_space<vmem>> -> memref<128xi32, #tpu.memory_space<vmem>>
        %dma_start3A_105 = arith.constant 0 : i32
        %dma_start3A_106 = arith.constant 0 : i32
        %dma_start3A_107 = tpu.memref_slice %arg2[%dma_start3A_105, %dma_start3A_106] : memref<10000x128xf32, #tpu.memory_space<hbm>> -> memref<10000x128xf32, #tpu.memory_space<hbm>>
        tpu.enqueue_indirect_dma source(%dma_start3A_107 : memref<10000x128xf32, #tpu.memory_space<hbm>>) target(%dma_start3A_103 : memref<128x128xf32, #tpu.memory_space<vmem>>) offsets(%dma_start3A_104 : memref<128xi32, #tpu.memory_space<vmem>>) semaphore(%arg10 : memref<!tpu.dma_semaphore, #tpu.memory_space<semaphore_mem>>)
        %add3A_108 = arith.constant 1 : i32
        %add3A_109 = arith.addi %mul3A_74, %add3A_108 : i32
        %mul3A_110 = arith.constant 128 : i32
        %mul3A_111 = arith.muli %add3A_109, %mul3A_110 : i32
        %dma_wait3A_112 = arith.constant 0 : i32
        %dma_wait3A_113 = arith.constant 0 : i32
        %dma_wait3A_114 = tpu.memref_slice %arg9[%dma_wait3A_112, %dma_wait3A_113] : memref<128x128xf32, #tpu.memory_space<vmem>> -> memref<128x128xf32, #tpu.memory_space<vmem>>
        %dma_wait3A_115 = tpu.memref_slice %arg6[%mul3A_111] : memref<1664xi32, #tpu.memory_space<vmem>> -> memref<128xi32, #tpu.memory_space<vmem>>
        %dma_wait3A_116 = arith.constant 0 : i32
        %dma_wait3A_117 = arith.constant 0 : i32
        %dma_wait3A_118 = tpu.memref_slice %arg2[%dma_wait3A_116, %dma_wait3A_117] : memref<10000x128xf32, #tpu.memory_space<hbm>> -> memref<10000x128xf32, #tpu.memory_space<hbm>>
        tpu.wait_indirect_dma semaphore(%arg11 : memref<!tpu.dma_semaphore, #tpu.memory_space<semaphore_mem>>) src(%dma_wait3A_118 : memref<10000x128xf32, #tpu.memory_space<hbm>>) dst(%dma_wait3A_114 : memref<128x128xf32, #tpu.memory_space<vmem>>)
        %add3A_119 = arith.constant 1 : i32
        %add3A_120 = arith.addi %mul3A_74, %add3A_119 : i32
        %mul3A_121 = arith.constant 128 : i32
        %mul3A_122 = arith.muli %add3A_120, %mul3A_121 : i32
        "tpu.region"() ({
          %run_scoped3A = tpu.sem_alloc : memref<!tpu.dma_semaphore, #tpu.memory_space<semaphore_mem>>
          %dma_start3A_123 = arith.constant 0 : i32
          %dma_start3A_124 = arith.constant 0 : i32
          %dma_start3A_125 = tpu.memref_slice %arg9[%dma_start3A_123, %dma_start3A_124] : memref<128x128xf32, #tpu.memory_space<vmem>> -> memref<128x128xf32, #tpu.memory_space<vmem>>
          %dma_start3A_126 = tpu.memref_slice %arg7[%mul3A_122] : memref<1664xi32, #tpu.memory_space<vmem>> -> memref<128xi32, #tpu.memory_space<vmem>>
          %dma_start3A_127 = arith.constant 0 : i32
          %dma_start3A_128 = arith.constant 0 : i32
          %dma_start3A_129 = tpu.memref_slice %arg12[%dma_start3A_127, %dma_start3A_128] : memref<10240x128xf32, #tpu.memory_space<vmem_shared>> -> memref<10240x128xf32, #tpu.memory_space<vmem_shared>>
          tpu.enqueue_indirect_dma source(%dma_start3A_125 : memref<128x128xf32, #tpu.memory_space<vmem>>) target(%dma_start3A_129 : memref<10240x128xf32, #tpu.memory_space<vmem_shared>>) offsets(%dma_start3A_126 : memref<128xi32, #tpu.memory_space<vmem>>) semaphore(%run_scoped3A : memref<!tpu.dma_semaphore, #tpu.memory_space<semaphore_mem>>) {add = true}
          %dma_wait3A_130 = arith.constant 0 : i32
          %dma_wait3A_131 = arith.constant 0 : i32
          %dma_wait3A_132 = tpu.memref_slice %arg9[%dma_wait3A_130, %dma_wait3A_131] : memref<128x128xf32, #tpu.memory_space<vmem>> -> memref<128x128xf32, #tpu.memory_space<vmem>>
          %dma_wait3A_133 = tpu.memref_slice %arg7[%mul3A_122] : memref<1664xi32, #tpu.memory_space<vmem>> -> memref<128xi32, #tpu.memory_space<vmem>>
          %dma_wait3A_134 = arith.constant 0 : i32
          %dma_wait3A_135 = arith.constant 0 : i32
          %dma_wait3A_136 = tpu.memref_slice %arg12[%dma_wait3A_134, %dma_wait3A_135] : memref<10240x128xf32, #tpu.memory_space<vmem_shared>> -> memref<10240x128xf32, #tpu.memory_space<vmem_shared>>
          tpu.wait_indirect_dma semaphore(%run_scoped3A : memref<!tpu.dma_semaphore, #tpu.memory_space<semaphore_mem>>) src(%dma_wait3A_132 : memref<128x128xf32, #tpu.memory_space<vmem>>) dst(%dma_wait3A_136 : memref<10240x128xf32, #tpu.memory_space<vmem_shared>>)
          tpu.yield
        }) : () -> ()
      }
      %scan3A_59 = arith.constant 6 : i32
      %dma_wait3A_60 = arith.constant 0 : i32
      %dma_wait3A_61 = arith.constant 0 : i32
      %dma_wait3A_62 = tpu.memref_slice %arg8[%dma_wait3A_60, %dma_wait3A_61] : memref<128x128xf32, #tpu.memory_space<vmem>> -> memref<128x128xf32, #tpu.memory_space<vmem>>
      %dma_wait3A_63 = arith.constant 1536 : i32
      %dma_wait3A_64 = tpu.memref_slice %arg6[%dma_wait3A_63] : memref<1664xi32, #tpu.memory_space<vmem>> -> memref<128xi32, #tpu.memory_space<vmem>>
      %dma_wait3A_65 = arith.constant 0 : i32
      %dma_wait3A_66 = arith.constant 0 : i32
      %dma_wait3A_67 = tpu.memref_slice %arg2[%dma_wait3A_65, %dma_wait3A_66] : memref<10000x128xf32, #tpu.memory_space<hbm>> -> memref<10000x128xf32, #tpu.memory_space<hbm>>
      tpu.wait_indirect_dma semaphore(%arg10 : memref<!tpu.dma_semaphore, #tpu.memory_space<semaphore_mem>>) src(%dma_wait3A_67 : memref<10000x128xf32, #tpu.memory_space<hbm>>) dst(%dma_wait3A_62 : memref<128x128xf32, #tpu.memory_space<vmem>>)
      "tpu.region"() ({
        %run_scoped3A = tpu.sem_alloc : memref<!tpu.dma_semaphore, #tpu.memory_space<semaphore_mem>>
        %dma_start3A_68 = arith.constant 0 : i32
        %dma_start3A_69 = arith.constant 0 : i32
        %dma_start3A_70 = tpu.memref_slice %arg8[%dma_start3A_68, %dma_start3A_69] : memref<128x128xf32, #tpu.memory_space<vmem>> -> memref<128x128xf32, #tpu.memory_space<vmem>>
        %dma_start3A_71 = arith.constant 1536 : i32
        %dma_start3A_72 = tpu.memref_slice %arg7[%dma_start3A_71] : memref<1664xi32, #tpu.memory_space<vmem>> -> memref<128xi32, #tpu.memory_space<vmem>>
        %dma_start3A_73 = arith.constant 0 : i32
        %dma_start3A_74 = arith.constant 0 : i32
        %dma_start3A_75 = tpu.memref_slice %arg12[%dma_start3A_73, %dma_start3A_74] : memref<10240x128xf32, #tpu.memory_space<vmem_shared>> -> memref<10240x128xf32, #tpu.memory_space<vmem_shared>>
        tpu.enqueue_indirect_dma source(%dma_start3A_70 : memref<128x128xf32, #tpu.memory_space<vmem>>) target(%dma_start3A_75 : memref<10240x128xf32, #tpu.memory_space<vmem_shared>>) offsets(%dma_start3A_72 : memref<128xi32, #tpu.memory_space<vmem>>) semaphore(%run_scoped3A : memref<!tpu.dma_semaphore, #tpu.memory_space<semaphore_mem>>) {add = true}
        %dma_wait3A_76 = arith.constant 0 : i32
        %dma_wait3A_77 = arith.constant 0 : i32
        %dma_wait3A_78 = tpu.memref_slice %arg8[%dma_wait3A_76, %dma_wait3A_77] : memref<128x128xf32, #tpu.memory_space<vmem>> -> memref<128x128xf32, #tpu.memory_space<vmem>>
        %dma_wait3A_79 = arith.constant 1536 : i32
        %dma_wait3A_80 = tpu.memref_slice %arg7[%dma_wait3A_79] : memref<1664xi32, #tpu.memory_space<vmem>> -> memref<128xi32, #tpu.memory_space<vmem>>
        %dma_wait3A_81 = arith.constant 0 : i32
        %dma_wait3A_82 = arith.constant 0 : i32
        %dma_wait3A_83 = tpu.memref_slice %arg12[%dma_wait3A_81, %dma_wait3A_82] : memref<10240x128xf32, #tpu.memory_space<vmem_shared>> -> memref<10240x128xf32, #tpu.memory_space<vmem_shared>>
        tpu.wait_indirect_dma semaphore(%run_scoped3A : memref<!tpu.dma_semaphore, #tpu.memory_space<semaphore_mem>>) src(%dma_wait3A_78 : memref<128x128xf32, #tpu.memory_space<vmem>>) dst(%dma_wait3A_83 : memref<10240x128xf32, #tpu.memory_space<vmem_shared>>)
        tpu.yield
      }) : () -> ()
    }
    %scan3A_12 = arith.constant 6 : i32
    %add3A_13 = arith.constant 9984 : i32
    %add3A_14 = arith.addi %add3A_6, %add3A_13 : i32
    "tpu.region"() ({
      %run_scoped3A = tpu.sem_alloc : memref<!tpu.dma_semaphore, #tpu.memory_space<semaphore_mem>>
      %dma_start3A_36 = arith.constant 0 : i32
      %dma_start3A_37 = tpu.memref_slice %arg6[%dma_start3A_36] : memref<1664xi32, #tpu.memory_space<vmem>> -> memref<16xi32, #tpu.memory_space<vmem>>
      %dma_start3A_38 = tpu.memref_slice %arg3[%add3A_14] : memref<640000xi32, #tpu.memory_space<hbm>> -> memref<16xi32, #tpu.memory_space<hbm>>
      %dma_start3A_39 = arith.constant 0 : i32
      %dma_start3A_40 = tpu.memref_slice %arg6[%dma_start3A_39] : memref<1664xi32, #tpu.memory_space<vmem>> -> memref<16xi32, #tpu.memory_space<vmem>>
      %dma_start3A_41 = tpu.memref_slice %arg3[%add3A_14] : memref<640000xi32, #tpu.memory_space<hbm>> -> memref<16xi32, #tpu.memory_space<hbm>>
      tpu.enqueue_dma source(%dma_start3A_41 : memref<16xi32, #tpu.memory_space<hbm>>) target(%dma_start3A_40 : memref<16xi32, #tpu.memory_space<vmem>>) target_semaphore(%run_scoped3A : memref<!tpu.dma_semaphore, #tpu.memory_space<semaphore_mem>>)
      %dma_wait3A_42 = arith.constant 0 : i32
      %dma_wait3A_43 = tpu.memref_slice %arg6[%dma_wait3A_42] : memref<1664xi32, #tpu.memory_space<vmem>> -> memref<16xi32, #tpu.memory_space<vmem>>
      %dma_wait3A_44 = tpu.memref_slice %arg3[%add3A_14] : memref<640000xi32, #tpu.memory_space<hbm>> -> memref<16xi32, #tpu.memory_space<hbm>>
      %dma_wait3A_45 = arith.constant 0 : i32
      %dma_wait3A_46 = tpu.memref_slice %arg6[%dma_wait3A_45] : memref<1664xi32, #tpu.memory_space<vmem>> -> memref<16xi32, #tpu.memory_space<vmem>>
      %dma_wait3A_47 = tpu.memref_slice %arg3[%add3A_14] : memref<640000xi32, #tpu.memory_space<hbm>> -> memref<16xi32, #tpu.memory_space<hbm>>
      tpu.wait_dma2 semaphore(%run_scoped3A : memref<!tpu.dma_semaphore, #tpu.memory_space<semaphore_mem>>) src(%dma_wait3A_47 : memref<16xi32, #tpu.memory_space<hbm>>) dst(%dma_wait3A_46 : memref<16xi32, #tpu.memory_space<vmem>>)
      tpu.yield
    }) : () -> ()
    %add3A_15 = arith.constant 9984 : i32
    %add3A_16 = arith.addi %mul3A_2, %add3A_15 : i32
    "tpu.region"() ({
      %run_scoped3A = tpu.sem_alloc : memref<!tpu.dma_semaphore, #tpu.memory_space<semaphore_mem>>
      %dma_start3A_36 = arith.constant 0 : i32
      %dma_start3A_37 = tpu.memref_slice %arg7[%dma_start3A_36] : memref<1664xi32, #tpu.memory_space<vmem>> -> memref<16xi32, #tpu.memory_space<vmem>>
      %dma_start3A_38 = tpu.memref_slice %arg3[%add3A_16] : memref<640000xi32, #tpu.memory_space<hbm>> -> memref<16xi32, #tpu.memory_space<hbm>>
      %dma_start3A_39 = arith.constant 0 : i32
      %dma_start3A_40 = tpu.memref_slice %arg7[%dma_start3A_39] : memref<1664xi32, #tpu.memory_space<vmem>> -> memref<16xi32, #tpu.memory_space<vmem>>
      %dma_start3A_41 = tpu.memref_slice %arg3[%add3A_16] : memref<640000xi32, #tpu.memory_space<hbm>> -> memref<16xi32, #tpu.memory_space<hbm>>
      tpu.enqueue_dma source(%dma_start3A_41 : memref<16xi32, #tpu.memory_space<hbm>>) target(%dma_start3A_40 : memref<16xi32, #tpu.memory_space<vmem>>) target_semaphore(%run_scoped3A : memref<!tpu.dma_semaphore, #tpu.memory_space<semaphore_mem>>)
      %dma_wait3A_42 = arith.constant 0 : i32
      %dma_wait3A_43 = tpu.memref_slice %arg7[%dma_wait3A_42] : memref<1664xi32, #tpu.memory_space<vmem>> -> memref<16xi32, #tpu.memory_space<vmem>>
      %dma_wait3A_44 = tpu.memref_slice %arg3[%add3A_16] : memref<640000xi32, #tpu.memory_space<hbm>> -> memref<16xi32, #tpu.memory_space<hbm>>
      %dma_wait3A_45 = arith.constant 0 : i32
      %dma_wait3A_46 = tpu.memref_slice %arg7[%dma_wait3A_45] : memref<1664xi32, #tpu.memory_space<vmem>> -> memref<16xi32, #tpu.memory_space<vmem>>
      %dma_wait3A_47 = tpu.memref_slice %arg3[%add3A_16] : memref<640000xi32, #tpu.memory_space<hbm>> -> memref<16xi32, #tpu.memory_space<hbm>>
      tpu.wait_dma2 semaphore(%run_scoped3A : memref<!tpu.dma_semaphore, #tpu.memory_space<semaphore_mem>>) src(%dma_wait3A_47 : memref<16xi32, #tpu.memory_space<hbm>>) dst(%dma_wait3A_46 : memref<16xi32, #tpu.memory_space<vmem>>)
      tpu.yield
    }) : () -> ()
    %dma_start3A = arith.constant 0 : i32
    %dma_start3A_17 = arith.constant 0 : i32
    %dma_start3A_18 = tpu.memref_slice %arg8[%dma_start3A, %dma_start3A_17] : memref<128x128xf32, #tpu.memory_space<vmem>> -> memref<16x128xf32, #tpu.memory_space<vmem>>
    %dma_start3A_19 = arith.constant 0 : i32
    %dma_start3A_20 = tpu.memref_slice %arg6[%dma_start3A_19] : memref<1664xi32, #tpu.memory_space<vmem>> -> memref<16xi32, #tpu.memory_space<vmem>>
    %dma_start3A_21 = arith.constant 0 : i32
    %dma_start3A_22 = arith.constant 0 : i32
    %dma_start3A_23 = tpu.memref_slice %arg2[%dma_start3A_21, %dma_start3A_22] : memref<10000x128xf32, #tpu.memory_space<hbm>> -> memref<10000x128xf32, #tpu.memory_space<hbm>>
    tpu.enqueue_indirect_dma source(%dma_start3A_23 : memref<10000x128xf32, #tpu.memory_space<hbm>>) target(%dma_start3A_18 : memref<16x128xf32, #tpu.memory_space<vmem>>) offsets(%dma_start3A_20 : memref<16xi32, #tpu.memory_space<vmem>>) semaphore(%arg10 : memref<!tpu.dma_semaphore, #tpu.memory_space<semaphore_mem>>)
    %dma_wait3A = arith.constant 0 : i32
    %dma_wait3A_24 = arith.constant 0 : i32
    %dma_wait3A_25 = tpu.memref_slice %arg8[%dma_wait3A, %dma_wait3A_24] : memref<128x128xf32, #tpu.memory_space<vmem>> -> memref<16x128xf32, #tpu.memory_space<vmem>>
    %dma_wait3A_26 = arith.constant 0 : i32
    %dma_wait3A_27 = tpu.memref_slice %arg6[%dma_wait3A_26] : memref<1664xi32, #tpu.memory_space<vmem>> -> memref<16xi32, #tpu.memory_space<vmem>>
    %dma_wait3A_28 = arith.constant 0 : i32
    %dma_wait3A_29 = arith.constant 0 : i32
    %dma_wait3A_30 = tpu.memref_slice %arg2[%dma_wait3A_28, %dma_wait3A_29] : memref<10000x128xf32, #tpu.memory_space<hbm>> -> memref<10000x128xf32, #tpu.memory_space<hbm>>
    tpu.wait_indirect_dma semaphore(%arg10 : memref<!tpu.dma_semaphore, #tpu.memory_space<semaphore_mem>>) src(%dma_wait3A_30 : memref<10000x128xf32, #tpu.memory_space<hbm>>) dst(%dma_wait3A_25 : memref<16x128xf32, #tpu.memory_space<vmem>>)
    "tpu.region"() ({
      %run_scoped3A = tpu.sem_alloc : memref<!tpu.dma_semaphore, #tpu.memory_space<semaphore_mem>>
      %dma_start3A_36 = arith.constant 0 : i32
      %dma_start3A_37 = arith.constant 0 : i32
      %dma_start3A_38 = tpu.memref_slice %arg8[%dma_start3A_36, %dma_start3A_37] : memref<128x128xf32, #tpu.memory_space<vmem>> -> memref<16x128xf32, #tpu.memory_space<vmem>>
      %dma_start3A_39 = arith.constant 0 : i32
      %dma_start3A_40 = tpu.memref_slice %arg7[%dma_start3A_39] : memref<1664xi32, #tpu.memory_space<vmem>> -> memref<16xi32, #tpu.memory_space<vmem>>
      %dma_start3A_41 = arith.constant 0 : i32
      %dma_start3A_42 = arith.constant 0 : i32
      %dma_start3A_43 = tpu.memref_slice %arg12[%dma_start3A_41, %dma_start3A_42] : memref<10240x128xf32, #tpu.memory_space<vmem_shared>> -> memref<10240x128xf32, #tpu.memory_space<vmem_shared>>
      tpu.enqueue_indirect_dma source(%dma_start3A_38 : memref<16x128xf32, #tpu.memory_space<vmem>>) target(%dma_start3A_43 : memref<10240x128xf32, #tpu.memory_space<vmem_shared>>) offsets(%dma_start3A_40 : memref<16xi32, #tpu.memory_space<vmem>>) semaphore(%run_scoped3A : memref<!tpu.dma_semaphore, #tpu.memory_space<semaphore_mem>>) {add = true}
      %dma_wait3A_44 = arith.constant 0 : i32
      %dma_wait3A_45 = arith.constant 0 : i32
      %dma_wait3A_46 = tpu.memref_slice %arg8[%dma_wait3A_44, %dma_wait3A_45] : memref<128x128xf32, #tpu.memory_space<vmem>> -> memref<16x128xf32, #tpu.memory_space<vmem>>
      %dma_wait3A_47 = arith.constant 0 : i32
      %dma_wait3A_48 = tpu.memref_slice %arg7[%dma_wait3A_47] : memref<1664xi32, #tpu.memory_space<vmem>> -> memref<16xi32, #tpu.memory_space<vmem>>
      %dma_wait3A_49 = arith.constant 0 : i32
      %dma_wait3A_50 = arith.constant 0 : i32
      %dma_wait3A_51 = tpu.memref_slice %arg12[%dma_wait3A_49, %dma_wait3A_50] : memref<10240x128xf32, #tpu.memory_space<vmem_shared>> -> memref<10240x128xf32, #tpu.memory_space<vmem_shared>>
      tpu.wait_indirect_dma semaphore(%run_scoped3A : memref<!tpu.dma_semaphore, #tpu.memory_space<semaphore_mem>>) src(%dma_wait3A_46 : memref<16x128xf32, #tpu.memory_space<vmem>>) dst(%dma_wait3A_51 : memref<10240x128xf32, #tpu.memory_space<vmem_shared>>)
      tpu.yield
    }) : () -> ()
    %barrier3A_31 = arith.constant 0 : index
    tpu.barrier barrier_id(%barrier3A_31)
    %mul3A_32 = arith.constant 640 : i32
    %mul3A_33 = arith.muli %arg1, %mul3A_32 : i32
    %mul3A_34 = arith.constant 640 : i32
    %mul3A_35 = arith.muli %arg1, %mul3A_34 : i32
    "tpu.region"() ({
      %run_scoped3A = tpu.sem_alloc : memref<!tpu.dma_semaphore, #tpu.memory_space<semaphore_mem>>
      %dma_start3A_36 = arith.constant 0 : i32
      %dma_start3A_37 = tpu.memref_slice %arg5[%arg0, %mul3A_35, %dma_start3A_36] : memref<2x10240x128xf32, #tpu.memory_space<hbm>> -> memref<1x640x128xf32, #tpu.memory_space<hbm>>
      %dma_start3A_38 = tpu.memref_squeeze %dma_start3A_37 : memref<1x640x128xf32, #tpu.memory_space<hbm>> -> memref<640x128xf32, #tpu.memory_space<hbm>>
      %dma_start3A_39 = arith.constant 0 : i32
      %dma_start3A_40 = tpu.memref_slice %arg12[%mul3A_33, %dma_start3A_39] : memref<10240x128xf32, #tpu.memory_space<vmem_shared>> -> memref<640x128xf32, #tpu.memory_space<vmem_shared>>
      tpu.enqueue_dma source(%dma_start3A_40 : memref<640x128xf32, #tpu.memory_space<vmem_shared>>) target(%dma_start3A_38 : memref<640x128xf32, #tpu.memory_space<hbm>>) target_semaphore(%run_scoped3A : memref<!tpu.dma_semaphore, #tpu.memory_space<semaphore_mem>>)
      %dma_wait3A_41 = arith.constant 0 : i32
      %dma_wait3A_42 = tpu.memref_slice %arg5[%arg0, %mul3A_35, %dma_wait3A_41] : memref<2x10240x128xf32, #tpu.memory_space<hbm>> -> memref<1x640x128xf32, #tpu.memory_space<hbm>>
      %dma_wait3A_43 = tpu.memref_squeeze %dma_wait3A_42 : memref<1x640x128xf32, #tpu.memory_space<hbm>> -> memref<640x128xf32, #tpu.memory_space<hbm>>
      %dma_wait3A_44 = arith.constant 0 : i32
      %dma_wait3A_45 = tpu.memref_slice %arg12[%mul3A_33, %dma_wait3A_44] : memref<10240x128xf32, #tpu.memory_space<vmem_shared>> -> memref<640x128xf32, #tpu.memory_space<vmem_shared>>
      tpu.wait_dma2 semaphore(%run_scoped3A : memref<!tpu.dma_semaphore, #tpu.memory_space<semaphore_mem>>) src(%dma_wait3A_45 : memref<640x128xf32, #tpu.memory_space<vmem_shared>>) dst(%dma_wait3A_43 : memref<640x128xf32, #tpu.memory_space<hbm>>)
      tpu.yield
    }) : () -> ()
    return
  }
}

#map = affine_map<(d0, d1) -> (0, 0)>
#map1 = affine_map<(d0, d1) -> (0)>
#map2 = affine_map<(d0, d1) -> (0, 0, 0)>
module attributes {stable_mosaic.version = 14 : i64} {
  func.func @_agg_kernel(%arg0: i32, %arg1: i32, %arg2: memref<10000x128xf32, #tpu.memory_space<hbm>>, %arg3: memref<640000xi32, #tpu.memory_space<hbm>>, %arg4: memref<640x128xf32, #tpu.memory_space<hbm>>, %arg5: memref<2x10240x128xf32, #tpu.memory_space<hbm>>, %arg6: memref<1664xi32, #tpu.memory_space<vmem>>, %arg7: memref<1664xi32, #tpu.memory_space<vmem>>, %arg8: memref<128x128xf32, #tpu.memory_space<vmem>>, %arg9: memref<128x128xf32, #tpu.memory_space<vmem>>, %arg10: memref<!tpu.dma_semaphore, #tpu.memory_space<semaphore_mem>>, %arg11: memref<!tpu.dma_semaphore, #tpu.memory_space<semaphore_mem>>, %arg12: memref<10240x128xf32, #tpu.memory_space<vmem_shared>>) attributes {dimension_semantics = [#tpu.dimension_semantics<core_parallel>, #tpu.dimension_semantics<subcore_parallel>], iteration_bounds = array<i64: 2, 16>, scalar_prefetch = 0 : i64, scratch_operands = 7 : i64, tpu.core_type = #tpu.core_type<sc_vector_subcore>, window_params = [{transform_indices = #map}, {transform_indices = #map1}, {transform_indices = #map}, {transform_indices = #map2}]} {
    %mul3A = arith.constant 2 : i32
    %mul3A_0 = arith.muli %arg1, %mul3A : i32
    %add3A = arith.addi %mul3A_0, %arg0 : i32
    %mul3A_1 = arith.constant 10000 : i32
    %mul3A_2 = arith.muli %add3A, %mul3A_1 : i32
    %mul3A_3 = arith.constant 10000 : i32
    %mul3A_4 = arith.muli %add3A, %mul3A_3 : i32
    %add3A_5 = arith.constant 320000 : i32
    %add3A_6 = arith.addi %add3A_5, %mul3A_4 : i32
    %mul3A_7 = arith.constant 640 : i32
    %mul3A_8 = arith.muli %arg1, %mul3A_7 : i32
    "tpu.region"() ({
      %run_scoped3A = tpu.sem_alloc : memref<!tpu.dma_semaphore, #tpu.memory_space<semaphore_mem>>
      %dma_start3A_36 = arith.constant 0 : i32
      %dma_start3A_37 = tpu.memref_slice %arg12[%mul3A_8, %dma_start3A_36] : memref<10240x128xf32, #tpu.memory_space<vmem_shared>> -> memref<640x128xf32, #tpu.memory_space<vmem_shared>>
      tpu.enqueue_dma source(%arg4 : memref<640x128xf32, #tpu.memory_space<hbm>>) target(%dma_start3A_37 : memref<640x128xf32, #tpu.memory_space<vmem_shared>>) target_semaphore(%run_scoped3A : memref<!tpu.dma_semaphore, #tpu.memory_space<semaphore_mem>>)
      %dma_wait3A_38 = arith.constant 0 : i32
      %dma_wait3A_39 = tpu.memref_slice %arg12[%mul3A_8, %dma_wait3A_38] : memref<10240x128xf32, #tpu.memory_space<vmem_shared>> -> memref<640x128xf32, #tpu.memory_space<vmem_shared>>
      tpu.wait_dma2 semaphore(%run_scoped3A : memref<!tpu.dma_semaphore, #tpu.memory_space<semaphore_mem>>) src(%arg4 : memref<640x128xf32, #tpu.memory_space<hbm>>) dst(%dma_wait3A_39 : memref<640x128xf32, #tpu.memory_space<vmem_shared>>)
      tpu.yield
    }) : () -> ()
    %barrier3A = arith.constant 0 : index
    tpu.barrier barrier_id(%barrier3A)
    %scan3A = arith.constant 0 : i32
    %scan3A_9 = arith.constant 6 : i32
    %scan3A_10 = arith.addi %scan3A, %scan3A_9 : i32
    %scan3A_11 = arith.constant 1 : i32
    scf.for %scan3A_36 = %scan3A to %scan3A_10 step %scan3A_11  : i32 {
      %mul3A_37 = arith.constant 1 : i32
      %mul3A_38 = arith.muli %scan3A_36, %mul3A_37 : i32
      %add3A_39 = arith.constant 0 : i32
      %add3A_40 = arith.addi %add3A_39, %mul3A_38 : i32
      %mul3A_41 = arith.constant 1664 : i32
      %mul3A_42 = arith.muli %add3A_40, %mul3A_41 : i32
      %add3A_43 = arith.addi %add3A_6, %mul3A_42 : i32
      "tpu.region"() ({
        %run_scoped3A = tpu.sem_alloc : memref<!tpu.dma_semaphore, #tpu.memory_space<semaphore_mem>>
        %dma_start3A_68 = tpu.memref_slice %arg3[%add3A_43] : memref<640000xi32, #tpu.memory_space<hbm>> -> memref<1664xi32, #tpu.memory_space<hbm>>
        %dma_start3A_69 = tpu.memref_slice %arg3[%add3A_43] : memref<640000xi32, #tpu.memory_space<hbm>> -> memref<1664xi32, #tpu.memory_space<hbm>>
        tpu.enqueue_dma source(%dma_start3A_69 : memref<1664xi32, #tpu.memory_space<hbm>>) target(%arg6 : memref<1664xi32, #tpu.memory_space<vmem>>) target_semaphore(%run_scoped3A : memref<!tpu.dma_semaphore, #tpu.memory_space<semaphore_mem>>)
        %dma_wait3A_70 = tpu.memref_slice %arg3[%add3A_43] : memref<640000xi32, #tpu.memory_space<hbm>> -> memref<1664xi32, #tpu.memory_space<hbm>>
        %dma_wait3A_71 = tpu.memref_slice %arg3[%add3A_43] : memref<640000xi32, #tpu.memory_space<hbm>> -> memref<1664xi32, #tpu.memory_space<hbm>>
        tpu.wait_dma2 semaphore(%run_scoped3A : memref<!tpu.dma_semaphore, #tpu.memory_space<semaphore_mem>>) src(%dma_wait3A_71 : memref<1664xi32, #tpu.memory_space<hbm>>) dst(%arg6 : memref<1664xi32, #tpu.memory_space<vmem>>)
        tpu.yield
      }) : () -> ()
      %mul3A_44 = arith.constant 1664 : i32
      %mul3A_45 = arith.muli %add3A_40, %mul3A_44 : i32
      %add3A_46 = arith.addi %mul3A_2, %mul3A_45 : i32
      "tpu.region"() ({
        %run_scoped3A = tpu.sem_alloc : memref<!tpu.dma_semaphore, #tpu.memory_space<semaphore_mem>>
        %dma_start3A_68 = tpu.memref_slice %arg3[%add3A_46] : memref<640000xi32, #tpu.memory_space<hbm>> -> memref<1664xi32, #tpu.memory_space<hbm>>
        %dma_start3A_69 = tpu.memref_slice %arg3[%add3A_46] : memref<640000xi32, #tpu.memory_space<hbm>> -> memref<1664xi32, #tpu.memory_space<hbm>>
        tpu.enqueue_dma source(%dma_start3A_69 : memref<1664xi32, #tpu.memory_space<hbm>>) target(%arg7 : memref<1664xi32, #tpu.memory_space<vmem>>) target_semaphore(%run_scoped3A : memref<!tpu.dma_semaphore, #tpu.memory_space<semaphore_mem>>)
        %dma_wait3A_70 = tpu.memref_slice %arg3[%add3A_46] : memref<640000xi32, #tpu.memory_space<hbm>> -> memref<1664xi32, #tpu.memory_space<hbm>>
        %dma_wait3A_71 = tpu.memref_slice %arg3[%add3A_46] : memref<640000xi32, #tpu.memory_space<hbm>> -> memref<1664xi32, #tpu.memory_space<hbm>>
        tpu.wait_dma2 semaphore(%run_scoped3A : memref<!tpu.dma_semaphore, #tpu.memory_space<semaphore_mem>>) src(%dma_wait3A_71 : memref<1664xi32, #tpu.memory_space<hbm>>) dst(%arg7 : memref<1664xi32, #tpu.memory_space<vmem>>)
        tpu.yield
      }) : () -> ()
      %dma_start3A_47 = arith.constant 0 : i32
      %dma_start3A_48 = arith.constant 0 : i32
      %dma_start3A_49 = tpu.memref_slice %arg8[%dma_start3A_47, %dma_start3A_48] : memref<128x128xf32, #tpu.memory_space<vmem>> -> memref<128x128xf32, #tpu.memory_space<vmem>>
      %dma_start3A_50 = arith.constant 0 : i32
      %dma_start3A_51 = tpu.memref_slice %arg6[%dma_start3A_50] : memref<1664xi32, #tpu.memory_space<vmem>> -> memref<128xi32, #tpu.memory_space<vmem>>
      %dma_start3A_52 = arith.constant 0 : i32
      %dma_start3A_53 = arith.constant 0 : i32
      %dma_start3A_54 = tpu.memref_slice %arg2[%dma_start3A_52, %dma_start3A_53] : memref<10000x128xf32, #tpu.memory_space<hbm>> -> memref<10000x128xf32, #tpu.memory_space<hbm>>
      tpu.enqueue_indirect_dma source(%dma_start3A_54 : memref<10000x128xf32, #tpu.memory_space<hbm>>) target(%dma_start3A_49 : memref<128x128xf32, #tpu.memory_space<vmem>>) offsets(%dma_start3A_51 : memref<128xi32, #tpu.memory_space<vmem>>) semaphore(%arg10 : memref<!tpu.dma_semaphore, #tpu.memory_space<semaphore_mem>>)
      %scan3A_55 = arith.constant 0 : i32
      %scan3A_56 = arith.constant 6 : i32
      %scan3A_57 = arith.addi %scan3A_55, %scan3A_56 : i32
      %scan3A_58 = arith.constant 1 : i32
      scf.for %scan3A_68 = %scan3A_55 to %scan3A_57 step %scan3A_58  : i32 {
        %mul3A_69 = arith.constant 1 : i32
        %mul3A_70 = arith.muli %scan3A_68, %mul3A_69 : i32
        %add3A_71 = arith.constant 0 : i32
        %add3A_72 = arith.addi %add3A_71, %mul3A_70 : i32
        %mul3A_73 = arith.constant 2 : i32
        %mul3A_74 = arith.muli %mul3A_73, %add3A_72 : i32
        %add3A_75 = arith.constant 1 : i32
        %add3A_76 = arith.addi %mul3A_74, %add3A_75 : i32
        %mul3A_77 = arith.constant 128 : i32
        %mul3A_78 = arith.muli %add3A_76, %mul3A_77 : i32
        %dma_start3A_79 = arith.constant 0 : i32
        %dma_start3A_80 = arith.constant 0 : i32
        %dma_start3A_81 = tpu.memref_slice %arg9[%dma_start3A_79, %dma_start3A_80] : memref<128x128xf32, #tpu.memory_space<vmem>> -> memref<128x128xf32, #tpu.memory_space<vmem>>
        %dma_start3A_82 = tpu.memref_slice %arg6[%mul3A_78] : memref<1664xi32, #tpu.memory_space<vmem>> -> memref<128xi32, #tpu.memory_space<vmem>>
        %dma_start3A_83 = arith.constant 0 : i32
        %dma_start3A_84 = arith.constant 0 : i32
        %dma_start3A_85 = tpu.memref_slice %arg2[%dma_start3A_83, %dma_start3A_84] : memref<10000x128xf32, #tpu.memory_space<hbm>> -> memref<10000x128xf32, #tpu.memory_space<hbm>>
        tpu.enqueue_indirect_dma source(%dma_start3A_85 : memref<10000x128xf32, #tpu.memory_space<hbm>>) target(%dma_start3A_81 : memref<128x128xf32, #tpu.memory_space<vmem>>) offsets(%dma_start3A_82 : memref<128xi32, #tpu.memory_space<vmem>>) semaphore(%arg11 : memref<!tpu.dma_semaphore, #tpu.memory_space<semaphore_mem>>)
        %mul3A_86 = arith.constant 128 : i32
        %mul3A_87 = arith.muli %mul3A_74, %mul3A_86 : i32
        %dma_wait3A_88 = arith.constant 0 : i32
        %dma_wait3A_89 = arith.constant 0 : i32
        %dma_wait3A_90 = tpu.memref_slice %arg8[%dma_wait3A_88, %dma_wait3A_89] : memref<128x128xf32, #tpu.memory_space<vmem>> -> memref<128x128xf32, #tpu.memory_space<vmem>>
        %dma_wait3A_91 = tpu.memref_slice %arg6[%mul3A_87] : memref<1664xi32, #tpu.memory_space<vmem>> -> memref<128xi32, #tpu.memory_space<vmem>>
        %dma_wait3A_92 = arith.constant 0 : i32
        %dma_wait3A_93 = arith.constant 0 : i32
        %dma_wait3A_94 = tpu.memref_slice %arg2[%dma_wait3A_92, %dma_wait3A_93] : memref<10000x128xf32, #tpu.memory_space<hbm>> -> memref<10000x128xf32, #tpu.memory_space<hbm>>
        tpu.wait_indirect_dma semaphore(%arg10 : memref<!tpu.dma_semaphore, #tpu.memory_space<semaphore_mem>>) src(%dma_wait3A_94 : memref<10000x128xf32, #tpu.memory_space<hbm>>) dst(%dma_wait3A_90 : memref<128x128xf32, #tpu.memory_space<vmem>>)
        %mul3A_95 = arith.constant 128 : i32
        %mul3A_96 = arith.muli %mul3A_74, %mul3A_95 : i32
        "tpu.region"() ({
          %run_scoped3A = tpu.sem_alloc : memref<!tpu.dma_semaphore, #tpu.memory_space<semaphore_mem>>
          %dma_start3A_123 = arith.constant 0 : i32
          %dma_start3A_124 = arith.constant 0 : i32
          %dma_start3A_125 = tpu.memref_slice %arg8[%dma_start3A_123, %dma_start3A_124] : memref<128x128xf32, #tpu.memory_space<vmem>> -> memref<128x128xf32, #tpu.memory_space<vmem>>
          %dma_start3A_126 = tpu.memref_slice %arg7[%mul3A_96] : memref<1664xi32, #tpu.memory_space<vmem>> -> memref<128xi32, #tpu.memory_space<vmem>>
          %dma_start3A_127 = arith.constant 0 : i32
          %dma_start3A_128 = arith.constant 0 : i32
          %dma_start3A_129 = tpu.memref_slice %arg12[%dma_start3A_127, %dma_start3A_128] : memref<10240x128xf32, #tpu.memory_space<vmem_shared>> -> memref<10240x128xf32, #tpu.memory_space<vmem_shared>>
          tpu.enqueue_indirect_dma source(%dma_start3A_125 : memref<128x128xf32, #tpu.memory_space<vmem>>) target(%dma_start3A_129 : memref<10240x128xf32, #tpu.memory_space<vmem_shared>>) offsets(%dma_start3A_126 : memref<128xi32, #tpu.memory_space<vmem>>) semaphore(%run_scoped3A : memref<!tpu.dma_semaphore, #tpu.memory_space<semaphore_mem>>) {add = true}
          %dma_wait3A_130 = arith.constant 0 : i32
          %dma_wait3A_131 = arith.constant 0 : i32
          %dma_wait3A_132 = tpu.memref_slice %arg8[%dma_wait3A_130, %dma_wait3A_131] : memref<128x128xf32, #tpu.memory_space<vmem>> -> memref<128x128xf32, #tpu.memory_space<vmem>>
          %dma_wait3A_133 = tpu.memref_slice %arg7[%mul3A_96] : memref<1664xi32, #tpu.memory_space<vmem>> -> memref<128xi32, #tpu.memory_space<vmem>>
          %dma_wait3A_134 = arith.constant 0 : i32
          %dma_wait3A_135 = arith.constant 0 : i32
          %dma_wait3A_136 = tpu.memref_slice %arg12[%dma_wait3A_134, %dma_wait3A_135] : memref<10240x128xf32, #tpu.memory_space<vmem_shared>> -> memref<10240x128xf32, #tpu.memory_space<vmem_shared>>
          tpu.wait_indirect_dma semaphore(%run_scoped3A : memref<!tpu.dma_semaphore, #tpu.memory_space<semaphore_mem>>) src(%dma_wait3A_132 : memref<128x128xf32, #tpu.memory_space<vmem>>) dst(%dma_wait3A_136 : memref<10240x128xf32, #tpu.memory_space<vmem_shared>>)
          tpu.yield
        }) : () -> ()
        %add3A_97 = arith.constant 2 : i32
        %add3A_98 = arith.addi %mul3A_74, %add3A_97 : i32
        %mul3A_99 = arith.constant 128 : i32
        %mul3A_100 = arith.muli %add3A_98, %mul3A_99 : i32
        %dma_start3A_101 = arith.constant 0 : i32
        %dma_start3A_102 = arith.constant 0 : i32
        %dma_start3A_103 = tpu.memref_slice %arg8[%dma_start3A_101, %dma_start3A_102] : memref<128x128xf32, #tpu.memory_space<vmem>> -> memref<128x128xf32, #tpu.memory_space<vmem>>
        %dma_start3A_104 = tpu.memref_slice %arg6[%mul3A_100] : memref<1664xi32, #tpu.memory_space<vmem>> -> memref<128xi32, #tpu.memory_space<vmem>>
        %dma_start3A_105 = arith.constant 0 : i32
        %dma_start3A_106 = arith.constant 0 : i32
        %dma_start3A_107 = tpu.memref_slice %arg2[%dma_start3A_105, %dma_start3A_106] : memref<10000x128xf32, #tpu.memory_space<hbm>> -> memref<10000x128xf32, #tpu.memory_space<hbm>>
        tpu.enqueue_indirect_dma source(%dma_start3A_107 : memref<10000x128xf32, #tpu.memory_space<hbm>>) target(%dma_start3A_103 : memref<128x128xf32, #tpu.memory_space<vmem>>) offsets(%dma_start3A_104 : memref<128xi32, #tpu.memory_space<vmem>>) semaphore(%arg10 : memref<!tpu.dma_semaphore, #tpu.memory_space<semaphore_mem>>)
        %add3A_108 = arith.constant 1 : i32
        %add3A_109 = arith.addi %mul3A_74, %add3A_108 : i32
        %mul3A_110 = arith.constant 128 : i32
        %mul3A_111 = arith.muli %add3A_109, %mul3A_110 : i32
        %dma_wait3A_112 = arith.constant 0 : i32
        %dma_wait3A_113 = arith.constant 0 : i32
        %dma_wait3A_114 = tpu.memref_slice %arg9[%dma_wait3A_112, %dma_wait3A_113] : memref<128x128xf32, #tpu.memory_space<vmem>> -> memref<128x128xf32, #tpu.memory_space<vmem>>
        %dma_wait3A_115 = tpu.memref_slice %arg6[%mul3A_111] : memref<1664xi32, #tpu.memory_space<vmem>> -> memref<128xi32, #tpu.memory_space<vmem>>
        %dma_wait3A_116 = arith.constant 0 : i32
        %dma_wait3A_117 = arith.constant 0 : i32
        %dma_wait3A_118 = tpu.memref_slice %arg2[%dma_wait3A_116, %dma_wait3A_117] : memref<10000x128xf32, #tpu.memory_space<hbm>> -> memref<10000x128xf32, #tpu.memory_space<hbm>>
        tpu.wait_indirect_dma semaphore(%arg11 : memref<!tpu.dma_semaphore, #tpu.memory_space<semaphore_mem>>) src(%dma_wait3A_118 : memref<10000x128xf32, #tpu.memory_space<hbm>>) dst(%dma_wait3A_114 : memref<128x128xf32, #tpu.memory_space<vmem>>)
        %add3A_119 = arith.constant 1 : i32
        %add3A_120 = arith.addi %mul3A_74, %add3A_119 : i32
        %mul3A_121 = arith.constant 128 : i32
        %mul3A_122 = arith.muli %add3A_120, %mul3A_121 : i32
        "tpu.region"() ({
          %run_scoped3A = tpu.sem_alloc : memref<!tpu.dma_semaphore, #tpu.memory_space<semaphore_mem>>
          %dma_start3A_123 = arith.constant 0 : i32
          %dma_start3A_124 = arith.constant 0 : i32
          %dma_start3A_125 = tpu.memref_slice %arg9[%dma_start3A_123, %dma_start3A_124] : memref<128x128xf32, #tpu.memory_space<vmem>> -> memref<128x128xf32, #tpu.memory_space<vmem>>
          %dma_start3A_126 = tpu.memref_slice %arg7[%mul3A_122] : memref<1664xi32, #tpu.memory_space<vmem>> -> memref<128xi32, #tpu.memory_space<vmem>>
          %dma_start3A_127 = arith.constant 0 : i32
          %dma_start3A_128 = arith.constant 0 : i32
          %dma_start3A_129 = tpu.memref_slice %arg12[%dma_start3A_127, %dma_start3A_128] : memref<10240x128xf32, #tpu.memory_space<vmem_shared>> -> memref<10240x128xf32, #tpu.memory_space<vmem_shared>>
          tpu.enqueue_indirect_dma source(%dma_start3A_125 : memref<128x128xf32, #tpu.memory_space<vmem>>) target(%dma_start3A_129 : memref<10240x128xf32, #tpu.memory_space<vmem_shared>>) offsets(%dma_start3A_126 : memref<128xi32, #tpu.memory_space<vmem>>) semaphore(%run_scoped3A : memref<!tpu.dma_semaphore, #tpu.memory_space<semaphore_mem>>) {add = true}
          %dma_wait3A_130 = arith.constant 0 : i32
          %dma_wait3A_131 = arith.constant 0 : i32
          %dma_wait3A_132 = tpu.memref_slice %arg9[%dma_wait3A_130, %dma_wait3A_131] : memref<128x128xf32, #tpu.memory_space<vmem>> -> memref<128x128xf32, #tpu.memory_space<vmem>>
          %dma_wait3A_133 = tpu.memref_slice %arg7[%mul3A_122] : memref<1664xi32, #tpu.memory_space<vmem>> -> memref<128xi32, #tpu.memory_space<vmem>>
          %dma_wait3A_134 = arith.constant 0 : i32
          %dma_wait3A_135 = arith.constant 0 : i32
          %dma_wait3A_136 = tpu.memref_slice %arg12[%dma_wait3A_134, %dma_wait3A_135] : memref<10240x128xf32, #tpu.memory_space<vmem_shared>> -> memref<10240x128xf32, #tpu.memory_space<vmem_shared>>
          tpu.wait_indirect_dma semaphore(%run_scoped3A : memref<!tpu.dma_semaphore, #tpu.memory_space<semaphore_mem>>) src(%dma_wait3A_132 : memref<128x128xf32, #tpu.memory_space<vmem>>) dst(%dma_wait3A_136 : memref<10240x128xf32, #tpu.memory_space<vmem_shared>>)
          tpu.yield
        }) : () -> ()
      }
      %scan3A_59 = arith.constant 6 : i32
      %dma_wait3A_60 = arith.constant 0 : i32
      %dma_wait3A_61 = arith.constant 0 : i32
      %dma_wait3A_62 = tpu.memref_slice %arg8[%dma_wait3A_60, %dma_wait3A_61] : memref<128x128xf32, #tpu.memory_space<vmem>> -> memref<128x128xf32, #tpu.memory_space<vmem>>
      %dma_wait3A_63 = arith.constant 1536 : i32
      %dma_wait3A_64 = tpu.memref_slice %arg6[%dma_wait3A_63] : memref<1664xi32, #tpu.memory_space<vmem>> -> memref<128xi32, #tpu.memory_space<vmem>>
      %dma_wait3A_65 = arith.constant 0 : i32
      %dma_wait3A_66 = arith.constant 0 : i32
      %dma_wait3A_67 = tpu.memref_slice %arg2[%dma_wait3A_65, %dma_wait3A_66] : memref<10000x128xf32, #tpu.memory_space<hbm>> -> memref<10000x128xf32, #tpu.memory_space<hbm>>
      tpu.wait_indirect_dma semaphore(%arg10 : memref<!tpu.dma_semaphore, #tpu.memory_space<semaphore_mem>>) src(%dma_wait3A_67 : memref<10000x128xf32, #tpu.memory_space<hbm>>) dst(%dma_wait3A_62 : memref<128x128xf32, #tpu.memory_space<vmem>>)
      "tpu.region"() ({
        %run_scoped3A = tpu.sem_alloc : memref<!tpu.dma_semaphore, #tpu.memory_space<semaphore_mem>>
        %dma_start3A_68 = arith.constant 0 : i32
        %dma_start3A_69 = arith.constant 0 : i32
        %dma_start3A_70 = tpu.memref_slice %arg8[%dma_start3A_68, %dma_start3A_69] : memref<128x128xf32, #tpu.memory_space<vmem>> -> memref<128x128xf32, #tpu.memory_space<vmem>>
        %dma_start3A_71 = arith.constant 1536 : i32
        %dma_start3A_72 = tpu.memref_slice %arg7[%dma_start3A_71] : memref<1664xi32, #tpu.memory_space<vmem>> -> memref<128xi32, #tpu.memory_space<vmem>>
        %dma_start3A_73 = arith.constant 0 : i32
        %dma_start3A_74 = arith.constant 0 : i32
        %dma_start3A_75 = tpu.memref_slice %arg12[%dma_start3A_73, %dma_start3A_74] : memref<10240x128xf32, #tpu.memory_space<vmem_shared>> -> memref<10240x128xf32, #tpu.memory_space<vmem_shared>>
        tpu.enqueue_indirect_dma source(%dma_start3A_70 : memref<128x128xf32, #tpu.memory_space<vmem>>) target(%dma_start3A_75 : memref<10240x128xf32, #tpu.memory_space<vmem_shared>>) offsets(%dma_start3A_72 : memref<128xi32, #tpu.memory_space<vmem>>) semaphore(%run_scoped3A : memref<!tpu.dma_semaphore, #tpu.memory_space<semaphore_mem>>) {add = true}
        %dma_wait3A_76 = arith.constant 0 : i32
        %dma_wait3A_77 = arith.constant 0 : i32
        %dma_wait3A_78 = tpu.memref_slice %arg8[%dma_wait3A_76, %dma_wait3A_77] : memref<128x128xf32, #tpu.memory_space<vmem>> -> memref<128x128xf32, #tpu.memory_space<vmem>>
        %dma_wait3A_79 = arith.constant 1536 : i32
        %dma_wait3A_80 = tpu.memref_slice %arg7[%dma_wait3A_79] : memref<1664xi32, #tpu.memory_space<vmem>> -> memref<128xi32, #tpu.memory_space<vmem>>
        %dma_wait3A_81 = arith.constant 0 : i32
        %dma_wait3A_82 = arith.constant 0 : i32
        %dma_wait3A_83 = tpu.memref_slice %arg12[%dma_wait3A_81, %dma_wait3A_82] : memref<10240x128xf32, #tpu.memory_space<vmem_shared>> -> memref<10240x128xf32, #tpu.memory_space<vmem_shared>>
        tpu.wait_indirect_dma semaphore(%run_scoped3A : memref<!tpu.dma_semaphore, #tpu.memory_space<semaphore_mem>>) src(%dma_wait3A_78 : memref<128x128xf32, #tpu.memory_space<vmem>>) dst(%dma_wait3A_83 : memref<10240x128xf32, #tpu.memory_space<vmem_shared>>)
        tpu.yield
      }) : () -> ()
    }
    %scan3A_12 = arith.constant 6 : i32
    %add3A_13 = arith.constant 9984 : i32
    %add3A_14 = arith.addi %add3A_6, %add3A_13 : i32
    "tpu.region"() ({
      %run_scoped3A = tpu.sem_alloc : memref<!tpu.dma_semaphore, #tpu.memory_space<semaphore_mem>>
      %dma_start3A_36 = arith.constant 0 : i32
      %dma_start3A_37 = tpu.memref_slice %arg6[%dma_start3A_36] : memref<1664xi32, #tpu.memory_space<vmem>> -> memref<16xi32, #tpu.memory_space<vmem>>
      %dma_start3A_38 = tpu.memref_slice %arg3[%add3A_14] : memref<640000xi32, #tpu.memory_space<hbm>> -> memref<16xi32, #tpu.memory_space<hbm>>
      %dma_start3A_39 = arith.constant 0 : i32
      %dma_start3A_40 = tpu.memref_slice %arg6[%dma_start3A_39] : memref<1664xi32, #tpu.memory_space<vmem>> -> memref<16xi32, #tpu.memory_space<vmem>>
      %dma_start3A_41 = tpu.memref_slice %arg3[%add3A_14] : memref<640000xi32, #tpu.memory_space<hbm>> -> memref<16xi32, #tpu.memory_space<hbm>>
      tpu.enqueue_dma source(%dma_start3A_41 : memref<16xi32, #tpu.memory_space<hbm>>) target(%dma_start3A_40 : memref<16xi32, #tpu.memory_space<vmem>>) target_semaphore(%run_scoped3A : memref<!tpu.dma_semaphore, #tpu.memory_space<semaphore_mem>>)
      %dma_wait3A_42 = arith.constant 0 : i32
      %dma_wait3A_43 = tpu.memref_slice %arg6[%dma_wait3A_42] : memref<1664xi32, #tpu.memory_space<vmem>> -> memref<16xi32, #tpu.memory_space<vmem>>
      %dma_wait3A_44 = tpu.memref_slice %arg3[%add3A_14] : memref<640000xi32, #tpu.memory_space<hbm>> -> memref<16xi32, #tpu.memory_space<hbm>>
      %dma_wait3A_45 = arith.constant 0 : i32
      %dma_wait3A_46 = tpu.memref_slice %arg6[%dma_wait3A_45] : memref<1664xi32, #tpu.memory_space<vmem>> -> memref<16xi32, #tpu.memory_space<vmem>>
      %dma_wait3A_47 = tpu.memref_slice %arg3[%add3A_14] : memref<640000xi32, #tpu.memory_space<hbm>> -> memref<16xi32, #tpu.memory_space<hbm>>
      tpu.wait_dma2 semaphore(%run_scoped3A : memref<!tpu.dma_semaphore, #tpu.memory_space<semaphore_mem>>) src(%dma_wait3A_47 : memref<16xi32, #tpu.memory_space<hbm>>) dst(%dma_wait3A_46 : memref<16xi32, #tpu.memory_space<vmem>>)
      tpu.yield
    }) : () -> ()
    %add3A_15 = arith.constant 9984 : i32
    %add3A_16 = arith.addi %mul3A_2, %add3A_15 : i32
    "tpu.region"() ({
      %run_scoped3A = tpu.sem_alloc : memref<!tpu.dma_semaphore, #tpu.memory_space<semaphore_mem>>
      %dma_start3A_36 = arith.constant 0 : i32
      %dma_start3A_37 = tpu.memref_slice %arg7[%dma_start3A_36] : memref<1664xi32, #tpu.memory_space<vmem>> -> memref<16xi32, #tpu.memory_space<vmem>>
      %dma_start3A_38 = tpu.memref_slice %arg3[%add3A_16] : memref<640000xi32, #tpu.memory_space<hbm>> -> memref<16xi32, #tpu.memory_space<hbm>>
      %dma_start3A_39 = arith.constant 0 : i32
      %dma_start3A_40 = tpu.memref_slice %arg7[%dma_start3A_39] : memref<1664xi32, #tpu.memory_space<vmem>> -> memref<16xi32, #tpu.memory_space<vmem>>
      %dma_start3A_41 = tpu.memref_slice %arg3[%add3A_16] : memref<640000xi32, #tpu.memory_space<hbm>> -> memref<16xi32, #tpu.memory_space<hbm>>
      tpu.enqueue_dma source(%dma_start3A_41 : memref<16xi32, #tpu.memory_space<hbm>>) target(%dma_start3A_40 : memref<16xi32, #tpu.memory_space<vmem>>) target_semaphore(%run_scoped3A : memref<!tpu.dma_semaphore, #tpu.memory_space<semaphore_mem>>)
      %dma_wait3A_42 = arith.constant 0 : i32
      %dma_wait3A_43 = tpu.memref_slice %arg7[%dma_wait3A_42] : memref<1664xi32, #tpu.memory_space<vmem>> -> memref<16xi32, #tpu.memory_space<vmem>>
      %dma_wait3A_44 = tpu.memref_slice %arg3[%add3A_16] : memref<640000xi32, #tpu.memory_space<hbm>> -> memref<16xi32, #tpu.memory_space<hbm>>
      %dma_wait3A_45 = arith.constant 0 : i32
      %dma_wait3A_46 = tpu.memref_slice %arg7[%dma_wait3A_45] : memref<1664xi32, #tpu.memory_space<vmem>> -> memref<16xi32, #tpu.memory_space<vmem>>
      %dma_wait3A_47 = tpu.memref_slice %arg3[%add3A_16] : memref<640000xi32, #tpu.memory_space<hbm>> -> memref<16xi32, #tpu.memory_space<hbm>>
      tpu.wait_dma2 semaphore(%run_scoped3A : memref<!tpu.dma_semaphore, #tpu.memory_space<semaphore_mem>>) src(%dma_wait3A_47 : memref<16xi32, #tpu.memory_space<hbm>>) dst(%dma_wait3A_46 : memref<16xi32, #tpu.memory_space<vmem>>)
      tpu.yield
    }) : () -> ()
    %dma_start3A = arith.constant 0 : i32
    %dma_start3A_17 = arith.constant 0 : i32
    %dma_start3A_18 = tpu.memref_slice %arg8[%dma_start3A, %dma_start3A_17] : memref<128x128xf32, #tpu.memory_space<vmem>> -> memref<16x128xf32, #tpu.memory_space<vmem>>
    %dma_start3A_19 = arith.constant 0 : i32
    %dma_start3A_20 = tpu.memref_slice %arg6[%dma_start3A_19] : memref<1664xi32, #tpu.memory_space<vmem>> -> memref<16xi32, #tpu.memory_space<vmem>>
    %dma_start3A_21 = arith.constant 0 : i32
    %dma_start3A_22 = arith.constant 0 : i32
    %dma_start3A_23 = tpu.memref_slice %arg2[%dma_start3A_21, %dma_start3A_22] : memref<10000x128xf32, #tpu.memory_space<hbm>> -> memref<10000x128xf32, #tpu.memory_space<hbm>>
    tpu.enqueue_indirect_dma source(%dma_start3A_23 : memref<10000x128xf32, #tpu.memory_space<hbm>>) target(%dma_start3A_18 : memref<16x128xf32, #tpu.memory_space<vmem>>) offsets(%dma_start3A_20 : memref<16xi32, #tpu.memory_space<vmem>>) semaphore(%arg10 : memref<!tpu.dma_semaphore, #tpu.memory_space<semaphore_mem>>)
    %dma_wait3A = arith.constant 0 : i32
    %dma_wait3A_24 = arith.constant 0 : i32
    %dma_wait3A_25 = tpu.memref_slice %arg8[%dma_wait3A, %dma_wait3A_24] : memref<128x128xf32, #tpu.memory_space<vmem>> -> memref<16x128xf32, #tpu.memory_space<vmem>>
    %dma_wait3A_26 = arith.constant 0 : i32
    %dma_wait3A_27 = tpu.memref_slice %arg6[%dma_wait3A_26] : memref<1664xi32, #tpu.memory_space<vmem>> -> memref<16xi32, #tpu.memory_space<vmem>>
    %dma_wait3A_28 = arith.constant 0 : i32
    %dma_wait3A_29 = arith.constant 0 : i32
    %dma_wait3A_30 = tpu.memref_slice %arg2[%dma_wait3A_28, %dma_wait3A_29] : memref<10000x128xf32, #tpu.memory_space<hbm>> -> memref<10000x128xf32, #tpu.memory_space<hbm>>
    tpu.wait_indirect_dma semaphore(%arg10 : memref<!tpu.dma_semaphore, #tpu.memory_space<semaphore_mem>>) src(%dma_wait3A_30 : memref<10000x128xf32, #tpu.memory_space<hbm>>) dst(%dma_wait3A_25 : memref<16x128xf32, #tpu.memory_space<vmem>>)
    "tpu.region"() ({
      %run_scoped3A = tpu.sem_alloc : memref<!tpu.dma_semaphore, #tpu.memory_space<semaphore_mem>>
      %dma_start3A_36 = arith.constant 0 : i32
      %dma_start3A_37 = arith.constant 0 : i32
      %dma_start3A_38 = tpu.memref_slice %arg8[%dma_start3A_36, %dma_start3A_37] : memref<128x128xf32, #tpu.memory_space<vmem>> -> memref<16x128xf32, #tpu.memory_space<vmem>>
      %dma_start3A_39 = arith.constant 0 : i32
      %dma_start3A_40 = tpu.memref_slice %arg7[%dma_start3A_39] : memref<1664xi32, #tpu.memory_space<vmem>> -> memref<16xi32, #tpu.memory_space<vmem>>
      %dma_start3A_41 = arith.constant 0 : i32
      %dma_start3A_42 = arith.constant 0 : i32
      %dma_start3A_43 = tpu.memref_slice %arg12[%dma_start3A_41, %dma_start3A_42] : memref<10240x128xf32, #tpu.memory_space<vmem_shared>> -> memref<10240x128xf32, #tpu.memory_space<vmem_shared>>
      tpu.enqueue_indirect_dma source(%dma_start3A_38 : memref<16x128xf32, #tpu.memory_space<vmem>>) target(%dma_start3A_43 : memref<10240x128xf32, #tpu.memory_space<vmem_shared>>) offsets(%dma_start3A_40 : memref<16xi32, #tpu.memory_space<vmem>>) semaphore(%run_scoped3A : memref<!tpu.dma_semaphore, #tpu.memory_space<semaphore_mem>>) {add = true}
      %dma_wait3A_44 = arith.constant 0 : i32
      %dma_wait3A_45 = arith.constant 0 : i32
      %dma_wait3A_46 = tpu.memref_slice %arg8[%dma_wait3A_44, %dma_wait3A_45] : memref<128x128xf32, #tpu.memory_space<vmem>> -> memref<16x128xf32, #tpu.memory_space<vmem>>
      %dma_wait3A_47 = arith.constant 0 : i32
      %dma_wait3A_48 = tpu.memref_slice %arg7[%dma_wait3A_47] : memref<1664xi32, #tpu.memory_space<vmem>> -> memref<16xi32, #tpu.memory_space<vmem>>
      %dma_wait3A_49 = arith.constant 0 : i32
      %dma_wait3A_50 = arith.constant 0 : i32
      %dma_wait3A_51 = tpu.memref_slice %arg12[%dma_wait3A_49, %dma_wait3A_50] : memref<10240x128xf32, #tpu.memory_space<vmem_shared>> -> memref<10240x128xf32, #tpu.memory_space<vmem_shared>>
      tpu.wait_indirect_dma semaphore(%run_scoped3A : memref<!tpu.dma_semaphore, #tpu.memory_space<semaphore_mem>>) src(%dma_wait3A_46 : memref<16x128xf32, #tpu.memory_space<vmem>>) dst(%dma_wait3A_51 : memref<10240x128xf32, #tpu.memory_space<vmem_shared>>)
      tpu.yield
    }) : () -> ()
    %barrier3A_31 = arith.constant 0 : index
    tpu.barrier barrier_id(%barrier3A_31)
    %mul3A_32 = arith.constant 640 : i32
    %mul3A_33 = arith.muli %arg1, %mul3A_32 : i32
    %mul3A_34 = arith.constant 640 : i32
    %mul3A_35 = arith.muli %arg1, %mul3A_34 : i32
    "tpu.region"() ({
      %run_scoped3A = tpu.sem_alloc : memref<!tpu.dma_semaphore, #tpu.memory_space<semaphore_mem>>
      %dma_start3A_36 = arith.constant 0 : i32
      %dma_start3A_37 = tpu.memref_slice %arg5[%arg0, %mul3A_35, %dma_start3A_36] : memref<2x10240x128xf32, #tpu.memory_space<hbm>> -> memref<1x640x128xf32, #tpu.memory_space<hbm>>
      %dma_start3A_38 = tpu.memref_squeeze %dma_start3A_37 : memref<1x640x128xf32, #tpu.memory_space<hbm>> -> memref<640x128xf32, #tpu.memory_space<hbm>>
      %dma_start3A_39 = arith.constant 0 : i32
      %dma_start3A_40 = tpu.memref_slice %arg12[%mul3A_33, %dma_start3A_39] : memref<10240x128xf32, #tpu.memory_space<vmem_shared>> -> memref<640x128xf32, #tpu.memory_space<vmem_shared>>
      tpu.enqueue_dma source(%dma_start3A_40 : memref<640x128xf32, #tpu.memory_space<vmem_shared>>) target(%dma_start3A_38 : memref<640x128xf32, #tpu.memory_space<hbm>>) target_semaphore(%run_scoped3A : memref<!tpu.dma_semaphore, #tpu.memory_space<semaphore_mem>>)
      %dma_wait3A_41 = arith.constant 0 : i32
      %dma_wait3A_42 = tpu.memref_slice %arg5[%arg0, %mul3A_35, %dma_wait3A_41] : memref<2x10240x128xf32, #tpu.memory_space<hbm>> -> memref<1x640x128xf32, #tpu.memory_space<hbm>>
      %dma_wait3A_43 = tpu.memref_squeeze %dma_wait3A_42 : memref<1x640x128xf32, #tpu.memory_space<hbm>> -> memref<640x128xf32, #tpu.memory_space<hbm>>
      %dma_wait3A_44 = arith.constant 0 : i32
      %dma_wait3A_45 = tpu.memref_slice %arg12[%mul3A_33, %dma_wait3A_44] : memref<10240x128xf32, #tpu.memory_space<vmem_shared>> -> memref<640x128xf32, #tpu.memory_space<vmem_shared>>
      tpu.wait_dma2 semaphore(%run_scoped3A : memref<!tpu.dma_semaphore, #tpu.memory_space<semaphore_mem>>) src(%dma_wait3A_45 : memref<640x128xf32, #tpu.memory_space<vmem_shared>>) dst(%dma_wait3A_43 : memref<640x128xf32, #tpu.memory_space<hbm>>)
      tpu.yield
    }) : () -> ()
    return
  }
}

#map = affine_map<(d0, d1) -> (0)>
#map1 = affine_map<(d0, d1) -> (0, 0)>
module attributes {stable_mosaic.version = 14 : i64} {
  func.func @_deg_kernel(%arg0: i32, %arg1: i32, %arg2: memref<640000xi32, #tpu.memory_space<hbm>>, %arg3: memref<10240xf32, #tpu.memory_space<hbm>>, %arg4: memref<2x10240xf32, #tpu.memory_space<hbm>>, %arg5: memref<10000xi32, #tpu.memory_space<vmem>>, %arg6: memref<10240xf32, #tpu.memory_space<vmem>>, %arg7: memref<16x640xf32, #tpu.memory_space<vmem>>, %arg8: memref<640xf32, #tpu.memory_space<vmem>>, %arg9: memref<16x10240xf32, #tpu.memory_space<vmem_shared>>) attributes {dimension_semantics = [#tpu.dimension_semantics<core_parallel>, #tpu.dimension_semantics<subcore_parallel>], iteration_bounds = array<i64: 2, 16>, scalar_prefetch = 0 : i64, scratch_operands = 5 : i64, tpu.core_type = #tpu.core_type<sc_vector_subcore>, window_params = [{transform_indices = #map}, {transform_indices = #map}, {transform_indices = #map1}]} {
    %mul3A = arith.constant 2 : i32
    %mul3A_0 = arith.muli %arg1, %mul3A : i32
    %add3A = arith.addi %mul3A_0, %arg0 : i32
    %mul3A_1 = arith.constant 10000 : i32
    %mul3A_2 = arith.muli %add3A, %mul3A_1 : i32
    "tpu.region"() ({
      %run_scoped3A = tpu.sem_alloc : memref<!tpu.dma_semaphore, #tpu.memory_space<semaphore_mem>>
      %dma_start3A = tpu.memref_slice %arg2[%mul3A_2] : memref<640000xi32, #tpu.memory_space<hbm>> -> memref<10000xi32, #tpu.memory_space<hbm>>
      %dma_start3A_17 = tpu.memref_slice %arg2[%mul3A_2] : memref<640000xi32, #tpu.memory_space<hbm>> -> memref<10000xi32, #tpu.memory_space<hbm>>
      tpu.enqueue_dma source(%dma_start3A_17 : memref<10000xi32, #tpu.memory_space<hbm>>) target(%arg5 : memref<10000xi32, #tpu.memory_space<vmem>>) target_semaphore(%run_scoped3A : memref<!tpu.dma_semaphore, #tpu.memory_space<semaphore_mem>>)
      %dma_wait3A = tpu.memref_slice %arg2[%mul3A_2] : memref<640000xi32, #tpu.memory_space<hbm>> -> memref<10000xi32, #tpu.memory_space<hbm>>
      %dma_wait3A_18 = tpu.memref_slice %arg2[%mul3A_2] : memref<640000xi32, #tpu.memory_space<hbm>> -> memref<10000xi32, #tpu.memory_space<hbm>>
      tpu.wait_dma2 semaphore(%run_scoped3A : memref<!tpu.dma_semaphore, #tpu.memory_space<semaphore_mem>>) src(%dma_wait3A_18 : memref<10000xi32, #tpu.memory_space<hbm>>) dst(%arg5 : memref<10000xi32, #tpu.memory_space<vmem>>)
      tpu.yield
    }) : () -> ()
    "tpu.region"() ({
      %run_scoped3A = tpu.sem_alloc : memref<!tpu.dma_semaphore, #tpu.memory_space<semaphore_mem>>
      tpu.enqueue_dma source(%arg3 : memref<10240xf32, #tpu.memory_space<hbm>>) target(%arg6 : memref<10240xf32, #tpu.memory_space<vmem>>) target_semaphore(%run_scoped3A : memref<!tpu.dma_semaphore, #tpu.memory_space<semaphore_mem>>)
      tpu.wait_dma2 semaphore(%run_scoped3A : memref<!tpu.dma_semaphore, #tpu.memory_space<semaphore_mem>>) src(%arg3 : memref<10240xf32, #tpu.memory_space<hbm>>) dst(%arg6 : memref<10240xf32, #tpu.memory_space<vmem>>)
      tpu.yield
    }) : () -> ()
    %broadcast_in_dim3A = arith.constant 1.000000e+00 : f32
    %broadcast_in_dim3A_3 = vector.broadcast %broadcast_in_dim3A : f32 to vector<16xf32>
    %scan3A = arith.constant 0 : i32
    %scan3A_4 = arith.constant 625 : i32
    %scan3A_5 = arith.addi %scan3A, %scan3A_4 : i32
    %scan3A_6 = arith.constant 25 : i32
    scf.for %scan3A_17 = %scan3A to %scan3A_5 step %scan3A_6  : i32 {
      %mul3A_18 = arith.constant 1 : i32
      %mul3A_19 = arith.muli %scan3A_17, %mul3A_18 : i32
      %add3A_20 = arith.constant 0 : i32
      %add3A_21 = arith.addi %add3A_20, %mul3A_19 : i32
      %mul3A_22 = arith.constant 16 : i32
      %mul3A_23 = arith.muli %add3A_21, %mul3A_22 : i32
      %get3A = arith.index_cast %mul3A_23 : i32 to index
      %get3A_24 = tpu.vector_load %arg5[%get3A] {strides = array<i32>} : memref<10000xi32, #tpu.memory_space<vmem>>, vector<16xi32>,
      tpu.vector_store_idx %arg6[%get3A_24], %broadcast_in_dim3A_3 {add = true} : memref<10240xf32, #tpu.memory_space<vmem>>[vector<16xi32>], vector<16xf32>,
      %scan3A_25 = arith.constant 1 : i32
      %scan3A_26 = arith.addi %scan3A_17, %scan3A_25 : i32
      %mul3A_27 = arith.constant 1 : i32
      %mul3A_28 = arith.muli %scan3A_26, %mul3A_27 : i32
      %add3A_29 = arith.constant 0 : i32
      %add3A_30 = arith.addi %add3A_29, %mul3A_28 : i32
      %mul3A_31 = arith.constant 16 : i32
      %mul3A_32 = arith.muli %add3A_30, %mul3A_31 : i32
      %get3A_33 = arith.index_cast %mul3A_32 : i32 to index
      %get3A_34 = tpu.vector_load %arg5[%get3A_33] {strides = array<i32>} : memref<10000xi32, #tpu.memory_space<vmem>>, vector<16xi32>,
      tpu.vector_store_idx %arg6[%get3A_34], %broadcast_in_dim3A_3 {add = true} : memref<10240xf32, #tpu.memory_space<vmem>>[vector<16xi32>], vector<16xf32>,
      %scan3A_35 = arith.constant 2 : i32
      %scan3A_36 = arith.addi %scan3A_17, %scan3A_35 : i32
      %mul3A_37 = arith.constant 1 : i32
      %mul3A_38 = arith.muli %scan3A_36, %mul3A_37 : i32
      %add3A_39 = arith.constant 0 : i32
      %add3A_40 = arith.addi %add3A_39, %mul3A_38 : i32
      %mul3A_41 = arith.constant 16 : i32
      %mul3A_42 = arith.muli %add3A_40, %mul3A_41 : i32
      %get3A_43 = arith.index_cast %mul3A_42 : i32 to index
      %get3A_44 = tpu.vector_load %arg5[%get3A_43] {strides = array<i32>} : memref<10000xi32, #tpu.memory_space<vmem>>, vector<16xi32>,
      tpu.vector_store_idx %arg6[%get3A_44], %broadcast_in_dim3A_3 {add = true} : memref<10240xf32, #tpu.memory_space<vmem>>[vector<16xi32>], vector<16xf32>,
      %scan3A_45 = arith.constant 3 : i32
      %scan3A_46 = arith.addi %scan3A_17, %scan3A_45 : i32
      %mul3A_47 = arith.constant 1 : i32
      %mul3A_48 = arith.muli %scan3A_46, %mul3A_47 : i32
      %add3A_49 = arith.constant 0 : i32
      %add3A_50 = arith.addi %add3A_49, %mul3A_48 : i32
      %mul3A_51 = arith.constant 16 : i32
      %mul3A_52 = arith.muli %add3A_50, %mul3A_51 : i32
      %get3A_53 = arith.index_cast %mul3A_52 : i32 to index
      %get3A_54 = tpu.vector_load %arg5[%get3A_53] {strides = array<i32>} : memref<10000xi32, #tpu.memory_space<vmem>>, vector<16xi32>,
      tpu.vector_store_idx %arg6[%get3A_54], %broadcast_in_dim3A_3 {add = true} : memref<10240xf32, #tpu.memory_space<vmem>>[vector<16xi32>], vector<16xf32>,
      %scan3A_55 = arith.constant 4 : i32
      %scan3A_56 = arith.addi %scan3A_17, %scan3A_55 : i32
      %mul3A_57 = arith.constant 1 : i32
      %mul3A_58 = arith.muli %scan3A_56, %mul3A_57 : i32
      %add3A_59 = arith.constant 0 : i32
      %add3A_60 = arith.addi %add3A_59, %mul3A_58 : i32
      %mul3A_61 = arith.constant 16 : i32
      %mul3A_62 = arith.muli %add3A_60, %mul3A_61 : i32
      %get3A_63 = arith.index_cast %mul3A_62 : i32 to index
      %get3A_64 = tpu.vector_load %arg5[%get3A_63] {strides = array<i32>} : memref<10000xi32, #tpu.memory_space<vmem>>, vector<16xi32>,
      tpu.vector_store_idx %arg6[%get3A_64], %broadcast_in_dim3A_3 {add = true} : memref<10240xf32, #tpu.memory_space<vmem>>[vector<16xi32>], vector<16xf32>,
      %scan3A_65 = arith.constant 5 : i32
      %scan3A_66 = arith.addi %scan3A_17, %scan3A_65 : i32
      %mul3A_67 = arith.constant 1 : i32
      %mul3A_68 = arith.muli %scan3A_66, %mul3A_67 : i32
      %add3A_69 = arith.constant 0 : i32
      %add3A_70 = arith.addi %add3A_69, %mul3A_68 : i32
      %mul3A_71 = arith.constant 16 : i32
      %mul3A_72 = arith.muli %add3A_70, %mul3A_71 : i32
      %get3A_73 = arith.index_cast %mul3A_72 : i32 to index
      %get3A_74 = tpu.vector_load %arg5[%get3A_73] {strides = array<i32>} : memref<10000xi32, #tpu.memory_space<vmem>>, vector<16xi32>,
      tpu.vector_store_idx %arg6[%get3A_74], %broadcast_in_dim3A_3 {add = true} : memref<10240xf32, #tpu.memory_space<vmem>>[vector<16xi32>], vector<16xf32>,
      %scan3A_75 = arith.constant 6 : i32
      %scan3A_76 = arith.addi %scan3A_17, %scan3A_75 : i32
      %mul3A_77 = arith.constant 1 : i32
      %mul3A_78 = arith.muli %scan3A_76, %mul3A_77 : i32
      %add3A_79 = arith.constant 0 : i32
      %add3A_80 = arith.addi %add3A_79, %mul3A_78 : i32
      %mul3A_81 = arith.constant 16 : i32
      %mul3A_82 = arith.muli %add3A_80, %mul3A_81 : i32
      %get3A_83 = arith.index_cast %mul3A_82 : i32 to index
      %get3A_84 = tpu.vector_load %arg5[%get3A_83] {strides = array<i32>} : memref<10000xi32, #tpu.memory_space<vmem>>, vector<16xi32>,
      tpu.vector_store_idx %arg6[%get3A_84], %broadcast_in_dim3A_3 {add = true} : memref<10240xf32, #tpu.memory_space<vmem>>[vector<16xi32>], vector<16xf32>,
      %scan3A_85 = arith.constant 7 : i32
      %scan3A_86 = arith.addi %scan3A_17, %scan3A_85 : i32
      %mul3A_87 = arith.constant 1 : i32
      %mul3A_88 = arith.muli %scan3A_86, %mul3A_87 : i32
      %add3A_89 = arith.constant 0 : i32
      %add3A_90 = arith.addi %add3A_89, %mul3A_88 : i32
      %mul3A_91 = arith.constant 16 : i32
      %mul3A_92 = arith.muli %add3A_90, %mul3A_91 : i32
      %get3A_93 = arith.index_cast %mul3A_92 : i32 to index
      %get3A_94 = tpu.vector_load %arg5[%get3A_93] {strides = array<i32>} : memref<10000xi32, #tpu.memory_space<vmem>>, vector<16xi32>,
      tpu.vector_store_idx %arg6[%get3A_94], %broadcast_in_dim3A_3 {add = true} : memref<10240xf32, #tpu.memory_space<vmem>>[vector<16xi32>], vector<16xf32>,
      %scan3A_95 = arith.constant 8 : i32
      %scan3A_96 = arith.addi %scan3A_17, %scan3A_95 : i32
      %mul3A_97 = arith.constant 1 : i32
      %mul3A_98 = arith.muli %scan3A_96, %mul3A_97 : i32
      %add3A_99 = arith.constant 0 : i32
      %add3A_100 = arith.addi %add3A_99, %mul3A_98 : i32
      %mul3A_101 = arith.constant 16 : i32
      %mul3A_102 = arith.muli %add3A_100, %mul3A_101 : i32
      %get3A_103 = arith.index_cast %mul3A_102 : i32 to index
      %get3A_104 = tpu.vector_load %arg5[%get3A_103] {strides = array<i32>} : memref<10000xi32, #tpu.memory_space<vmem>>, vector<16xi32>,
      tpu.vector_store_idx %arg6[%get3A_104], %broadcast_in_dim3A_3 {add = true} : memref<10240xf32, #tpu.memory_space<vmem>>[vector<16xi32>], vector<16xf32>,
      %scan3A_105 = arith.constant 9 : i32
      %scan3A_106 = arith.addi %scan3A_17, %scan3A_105 : i32
      %mul3A_107 = arith.constant 1 : i32
      %mul3A_108 = arith.muli %scan3A_106, %mul3A_107 : i32
      %add3A_109 = arith.constant 0 : i32
      %add3A_110 = arith.addi %add3A_109, %mul3A_108 : i32
      %mul3A_111 = arith.constant 16 : i32
      %mul3A_112 = arith.muli %add3A_110, %mul3A_111 : i32
      %get3A_113 = arith.index_cast %mul3A_112 : i32 to index
      %get3A_114 = tpu.vector_load %arg5[%get3A_113] {strides = array<i32>} : memref<10000xi32, #tpu.memory_space<vmem>>, vector<16xi32>,
      tpu.vector_store_idx %arg6[%get3A_114], %broadcast_in_dim3A_3 {add = true} : memref<10240xf32, #tpu.memory_space<vmem>>[vector<16xi32>], vector<16xf32>,
      %scan3A_115 = arith.constant 10 : i32
      %scan3A_116 = arith.addi %scan3A_17, %scan3A_115 : i32
      %mul3A_117 = arith.constant 1 : i32
      %mul3A_118 = arith.muli %scan3A_116, %mul3A_117 : i32
      %add3A_119 = arith.constant 0 : i32
      %add3A_120 = arith.addi %add3A_119, %mul3A_118 : i32
      %mul3A_121 = arith.constant 16 : i32
      %mul3A_122 = arith.muli %add3A_120, %mul3A_121 : i32
      %get3A_123 = arith.index_cast %mul3A_122 : i32 to index
      %get3A_124 = tpu.vector_load %arg5[%get3A_123] {strides = array<i32>} : memref<10000xi32, #tpu.memory_space<vmem>>, vector<16xi32>,
      tpu.vector_store_idx %arg6[%get3A_124], %broadcast_in_dim3A_3 {add = true} : memref<10240xf32, #tpu.memory_space<vmem>>[vector<16xi32>], vector<16xf32>,
      %scan3A_125 = arith.constant 11 : i32
      %scan3A_126 = arith.addi %scan3A_17, %scan3A_125 : i32
      %mul3A_127 = arith.constant 1 : i32
      %mul3A_128 = arith.muli %scan3A_126, %mul3A_127 : i32
      %add3A_129 = arith.constant 0 : i32
      %add3A_130 = arith.addi %add3A_129, %mul3A_128 : i32
      %mul3A_131 = arith.constant 16 : i32
      %mul3A_132 = arith.muli %add3A_130, %mul3A_131 : i32
      %get3A_133 = arith.index_cast %mul3A_132 : i32 to index
      %get3A_134 = tpu.vector_load %arg5[%get3A_133] {strides = array<i32>} : memref<10000xi32, #tpu.memory_space<vmem>>, vector<16xi32>,
      tpu.vector_store_idx %arg6[%get3A_134], %broadcast_in_dim3A_3 {add = true} : memref<10240xf32, #tpu.memory_space<vmem>>[vector<16xi32>], vector<16xf32>,
      %scan3A_135 = arith.constant 12 : i32
      %scan3A_136 = arith.addi %scan3A_17, %scan3A_135 : i32
      %mul3A_137 = arith.constant 1 : i32
      %mul3A_138 = arith.muli %scan3A_136, %mul3A_137 : i32
      %add3A_139 = arith.constant 0 : i32
      %add3A_140 = arith.addi %add3A_139, %mul3A_138 : i32
      %mul3A_141 = arith.constant 16 : i32
      %mul3A_142 = arith.muli %add3A_140, %mul3A_141 : i32
      %get3A_143 = arith.index_cast %mul3A_142 : i32 to index
      %get3A_144 = tpu.vector_load %arg5[%get3A_143] {strides = array<i32>} : memref<10000xi32, #tpu.memory_space<vmem>>, vector<16xi32>,
      tpu.vector_store_idx %arg6[%get3A_144], %broadcast_in_dim3A_3 {add = true} : memref<10240xf32, #tpu.memory_space<vmem>>[vector<16xi32>], vector<16xf32>,
      %scan3A_145 = arith.constant 13 : i32
      %scan3A_146 = arith.addi %scan3A_17, %scan3A_145 : i32
      %mul3A_147 = arith.constant 1 : i32
      %mul3A_148 = arith.muli %scan3A_146, %mul3A_147 : i32
      %add3A_149 = arith.constant 0 : i32
      %add3A_150 = arith.addi %add3A_149, %mul3A_148 : i32
      %mul3A_151 = arith.constant 16 : i32
      %mul3A_152 = arith.muli %add3A_150, %mul3A_151 : i32
      %get3A_153 = arith.index_cast %mul3A_152 : i32 to index
      %get3A_154 = tpu.vector_load %arg5[%get3A_153] {strides = array<i32>} : memref<10000xi32, #tpu.memory_space<vmem>>, vector<16xi32>,
      tpu.vector_store_idx %arg6[%get3A_154], %broadcast_in_dim3A_3 {add = true} : memref<10240xf32, #tpu.memory_space<vmem>>[vector<16xi32>], vector<16xf32>,
      %scan3A_155 = arith.constant 14 : i32
      %scan3A_156 = arith.addi %scan3A_17, %scan3A_155 : i32
      %mul3A_157 = arith.constant 1 : i32
      %mul3A_158 = arith.muli %scan3A_156, %mul3A_157 : i32
      %add3A_159 = arith.constant 0 : i32
      %add3A_160 = arith.addi %add3A_159, %mul3A_158 : i32
      %mul3A_161 = arith.constant 16 : i32
      %mul3A_162 = arith.muli %add3A_160, %mul3A_161 : i32
      %get3A_163 = arith.index_cast %mul3A_162 : i32 to index
      %get3A_164 = tpu.vector_load %arg5[%get3A_163] {strides = array<i32>} : memref<10000xi32, #tpu.memory_space<vmem>>, vector<16xi32>,
      tpu.vector_store_idx %arg6[%get3A_164], %broadcast_in_dim3A_3 {add = true} : memref<10240xf32, #tpu.memory_space<vmem>>[vector<16xi32>], vector<16xf32>,
      %scan3A_165 = arith.constant 15 : i32
      %scan3A_166 = arith.addi %scan3A_17, %scan3A_165 : i32
      %mul3A_167 = arith.constant 1 : i32
      %mul3A_168 = arith.muli %scan3A_166, %mul3A_167 : i32
      %add3A_169 = arith.constant 0 : i32
      %add3A_170 = arith.addi %add3A_169, %mul3A_168 : i32
      %mul3A_171 = arith.constant 16 : i32
      %mul3A_172 = arith.muli %add3A_170, %mul3A_171 : i32
      %get3A_173 = arith.index_cast %mul3A_172 : i32 to index
      %get3A_174 = tpu.vector_load %arg5[%get3A_173] {strides = array<i32>} : memref<10000xi32, #tpu.memory_space<vmem>>, vector<16xi32>,
      tpu.vector_store_idx %arg6[%get3A_174], %broadcast_in_dim3A_3 {add = true} : memref<10240xf32, #tpu.memory_space<vmem>>[vector<16xi32>], vector<16xf32>,
      %scan3A_175 = arith.constant 16 : i32
      %scan3A_176 = arith.addi %scan3A_17, %scan3A_175 : i32
      %mul3A_177 = arith.constant 1 : i32
      %mul3A_178 = arith.muli %scan3A_176, %mul3A_177 : i32
      %add3A_179 = arith.constant 0 : i32
      %add3A_180 = arith.addi %add3A_179, %mul3A_178 : i32
      %mul3A_181 = arith.constant 16 : i32
      %mul3A_182 = arith.muli %add3A_180, %mul3A_181 : i32
      %get3A_183 = arith.index_cast %mul3A_182 : i32 to index
      %get3A_184 = tpu.vector_load %arg5[%get3A_183] {strides = array<i32>} : memref<10000xi32, #tpu.memory_space<vmem>>, vector<16xi32>,
      tpu.vector_store_idx %arg6[%get3A_184], %broadcast_in_dim3A_3 {add = true} : memref<10240xf32, #tpu.memory_space<vmem>>[vector<16xi32>], vector<16xf32>,
      %scan3A_185 = arith.constant 17 : i32
      %scan3A_186 = arith.addi %scan3A_17, %scan3A_185 : i32
      %mul3A_187 = arith.constant 1 : i32
      %mul3A_188 = arith.muli %scan3A_186, %mul3A_187 : i32
      %add3A_189 = arith.constant 0 : i32
      %add3A_190 = arith.addi %add3A_189, %mul3A_188 : i32
      %mul3A_191 = arith.constant 16 : i32
      %mul3A_192 = arith.muli %add3A_190, %mul3A_191 : i32
      %get3A_193 = arith.index_cast %mul3A_192 : i32 to index
      %get3A_194 = tpu.vector_load %arg5[%get3A_193] {strides = array<i32>} : memref<10000xi32, #tpu.memory_space<vmem>>, vector<16xi32>,
      tpu.vector_store_idx %arg6[%get3A_194], %broadcast_in_dim3A_3 {add = true} : memref<10240xf32, #tpu.memory_space<vmem>>[vector<16xi32>], vector<16xf32>,
      %scan3A_195 = arith.constant 18 : i32
      %scan3A_196 = arith.addi %scan3A_17, %scan3A_195 : i32
      %mul3A_197 = arith.constant 1 : i32
      %mul3A_198 = arith.muli %scan3A_196, %mul3A_197 : i32
      %add3A_199 = arith.constant 0 : i32
      %add3A_200 = arith.addi %add3A_199, %mul3A_198 : i32
      %mul3A_201 = arith.constant 16 : i32
      %mul3A_202 = arith.muli %add3A_200, %mul3A_201 : i32
      %get3A_203 = arith.index_cast %mul3A_202 : i32 to index
      %get3A_204 = tpu.vector_load %arg5[%get3A_203] {strides = array<i32>} : memref<10000xi32, #tpu.memory_space<vmem>>, vector<16xi32>,
      tpu.vector_store_idx %arg6[%get3A_204], %broadcast_in_dim3A_3 {add = true} : memref<10240xf32, #tpu.memory_space<vmem>>[vector<16xi32>], vector<16xf32>,
      %scan3A_205 = arith.constant 19 : i32
      %scan3A_206 = arith.addi %scan3A_17, %scan3A_205 : i32
      %mul3A_207 = arith.constant 1 : i32
      %mul3A_208 = arith.muli %scan3A_206, %mul3A_207 : i32
      %add3A_209 = arith.constant 0 : i32
      %add3A_210 = arith.addi %add3A_209, %mul3A_208 : i32
      %mul3A_211 = arith.constant 16 : i32
      %mul3A_212 = arith.muli %add3A_210, %mul3A_211 : i32
      %get3A_213 = arith.index_cast %mul3A_212 : i32 to index
      %get3A_214 = tpu.vector_load %arg5[%get3A_213] {strides = array<i32>} : memref<10000xi32, #tpu.memory_space<vmem>>, vector<16xi32>,
      tpu.vector_store_idx %arg6[%get3A_214], %broadcast_in_dim3A_3 {add = true} : memref<10240xf32, #tpu.memory_space<vmem>>[vector<16xi32>], vector<16xf32>,
      %scan3A_215 = arith.constant 20 : i32
      %scan3A_216 = arith.addi %scan3A_17, %scan3A_215 : i32
      %mul3A_217 = arith.constant 1 : i32
      %mul3A_218 = arith.muli %scan3A_216, %mul3A_217 : i32
      %add3A_219 = arith.constant 0 : i32
      %add3A_220 = arith.addi %add3A_219, %mul3A_218 : i32
      %mul3A_221 = arith.constant 16 : i32
      %mul3A_222 = arith.muli %add3A_220, %mul3A_221 : i32
      %get3A_223 = arith.index_cast %mul3A_222 : i32 to index
      %get3A_224 = tpu.vector_load %arg5[%get3A_223] {strides = array<i32>} : memref<10000xi32, #tpu.memory_space<vmem>>, vector<16xi32>,
      tpu.vector_store_idx %arg6[%get3A_224], %broadcast_in_dim3A_3 {add = true} : memref<10240xf32, #tpu.memory_space<vmem>>[vector<16xi32>], vector<16xf32>,
      %scan3A_225 = arith.constant 21 : i32
      %scan3A_226 = arith.addi %scan3A_17, %scan3A_225 : i32
      %mul3A_227 = arith.constant 1 : i32
      %mul3A_228 = arith.muli %scan3A_226, %mul3A_227 : i32
      %add3A_229 = arith.constant 0 : i32
      %add3A_230 = arith.addi %add3A_229, %mul3A_228 : i32
      %mul3A_231 = arith.constant 16 : i32
      %mul3A_232 = arith.muli %add3A_230, %mul3A_231 : i32
      %get3A_233 = arith.index_cast %mul3A_232 : i32 to index
      %get3A_234 = tpu.vector_load %arg5[%get3A_233] {strides = array<i32>} : memref<10000xi32, #tpu.memory_space<vmem>>, vector<16xi32>,
      tpu.vector_store_idx %arg6[%get3A_234], %broadcast_in_dim3A_3 {add = true} : memref<10240xf32, #tpu.memory_space<vmem>>[vector<16xi32>], vector<16xf32>,
      %scan3A_235 = arith.constant 22 : i32
      %scan3A_236 = arith.addi %scan3A_17, %scan3A_235 : i32
      %mul3A_237 = arith.constant 1 : i32
      %mul3A_238 = arith.muli %scan3A_236, %mul3A_237 : i32
      %add3A_239 = arith.constant 0 : i32
      %add3A_240 = arith.addi %add3A_239, %mul3A_238 : i32
      %mul3A_241 = arith.constant 16 : i32
      %mul3A_242 = arith.muli %add3A_240, %mul3A_241 : i32
      %get3A_243 = arith.index_cast %mul3A_242 : i32 to index
      %get3A_244 = tpu.vector_load %arg5[%get3A_243] {strides = array<i32>} : memref<10000xi32, #tpu.memory_space<vmem>>, vector<16xi32>,
      tpu.vector_store_idx %arg6[%get3A_244], %broadcast_in_dim3A_3 {add = true} : memref<10240xf32, #tpu.memory_space<vmem>>[vector<16xi32>], vector<16xf32>,
      %scan3A_245 = arith.constant 23 : i32
      %scan3A_246 = arith.addi %scan3A_17, %scan3A_245 : i32
      %mul3A_247 = arith.constant 1 : i32
      %mul3A_248 = arith.muli %scan3A_246, %mul3A_247 : i32
      %add3A_249 = arith.constant 0 : i32
      %add3A_250 = arith.addi %add3A_249, %mul3A_248 : i32
      %mul3A_251 = arith.constant 16 : i32
      %mul3A_252 = arith.muli %add3A_250, %mul3A_251 : i32
      %get3A_253 = arith.index_cast %mul3A_252 : i32 to index
      %get3A_254 = tpu.vector_load %arg5[%get3A_253] {strides = array<i32>} : memref<10000xi32, #tpu.memory_space<vmem>>, vector<16xi32>,
      tpu.vector_store_idx %arg6[%get3A_254], %broadcast_in_dim3A_3 {add = true} : memref<10240xf32, #tpu.memory_space<vmem>>[vector<16xi32>], vector<16xf32>,
      %scan3A_255 = arith.constant 24 : i32
      %scan3A_256 = arith.addi %scan3A_17, %scan3A_255 : i32
      %mul3A_257 = arith.constant 1 : i32
      %mul3A_258 = arith.muli %scan3A_256, %mul3A_257 : i32
      %add3A_259 = arith.constant 0 : i32
      %add3A_260 = arith.addi %add3A_259, %mul3A_258 : i32
      %mul3A_261 = arith.constant 16 : i32
      %mul3A_262 = arith.muli %add3A_260, %mul3A_261 : i32
      %get3A_263 = arith.index_cast %mul3A_262 : i32 to index
      %get3A_264 = tpu.vector_load %arg5[%get3A_263] {strides = array<i32>} : memref<10000xi32, #tpu.memory_space<vmem>>, vector<16xi32>,
      tpu.vector_store_idx %arg6[%get3A_264], %broadcast_in_dim3A_3 {add = true} : memref<10240xf32, #tpu.memory_space<vmem>>[vector<16xi32>], vector<16xf32>,
    }
    %scan3A_7 = arith.constant 625 : i32
    "tpu.region"() ({
      %run_scoped3A = tpu.sem_alloc : memref<!tpu.dma_semaphore, #tpu.memory_space<semaphore_mem>>
      %dma_start3A = arith.constant 0 : i32
      %dma_start3A_17 = tpu.memref_slice %arg9[%arg1, %dma_start3A] : memref<16x10240xf32, #tpu.memory_space<vmem_shared>> -> memref<1x10240xf32, #tpu.memory_space<vmem_shared>>
      %dma_start3A_18 = tpu.memref_squeeze %dma_start3A_17 : memref<1x10240xf32, #tpu.memory_space<vmem_shared>> -> memref<10240xf32, #tpu.memory_space<vmem_shared>>
      %dma_start3A_19 = arith.constant 0 : i32
      %dma_start3A_20 = tpu.memref_slice %arg9[%arg1, %dma_start3A_19] : memref<16x10240xf32, #tpu.memory_space<vmem_shared>> -> memref<1x10240xf32, #tpu.memory_space<vmem_shared>>
      %dma_start3A_21 = tpu.memref_squeeze %dma_start3A_20 : memref<1x10240xf32, #tpu.memory_space<vmem_shared>> -> memref<10240xf32, #tpu.memory_space<vmem_shared>>
      tpu.enqueue_dma source(%arg6 : memref<10240xf32, #tpu.memory_space<vmem>>) target(%dma_start3A_21 : memref<10240xf32, #tpu.memory_space<vmem_shared>>) target_semaphore(%run_scoped3A : memref<!tpu.dma_semaphore, #tpu.memory_space<semaphore_mem>>)
      %dma_wait3A = arith.constant 0 : i32
      %dma_wait3A_22 = tpu.memref_slice %arg9[%arg1, %dma_wait3A] : memref<16x10240xf32, #tpu.memory_space<vmem_shared>> -> memref<1x10240xf32, #tpu.memory_space<vmem_shared>>
      %dma_wait3A_23 = tpu.memref_squeeze %dma_wait3A_22 : memref<1x10240xf32, #tpu.memory_space<vmem_shared>> -> memref<10240xf32, #tpu.memory_space<vmem_shared>>
      %dma_wait3A_24 = arith.constant 0 : i32
      %dma_wait3A_25 = tpu.memref_slice %arg9[%arg1, %dma_wait3A_24] : memref<16x10240xf32, #tpu.memory_space<vmem_shared>> -> memref<1x10240xf32, #tpu.memory_space<vmem_shared>>
      %dma_wait3A_26 = tpu.memref_squeeze %dma_wait3A_25 : memref<1x10240xf32, #tpu.memory_space<vmem_shared>> -> memref<10240xf32, #tpu.memory_space<vmem_shared>>
      tpu.wait_dma2 semaphore(%run_scoped3A : memref<!tpu.dma_semaphore, #tpu.memory_space<semaphore_mem>>) src(%arg6 : memref<10240xf32, #tpu.memory_space<vmem>>) dst(%dma_wait3A_26 : memref<10240xf32, #tpu.memory_space<vmem_shared>>)
      tpu.yield
    }) : () -> ()
    %barrier3A = arith.constant 0 : index
    tpu.barrier barrier_id(%barrier3A)
    %mul3A_8 = arith.constant 640 : i32
    %mul3A_9 = arith.muli %arg1, %mul3A_8 : i32
    "tpu.region"() ({
      %run_scoped3A = tpu.sem_alloc : memref<!tpu.dma_semaphore, #tpu.memory_space<semaphore_mem>>
      %dma_start3A = arith.constant 0 : i32
      %dma_start3A_17 = tpu.memref_slice %arg9[%dma_start3A, %mul3A_9] : memref<16x10240xf32, #tpu.memory_space<vmem_shared>> -> memref<16x640xf32, #tpu.memory_space<vmem_shared>>
      %dma_start3A_18 = arith.constant 0 : i32
      %dma_start3A_19 = tpu.memref_slice %arg9[%dma_start3A_18, %mul3A_9] : memref<16x10240xf32, #tpu.memory_space<vmem_shared>> -> memref<16x640xf32, #tpu.memory_space<vmem_shared>>
      tpu.enqueue_dma source(%dma_start3A_19 : memref<16x640xf32, #tpu.memory_space<vmem_shared>>) target(%arg7 : memref<16x640xf32, #tpu.memory_space<vmem>>) target_semaphore(%run_scoped3A : memref<!tpu.dma_semaphore, #tpu.memory_space<semaphore_mem>>)
      %dma_wait3A = arith.constant 0 : i32
      %dma_wait3A_20 = tpu.memref_slice %arg9[%dma_wait3A, %mul3A_9] : memref<16x10240xf32, #tpu.memory_space<vmem_shared>> -> memref<16x640xf32, #tpu.memory_space<vmem_shared>>
      %dma_wait3A_21 = arith.constant 0 : i32
      %dma_wait3A_22 = tpu.memref_slice %arg9[%dma_wait3A_21, %mul3A_9] : memref<16x10240xf32, #tpu.memory_space<vmem_shared>> -> memref<16x640xf32, #tpu.memory_space<vmem_shared>>
      tpu.wait_dma2 semaphore(%run_scoped3A : memref<!tpu.dma_semaphore, #tpu.memory_space<semaphore_mem>>) src(%dma_wait3A_22 : memref<16x640xf32, #tpu.memory_space<vmem_shared>>) dst(%arg7 : memref<16x640xf32, #tpu.memory_space<vmem>>)
      tpu.yield
    }) : () -> ()
    %scan3A_10 = arith.constant 0 : i32
    %scan3A_11 = arith.constant 40 : i32
    %scan3A_12 = arith.addi %scan3A_10, %scan3A_11 : i32
    %scan3A_13 = arith.constant 1 : i32
    scf.for %scan3A_17 = %scan3A_10 to %scan3A_12 step %scan3A_13  : i32 {
      %mul3A_18 = arith.constant 1 : i32
      %mul3A_19 = arith.muli %scan3A_17, %mul3A_18 : i32
      %add3A_20 = arith.constant 0 : i32
      %add3A_21 = arith.addi %add3A_20, %mul3A_19 : i32
      %mul3A_22 = arith.constant 16 : i32
      %mul3A_23 = arith.muli %add3A_21, %mul3A_22 : i32
      %get3A = arith.constant 0 : i32
      %get3A_24 = arith.index_cast %get3A : i32 to index
      %get3A_25 = arith.index_cast %mul3A_23 : i32 to index
      %get3A_26 = tpu.vector_load %arg7[%get3A_24, %get3A_25] {strides = array<i32>} : memref<16x640xf32, #tpu.memory_space<vmem>>, vector<16xf32>,
      %mul3A_27 = arith.constant 16 : i32
      %mul3A_28 = arith.muli %add3A_21, %mul3A_27 : i32
      %get3A_29 = arith.constant 1 : i32
      %get3A_30 = arith.index_cast %get3A_29 : i32 to index
      %get3A_31 = arith.index_cast %mul3A_28 : i32 to index
      %get3A_32 = tpu.vector_load %arg7[%get3A_30, %get3A_31] {strides = array<i32>} : memref<16x640xf32, #tpu.memory_space<vmem>>, vector<16xf32>,
      %add3A_33 = arith.addf %get3A_26, %get3A_32 : vector<16xf32>
      %mul3A_34 = arith.constant 16 : i32
      %mul3A_35 = arith.muli %add3A_21, %mul3A_34 : i32
      %get3A_36 = arith.constant 2 : i32
      %get3A_37 = arith.index_cast %get3A_36 : i32 to index
      %get3A_38 = arith.index_cast %mul3A_35 : i32 to index
      %get3A_39 = tpu.vector_load %arg7[%get3A_37, %get3A_38] {strides = array<i32>} : memref<16x640xf32, #tpu.memory_space<vmem>>, vector<16xf32>,
      %add3A_40 = arith.addf %add3A_33, %get3A_39 : vector<16xf32>
      %mul3A_41 = arith.constant 16 : i32
      %mul3A_42 = arith.muli %add3A_21, %mul3A_41 : i32
      %get3A_43 = arith.constant 3 : i32
      %get3A_44 = arith.index_cast %get3A_43 : i32 to index
      %get3A_45 = arith.index_cast %mul3A_42 : i32 to index
      %get3A_46 = tpu.vector_load %arg7[%get3A_44, %get3A_45] {strides = array<i32>} : memref<16x640xf32, #tpu.memory_space<vmem>>, vector<16xf32>,
      %add3A_47 = arith.addf %add3A_40, %get3A_46 : vector<16xf32>
      %mul3A_48 = arith.constant 16 : i32
      %mul3A_49 = arith.muli %add3A_21, %mul3A_48 : i32
      %get3A_50 = arith.constant 4 : i32
      %get3A_51 = arith.index_cast %get3A_50 : i32 to index
      %get3A_52 = arith.index_cast %mul3A_49 : i32 to index
      %get3A_53 = tpu.vector_load %arg7[%get3A_51, %get3A_52] {strides = array<i32>} : memref<16x640xf32, #tpu.memory_space<vmem>>, vector<16xf32>,
      %add3A_54 = arith.addf %add3A_47, %get3A_53 : vector<16xf32>
      %mul3A_55 = arith.constant 16 : i32
      %mul3A_56 = arith.muli %add3A_21, %mul3A_55 : i32
      %get3A_57 = arith.constant 5 : i32
      %get3A_58 = arith.index_cast %get3A_57 : i32 to index
      %get3A_59 = arith.index_cast %mul3A_56 : i32 to index
      %get3A_60 = tpu.vector_load %arg7[%get3A_58, %get3A_59] {strides = array<i32>} : memref<16x640xf32, #tpu.memory_space<vmem>>, vector<16xf32>,
      %add3A_61 = arith.addf %add3A_54, %get3A_60 : vector<16xf32>
      %mul3A_62 = arith.constant 16 : i32
      %mul3A_63 = arith.muli %add3A_21, %mul3A_62 : i32
      %get3A_64 = arith.constant 6 : i32
      %get3A_65 = arith.index_cast %get3A_64 : i32 to index
      %get3A_66 = arith.index_cast %mul3A_63 : i32 to index
      %get3A_67 = tpu.vector_load %arg7[%get3A_65, %get3A_66] {strides = array<i32>} : memref<16x640xf32, #tpu.memory_space<vmem>>, vector<16xf32>,
      %add3A_68 = arith.addf %add3A_61, %get3A_67 : vector<16xf32>
      %mul3A_69 = arith.constant 16 : i32
      %mul3A_70 = arith.muli %add3A_21, %mul3A_69 : i32
      %get3A_71 = arith.constant 7 : i32
      %get3A_72 = arith.index_cast %get3A_71 : i32 to index
      %get3A_73 = arith.index_cast %mul3A_70 : i32 to index
      %get3A_74 = tpu.vector_load %arg7[%get3A_72, %get3A_73] {strides = array<i32>} : memref<16x640xf32, #tpu.memory_space<vmem>>, vector<16xf32>,
      %add3A_75 = arith.addf %add3A_68, %get3A_74 : vector<16xf32>
      %mul3A_76 = arith.constant 16 : i32
      %mul3A_77 = arith.muli %add3A_21, %mul3A_76 : i32
      %get3A_78 = arith.constant 8 : i32
      %get3A_79 = arith.index_cast %get3A_78 : i32 to index
      %get3A_80 = arith.index_cast %mul3A_77 : i32 to index
      %get3A_81 = tpu.vector_load %arg7[%get3A_79, %get3A_80] {strides = array<i32>} : memref<16x640xf32, #tpu.memory_space<vmem>>, vector<16xf32>,
      %add3A_82 = arith.addf %add3A_75, %get3A_81 : vector<16xf32>
      %mul3A_83 = arith.constant 16 : i32
      %mul3A_84 = arith.muli %add3A_21, %mul3A_83 : i32
      %get3A_85 = arith.constant 9 : i32
      %get3A_86 = arith.index_cast %get3A_85 : i32 to index
      %get3A_87 = arith.index_cast %mul3A_84 : i32 to index
      %get3A_88 = tpu.vector_load %arg7[%get3A_86, %get3A_87] {strides = array<i32>} : memref<16x640xf32, #tpu.memory_space<vmem>>, vector<16xf32>,
      %add3A_89 = arith.addf %add3A_82, %get3A_88 : vector<16xf32>
      %mul3A_90 = arith.constant 16 : i32
      %mul3A_91 = arith.muli %add3A_21, %mul3A_90 : i32
      %get3A_92 = arith.constant 10 : i32
      %get3A_93 = arith.index_cast %get3A_92 : i32 to index
      %get3A_94 = arith.index_cast %mul3A_91 : i32 to index
      %get3A_95 = tpu.vector_load %arg7[%get3A_93, %get3A_94] {strides = array<i32>} : memref<16x640xf32, #tpu.memory_space<vmem>>, vector<16xf32>,
      %add3A_96 = arith.addf %add3A_89, %get3A_95 : vector<16xf32>
      %mul3A_97 = arith.constant 16 : i32
      %mul3A_98 = arith.muli %add3A_21, %mul3A_97 : i32
      %get3A_99 = arith.constant 11 : i32
      %get3A_100 = arith.index_cast %get3A_99 : i32 to index
      %get3A_101 = arith.index_cast %mul3A_98 : i32 to index
      %get3A_102 = tpu.vector_load %arg7[%get3A_100, %get3A_101] {strides = array<i32>} : memref<16x640xf32, #tpu.memory_space<vmem>>, vector<16xf32>,
      %add3A_103 = arith.addf %add3A_96, %get3A_102 : vector<16xf32>
      %mul3A_104 = arith.constant 16 : i32
      %mul3A_105 = arith.muli %add3A_21, %mul3A_104 : i32
      %get3A_106 = arith.constant 12 : i32
      %get3A_107 = arith.index_cast %get3A_106 : i32 to index
      %get3A_108 = arith.index_cast %mul3A_105 : i32 to index
      %get3A_109 = tpu.vector_load %arg7[%get3A_107, %get3A_108] {strides = array<i32>} : memref<16x640xf32, #tpu.memory_space<vmem>>, vector<16xf32>,
      %add3A_110 = arith.addf %add3A_103, %get3A_109 : vector<16xf32>
      %mul3A_111 = arith.constant 16 : i32
      %mul3A_112 = arith.muli %add3A_21, %mul3A_111 : i32
      %get3A_113 = arith.constant 13 : i32
      %get3A_114 = arith.index_cast %get3A_113 : i32 to index
      %get3A_115 = arith.index_cast %mul3A_112 : i32 to index
      %get3A_116 = tpu.vector_load %arg7[%get3A_114, %get3A_115] {strides = array<i32>} : memref<16x640xf32, #tpu.memory_space<vmem>>, vector<16xf32>,
      %add3A_117 = arith.addf %add3A_110, %get3A_116 : vector<16xf32>
      %mul3A_118 = arith.constant 16 : i32
      %mul3A_119 = arith.muli %add3A_21, %mul3A_118 : i32
      %get3A_120 = arith.constant 14 : i32
      %get3A_121 = arith.index_cast %get3A_120 : i32 to index
      %get3A_122 = arith.index_cast %mul3A_119 : i32 to index
      %get3A_123 = tpu.vector_load %arg7[%get3A_121, %get3A_122] {strides = array<i32>} : memref<16x640xf32, #tpu.memory_space<vmem>>, vector<16xf32>,
      %add3A_124 = arith.addf %add3A_117, %get3A_123 : vector<16xf32>
      %mul3A_125 = arith.constant 16 : i32
      %mul3A_126 = arith.muli %add3A_21, %mul3A_125 : i32
      %get3A_127 = arith.constant 15 : i32
      %get3A_128 = arith.index_cast %get3A_127 : i32 to index
      %get3A_129 = arith.index_cast %mul3A_126 : i32 to index
      %get3A_130 = tpu.vector_load %arg7[%get3A_128, %get3A_129] {strides = array<i32>} : memref<16x640xf32, #tpu.memory_space<vmem>>, vector<16xf32>,
      %add3A_131 = arith.addf %add3A_124, %get3A_130 : vector<16xf32>
      %mul3A_132 = arith.constant 16 : i32
      %mul3A_133 = arith.muli %add3A_21, %mul3A_132 : i32
      %swap3A = arith.index_cast %mul3A_133 : i32 to index
      %swap3A_134 = tpu.vector_load %arg8[%swap3A] {strides = array<i32>} : memref<640xf32, #tpu.memory_space<vmem>>, vector<16xf32>,
      tpu.vector_store %arg8[%swap3A], %add3A_131 {strides = array<i32>} : memref<640xf32, #tpu.memory_space<vmem>>, vector<16xf32>,
    }
    %scan3A_14 = arith.constant 40 : i32
    %mul3A_15 = arith.constant 640 : i32
    %mul3A_16 = arith.muli %arg1, %mul3A_15 : i32
    "tpu.region"() ({
      %run_scoped3A = tpu.sem_alloc : memref<!tpu.dma_semaphore, #tpu.memory_space<semaphore_mem>>
      %dma_start3A = tpu.memref_slice %arg4[%arg0, %mul3A_16] : memref<2x10240xf32, #tpu.memory_space<hbm>> -> memref<1x640xf32, #tpu.memory_space<hbm>>
      %dma_start3A_17 = tpu.memref_squeeze %dma_start3A : memref<1x640xf32, #tpu.memory_space<hbm>> -> memref<640xf32, #tpu.memory_space<hbm>>
      %dma_start3A_18 = tpu.memref_slice %arg4[%arg0, %mul3A_16] : memref<2x10240xf32, #tpu.memory_space<hbm>> -> memref<1x640xf32, #tpu.memory_space<hbm>>
      %dma_start3A_19 = tpu.memref_squeeze %dma_start3A_18 : memref<1x640xf32, #tpu.memory_space<hbm>> -> memref<640xf32, #tpu.memory_space<hbm>>
      tpu.enqueue_dma source(%arg8 : memref<640xf32, #tpu.memory_space<vmem>>) target(%dma_start3A_19 : memref<640xf32, #tpu.memory_space<hbm>>) target_semaphore(%run_scoped3A : memref<!tpu.dma_semaphore, #tpu.memory_space<semaphore_mem>>)
      %dma_wait3A = tpu.memref_slice %arg4[%arg0, %mul3A_16] : memref<2x10240xf32, #tpu.memory_space<hbm>> -> memref<1x640xf32, #tpu.memory_space<hbm>>
      %dma_wait3A_20 = tpu.memref_squeeze %dma_wait3A : memref<1x640xf32, #tpu.memory_space<hbm>> -> memref<640xf32, #tpu.memory_space<hbm>>
      %dma_wait3A_21 = tpu.memref_slice %arg4[%arg0, %mul3A_16] : memref<2x10240xf32, #tpu.memory_space<hbm>> -> memref<1x640xf32, #tpu.memory_space<hbm>>
      %dma_wait3A_22 = tpu.memref_squeeze %dma_wait3A_21 : memref<1x640xf32, #tpu.memory_space<hbm>> -> memref<640xf32, #tpu.memory_space<hbm>>
      tpu.wait_dma2 semaphore(%run_scoped3A : memref<!tpu.dma_semaphore, #tpu.memory_space<semaphore_mem>>) src(%arg8 : memref<640xf32, #tpu.memory_space<vmem>>) dst(%dma_wait3A_22 : memref<640xf32, #tpu.memory_space<hbm>>)
      tpu.yield
    }) : () -> ()
    return
  }
}

module attributes {stable_mosaic.version = 14 : i64} {
  func.func @_mm_body(%arg0: i32, %arg1: memref<2560x128xf32, #tpu.memory_space<vmem>>, %arg2: memref<128x128xf32, #tpu.memory_space<vmem>>, %arg3: memref<1x128xf32, #tpu.memory_space<vmem>>, %arg4: memref<2560x128xf32, #tpu.memory_space<vmem>>) attributes {dimension_semantics = [#tpu.dimension_semantics<arbitrary>], iteration_bounds = array<i64: 4>, scalar_prefetch = 0 : i64, scratch_operands = 0 : i64, tpu.core_type = #tpu.core_type<tc>, window_params = [{transform_indices = @transform_0, window_bounds = array<i64: 2560, 128>}, {pipeline_mode = #tpu.pipeline_mode<synchronous>, transform_indices = @transform_1, window_bounds = array<i64: 128, 128>}, {pipeline_mode = #tpu.pipeline_mode<synchronous>, transform_indices = @transform_2, window_bounds = array<i64: 1, 128>}, {transform_indices = @transform_3, window_bounds = array<i64: 2560, 128>}]} {
    %get3A = arith.constant 0 : index
    %get3A_0 = arith.constant 0 : index
    %get3A_1 = vector.load %arg1[%get3A, %get3A_0] : memref<2560x128xf32, #tpu.memory_space<vmem>>, vector<2560x128xf32>
    %get3A_2 = arith.constant 0 : index
    %get3A_3 = arith.constant 0 : index
    %get3A_4 = vector.load %arg2[%get3A_2, %get3A_3] : memref<128x128xf32, #tpu.memory_space<vmem>>, vector<128x128xf32>
    %dot_general3A = arith.constant dense<0.000000e+00> : vector<2560x128xf32>
    %dot_general3A_5 = tpu.matmul %get3A_1, %get3A_4, %dot_general3A {dimension_numbers = #tpu.dot_dimension_numbers<[1], [1], [0], [0], [0, 0, 1, 0], [], []>, transpose_lhs_hint = false} : vector<2560x128xf32>, vector<128x128xf32>, vector<2560x128xf32> -> vector<2560x128xf32>
    %get3A_6 = arith.constant 0 : index
    %get3A_7 = arith.constant 0 : index
    %get3A_8 = vector.load %arg3[%get3A_6, %get3A_7] : memref<1x128xf32, #tpu.memory_space<vmem>>, vector<1x128xf32>
    %add3A = vector.broadcast %get3A_8 : vector<1x128xf32> to vector<2560x128xf32>
    %add3A_9 = arith.addf %dot_general3A_5, %add3A : vector<2560x128xf32>
    %swap3A = arith.constant 0 : index
    %swap3A_10 = arith.constant 0 : index
    %swap3A_11 = vector.load %arg4[%swap3A, %swap3A_10] : memref<2560x128xf32, #tpu.memory_space<vmem>>, vector<2560x128xf32>
    tpu.vector_store %arg4[%swap3A, %swap3A_10], %add3A_9 {strides = array<i32>} : memref<2560x128xf32, #tpu.memory_space<vmem>>, vector<2560x128xf32>,
    return
  }
  func.func @transform_0(%arg0: i32) -> (i32, i32) {
    %c0_i32 = arith.constant 0 : i32
    %c0_i32_0 = arith.constant 0 : i32
    return %arg0, %c0_i32 : i32, i32
  }
  func.func @transform_1(%arg0: i32) -> (i32, i32) {
    %c0_i32 = arith.constant 0 : i32
    %c0_i32_0 = arith.constant 0 : i32
    %c0_i32_1 = arith.constant 0 : i32
    return %c0_i32, %c0_i32_0 : i32, i32
  }
  func.func @transform_2(%arg0: i32) -> (i32, i32) {
    %c0_i32 = arith.constant 0 : i32
    %c0_i32_0 = arith.constant 0 : i32
    %c0_i32_1 = arith.constant 0 : i32
    return %c0_i32, %c0_i32_0 : i32, i32
  }
  func.func @transform_3(%arg0: i32) -> (i32, i32) {
    %c0_i32 = arith.constant 0 : i32
    %c0_i32_0 = arith.constant 0 : i32
    return %arg0, %c0_i32 : i32, i32
  }
}

module attributes {stable_mosaic.version = 14 : i64} {
  func.func @_norm_body(%arg0: i32, %arg1: memref<2x2560xf32, #tpu.memory_space<vmem>>, %arg2: memref<2560x128xf32, #tpu.memory_space<vmem>>, %arg3: memref<2560x128xf32, #tpu.memory_space<vmem>>, %arg4: memref<2560x1xf32, #tpu.memory_space<vmem>>) attributes {dimension_semantics = [#tpu.dimension_semantics<arbitrary>], iteration_bounds = array<i64: 4>, scalar_prefetch = 0 : i64, scratch_operands = 0 : i64, tpu.core_type = #tpu.core_type<tc>, window_params = [{transform_indices = @transform_0, window_bounds = array<i64: 2, 2560>}, {transform_indices = @transform_1, window_bounds = array<i64: 2560, 128>}, {transform_indices = @transform_2, window_bounds = array<i64: 2560, 128>}, {transform_indices = @transform_3, window_bounds = array<i64: 2560, 1>}]} {
    %get3A = arith.constant 0 : index
    %get3A_0 = arith.constant 0 : index
    %get3A_1 = vector.load %arg1[%get3A, %get3A_0] : memref<2x2560xf32, #tpu.memory_space<vmem>>, vector<2x2560xf32>
    %slice3A = vector.extract_strided_slice %get3A_1 {offsets = [0, 0], sizes = [1, 2560], strides = [1, 1]} : vector<2x2560xf32> to vector<1x2560xf32>
    %squeeze3A = vector.shape_cast %slice3A : vector<1x2560xf32> to vector<2560xf32>
    %slice3A_2 = vector.extract_strided_slice %get3A_1 {offsets = [1, 0], sizes = [1, 2560], strides = [1, 1]} : vector<2x2560xf32> to vector<1x2560xf32>
    %squeeze3A_3 = vector.shape_cast %slice3A_2 : vector<1x2560xf32> to vector<2560xf32>
    %add3A = arith.addf %squeeze3A, %squeeze3A_3 : vector<2560xf32>
    %add3A_4 = arith.constant 1.000000e+00 : f32
    %add3A_5 = vector.broadcast %add3A_4 : f32 to vector<2560xf32>
    %add3A_6 = arith.addf %add3A_5, %add3A : vector<2560xf32>
    %rsqrt3A = math.rsqrt %add3A_6 : vector<2560xf32>
    %broadcast_in_dim3A = vector.shape_cast %rsqrt3A : vector<2560xf32> to vector<2560x1xf32>
    %swap3A = arith.constant 0 : index
    %swap3A_7 = arith.constant 0 : index
    %swap3A_8 = vector.load %arg4[%swap3A, %swap3A_7] : memref<2560x1xf32, #tpu.memory_space<vmem>>, vector<2560x1xf32>
    tpu.vector_store %arg4[%swap3A, %swap3A_7], %broadcast_in_dim3A {strides = array<i32>} : memref<2560x1xf32, #tpu.memory_space<vmem>>, vector<2560x1xf32>,
    %get3A_9 = arith.constant 0 : index
    %get3A_10 = arith.constant 0 : index
    %get3A_11 = vector.load %arg2[%get3A_9, %get3A_10] : memref<2560x128xf32, #tpu.memory_space<vmem>>, vector<2560x128xf32>
    %mul3A = vector.broadcast %broadcast_in_dim3A : vector<2560x1xf32> to vector<2560x128xf32>
    %mul3A_12 = arith.mulf %mul3A, %get3A_11 : vector<2560x128xf32>
    %swap3A_13 = arith.constant 0 : index
    %swap3A_14 = arith.constant 0 : index
    %swap3A_15 = vector.load %arg3[%swap3A_13, %swap3A_14] : memref<2560x128xf32, #tpu.memory_space<vmem>>, vector<2560x128xf32>
    tpu.vector_store %arg3[%swap3A_13, %swap3A_14], %mul3A_12 {strides = array<i32>} : memref<2560x128xf32, #tpu.memory_space<vmem>>, vector<2560x128xf32>,
    return
  }
  func.func @transform_0(%arg0: i32) -> (i32, i32) {
    %c0_i32 = arith.constant 0 : i32
    %c0_i32_0 = arith.constant 0 : i32
    return %c0_i32, %arg0 : i32, i32
  }
  func.func @transform_1(%arg0: i32) -> (i32, i32) {
    %c0_i32 = arith.constant 0 : i32
    %c0_i32_0 = arith.constant 0 : i32
    return %arg0, %c0_i32 : i32, i32
  }
  func.func @transform_2(%arg0: i32) -> (i32, i32) {
    %c0_i32 = arith.constant 0 : i32
    %c0_i32_0 = arith.constant 0 : i32
    return %arg0, %c0_i32 : i32, i32
  }
  func.func @transform_3(%arg0: i32) -> (i32, i32) {
    %c0_i32 = arith.constant 0 : i32
    %c0_i32_0 = arith.constant 0 : i32
    return %arg0, %c0_i32 : i32, i32
  }
}

module attributes {stable_mosaic.version = 14 : i64} {
  func.func @_comb_body(%arg0: i32, %arg1: memref<2x2560x128xf32, #tpu.memory_space<vmem>>, %arg2: memref<2560x128xf32, #tpu.memory_space<vmem>>, %arg3: memref<2560x1xf32, #tpu.memory_space<vmem>>, %arg4: memref<2560x128xf32, #tpu.memory_space<vmem>>) attributes {dimension_semantics = [#tpu.dimension_semantics<arbitrary>], iteration_bounds = array<i64: 4>, scalar_prefetch = 0 : i64, scratch_operands = 0 : i64, tpu.core_type = #tpu.core_type<tc>, window_params = [{transform_indices = @transform_0, window_bounds = array<i64: 2, 2560, 128>}, {transform_indices = @transform_1, window_bounds = array<i64: 2560, 128>}, {transform_indices = @transform_2, window_bounds = array<i64: 2560, 1>}, {transform_indices = @transform_3, window_bounds = array<i64: 2560, 128>}]} {
    %get3A = arith.constant 0 : index
    %get3A_0 = arith.constant 0 : index
    %get3A_1 = arith.constant 0 : index
    %get3A_2 = vector.load %arg1[%get3A, %get3A_0, %get3A_1] : memref<2x2560x128xf32, #tpu.memory_space<vmem>>, vector<1x2560x128xf32>
    %get3A_3 = vector.shape_cast %get3A_2 : vector<1x2560x128xf32> to vector<2560x128xf32>
    %get3A_4 = arith.constant 1 : index
    %get3A_5 = arith.constant 0 : index
    %get3A_6 = arith.constant 0 : index
    %get3A_7 = vector.load %arg1[%get3A_4, %get3A_5, %get3A_6] : memref<2x2560x128xf32, #tpu.memory_space<vmem>>, vector<1x2560x128xf32>
    %get3A_8 = vector.shape_cast %get3A_7 : vector<1x2560x128xf32> to vector<2560x128xf32>
    %add3A = arith.addf %get3A_3, %get3A_8 : vector<2560x128xf32>
    %get3A_9 = arith.constant 0 : index
    %get3A_10 = arith.constant 0 : index
    %get3A_11 = vector.load %arg2[%get3A_9, %get3A_10] : memref<2560x128xf32, #tpu.memory_space<vmem>>, vector<2560x128xf32>
    %add3A_12 = arith.addf %add3A, %get3A_11 : vector<2560x128xf32>
    %get3A_13 = arith.constant 0 : index
    %get3A_14 = arith.constant 0 : index
    %get3A_15 = vector.load %arg3[%get3A_13, %get3A_14] : memref<2560x1xf32, #tpu.memory_space<vmem>>, vector<2560x1xf32>
    %mul3A = arith.mulf %get3A_15, %get3A_15 : vector<2560x1xf32>
    %mul3A_16 = vector.broadcast %mul3A : vector<2560x1xf32> to vector<2560x128xf32>
    %mul3A_17 = arith.mulf %mul3A_16, %add3A_12 : vector<2560x128xf32>
    %swap3A = arith.constant 0 : index
    %swap3A_18 = arith.constant 0 : index
    %swap3A_19 = vector.load %arg4[%swap3A, %swap3A_18] : memref<2560x128xf32, #tpu.memory_space<vmem>>, vector<2560x128xf32>
    tpu.vector_store %arg4[%swap3A, %swap3A_18], %mul3A_17 {strides = array<i32>} : memref<2560x128xf32, #tpu.memory_space<vmem>>, vector<2560x128xf32>,
    return
  }
  func.func @transform_0(%arg0: i32) -> (i32, i32, i32) {
    %c0_i32 = arith.constant 0 : i32
    %c0_i32_0 = arith.constant 0 : i32
    %c0_i32_1 = arith.constant 0 : i32
    return %c0_i32, %arg0, %c0_i32_0 : i32, i32, i32
  }
  func.func @transform_1(%arg0: i32) -> (i32, i32) {
    %c0_i32 = arith.constant 0 : i32
    %c0_i32_0 = arith.constant 0 : i32
    return %arg0, %c0_i32 : i32, i32
  }
  func.func @transform_2(%arg0: i32) -> (i32, i32) {
    %c0_i32 = arith.constant 0 : i32
    %c0_i32_0 = arith.constant 0 : i32
    return %arg0, %c0_i32 : i32, i32
  }
  func.func @transform_3(%arg0: i32) -> (i32, i32) {
    %c0_i32 = arith.constant 0 : i32
    %c0_i32_0 = arith.constant 0 : i32
    return %arg0, %c0_i32 : i32, i32
  }
}

module attributes {stable_mosaic.version = 14 : i64} {
  func.func @_comb_body(%arg0: i32, %arg1: memref<2x2560x128xf32, #tpu.memory_space<vmem>>, %arg2: memref<2560x128xf32, #tpu.memory_space<vmem>>, %arg3: memref<2560x1xf32, #tpu.memory_space<vmem>>, %arg4: memref<2560x128xf32, #tpu.memory_space<vmem>>) attributes {dimension_semantics = [#tpu.dimension_semantics<arbitrary>], iteration_bounds = array<i64: 4>, scalar_prefetch = 0 : i64, scratch_operands = 0 : i64, tpu.core_type = #tpu.core_type<tc>, window_params = [{transform_indices = @transform_0, window_bounds = array<i64: 2, 2560, 128>}, {transform_indices = @transform_1, window_bounds = array<i64: 2560, 128>}, {transform_indices = @transform_2, window_bounds = array<i64: 2560, 1>}, {transform_indices = @transform_3, window_bounds = array<i64: 2560, 128>}]} {
    %get3A = arith.constant 0 : index
    %get3A_0 = arith.constant 0 : index
    %get3A_1 = arith.constant 0 : index
    %get3A_2 = vector.load %arg1[%get3A, %get3A_0, %get3A_1] : memref<2x2560x128xf32, #tpu.memory_space<vmem>>, vector<1x2560x128xf32>
    %get3A_3 = vector.shape_cast %get3A_2 : vector<1x2560x128xf32> to vector<2560x128xf32>
    %get3A_4 = arith.constant 1 : index
    %get3A_5 = arith.constant 0 : index
    %get3A_6 = arith.constant 0 : index
    %get3A_7 = vector.load %arg1[%get3A_4, %get3A_5, %get3A_6] : memref<2x2560x128xf32, #tpu.memory_space<vmem>>, vector<1x2560x128xf32>
    %get3A_8 = vector.shape_cast %get3A_7 : vector<1x2560x128xf32> to vector<2560x128xf32>
    %add3A = arith.addf %get3A_3, %get3A_8 : vector<2560x128xf32>
    %get3A_9 = arith.constant 0 : index
    %get3A_10 = arith.constant 0 : index
    %get3A_11 = vector.load %arg2[%get3A_9, %get3A_10] : memref<2560x128xf32, #tpu.memory_space<vmem>>, vector<2560x128xf32>
    %add3A_12 = arith.addf %add3A, %get3A_11 : vector<2560x128xf32>
    %get3A_13 = arith.constant 0 : index
    %get3A_14 = arith.constant 0 : index
    %get3A_15 = vector.load %arg3[%get3A_13, %get3A_14] : memref<2560x1xf32, #tpu.memory_space<vmem>>, vector<2560x1xf32>
    %mul3A = vector.broadcast %get3A_15 : vector<2560x1xf32> to vector<2560x128xf32>
    %mul3A_16 = arith.mulf %mul3A, %add3A_12 : vector<2560x128xf32>
    %swap3A = arith.constant 0 : index
    %swap3A_17 = arith.constant 0 : index
    %swap3A_18 = vector.load %arg4[%swap3A, %swap3A_17] : memref<2560x128xf32, #tpu.memory_space<vmem>>, vector<2560x128xf32>
    tpu.vector_store %arg4[%swap3A, %swap3A_17], %mul3A_16 {strides = array<i32>} : memref<2560x128xf32, #tpu.memory_space<vmem>>, vector<2560x128xf32>,
    return
  }
  func.func @transform_0(%arg0: i32) -> (i32, i32, i32) {
    %c0_i32 = arith.constant 0 : i32
    %c0_i32_0 = arith.constant 0 : i32
    %c0_i32_1 = arith.constant 0 : i32
    return %c0_i32, %arg0, %c0_i32_0 : i32, i32, i32
  }
  func.func @transform_1(%arg0: i32) -> (i32, i32) {
    %c0_i32 = arith.constant 0 : i32
    %c0_i32_0 = arith.constant 0 : i32
    return %arg0, %c0_i32 : i32, i32
  }
  func.func @transform_2(%arg0: i32) -> (i32, i32) {
    %c0_i32 = arith.constant 0 : i32
    %c0_i32_0 = arith.constant 0 : i32
    return %arg0, %c0_i32 : i32, i32
  }
  func.func @transform_3(%arg0: i32) -> (i32, i32) {
    %c0_i32 = arith.constant 0 : i32
    %c0_i32_0 = arith.constant 0 : i32
    return %arg0, %c0_i32 : i32, i32
  }
}

</mosaic_0001>

<sc_bundles>
// kernel: kernel.12.cloned.1.call-start
scs
__scs_entry_jumppad:
0x0: {  	(pc) =	sbr.rel $0x88, $3  }
0x1: {  	(tag) =	ssettag $0x0;
	lr =	simm.s32 $0x1  }
0x2: {  	[smem:$0x3F9D] =	sst lr;
	_ =	strace $0xD0000000  }
0x3: {  	_ = 	snop  }
0x4: {  	_ = 	snop  }
0x5: {  	_ = 	snop  }
0x6: {  	_ = 	snop  }
0x7: {  	_ = 	snop  }
__scs_overlays_trampoline_lowered:
0x8: {  	[smem:$0x3FAC] =	sst s0  }
0x9: {  	[smem:$0x3FAD] =	sst s1  }
0xa: {  	[smem:$0x3FAE] =	sst s2  }
0xb: {  	[smem:$0x3FAF] =	sst s3  }
0xc: {  	[smem:$0x3FB0] =	sst s4  }
0xd: {  	[smem:$0x3FB1] =	sst s5  }
0xe: {  	[smem:$0x3FB2] =	sst s6  }
0xf: {  	[smem:$0x3FB3] =	sst s7  }
0x10: {  	[smem:$0x3FB4] =	sst s8  }
0x11: {  	[smem:$0x3FB5] =	sst s9;
	s0 =	simm.s32 @!p0 $0x0  }
0x12: {  	s1 =	sld [smem:$0x3F9B];
	s0 =	simm.s32 @p0 $0x1  }
0x13: {  	[smem:$0x3FB6] =	sst s0;
	s0 =	simm.s32 @!p1 $0x0  }
0x14: {  	s2 =	sld [smem:$0x3F9A];
	s0 =	simm.s32 @p1 $0x1  }
0x15: {  	[smem:$0x3FB7] =	sst s0;
	s0 =	simm.s32 @!p2 $0x0  }
0x16: {  	s3 =	sld [smem:$0x3FDB];
	s0 =	simm.s32 @p2 $0x1  }
0x17: {  	s4 =	simm.s32 $0x1BF5;
	[smem:$0x3FB9] =	sst s0  }
0x18: {  	s0 =	sld [smem:$0x3F9C];
	_ =	swait.ge [sflag:s4], $0x0  }
0x19: {  	s7 =	sld [smem:$0x3F9D]  }
0x1a: {  	s8 =	sadd.s32 $0xFFFFE003, lr  }
0x1b: {  	s9 =	sadd.s32 $0xFFFFFEF7, lr;
	s5 =	simm.s32 $0xFFFFFFFF;
	p2 =	slt.u32 s8, $0xFFFFF086  }
0x1c: {  	p1 =	slt.u32 s9, $0xF7A;
	s5 =	simm.s32 @!p2 $0x0  }
0x1d: {  	s5 =	simm.s32 @p1 $0x1;
	p0 =	seq.s32 s7, s2  }
0x1e: {  	s7 =	smul.u32 @!p0 $0xF7A, s2;
	p2 =	seq.s32 @!p0 s5, $0x0  }
0x1f: {  	s9 =	smul.u32 $0xF7A, s1;
	s8 =	simm.s32 @!p0 $0x1BF5;
	p2 =	por !p2, p0  }
0x20: {  	[sflag:s8] =	ssyncset.s32 @!p0 $0xFFFFF086;
	s6 =	sadd.s32 @!p0 s3, s7;
	s7 =	simm.s32 @!p0 $0x108  }
0x21: {  	s3 =	sadd.s32 s3, s9;
	s6 =	sadd.s32 @!p0 $0x88, s6;
	s7 =	simm.s32 @p2 $0x1082  }
0x22: {  	[simem:s7], [sflag:s8] =	dma.local @!p0 [hbm:s6], $0xF7A  }
0x23: {  	s9 =	sor.u32 $0xD0000000, s2;
	s6 =	simm.s32 $0x108;
	_ =	swait.ge @!p0 [sflag:s8], $0x0  }
0x24: {  	s3 =	sadd.s32 $0x88, s3;
	s6 =	simm.s32 @!p1 $0x1082;
	[sflag:s4] =	ssyncset.s32 $0xFFFFF086  }
0x25: {  	[simem:s6], [sflag:s4] =	dma.local [hbm:s3], $0xF7A  }
0x26: {  	[smem:$0x3F9D] =	sst s1;
	(tag) =	ssettag s2;
	_ =	strace s9  }
0x27: {  	s1 =	sld [smem:$0x3FAD]  }
0x28: {  	s2 =	sld [smem:$0x3FAE]  }
0x29: {  	s4 =	sld [smem:$0x3FB0]  }
0x2a: {  	p0 =	seq.s32 s5, $0x0;
	s5 =	sld [smem:$0x3FB1]  }
0x2b: {  	s6 =	sld [smem:$0x3FB2]  }
0x2c: {  	s7 =	sld [smem:$0x3FB3]  }
0x2d: {  	s3 =	simm.s32 $0x108;
	s8 =	sld [smem:$0x3FB4]  }
0x2e: {  	s3 =	simm.s32 @!p0 $0x1082;
	s9 =	sld [smem:$0x3FB5]  }
0x2f: {  	lr =	sadd.s32 s0, s3;
	s0 =	sld [smem:$0x3FAC]  }
0x30: {  	s3 =	sld [smem:$0x3FAF]  }
0x31: {  	[smem:$0x3FB8] =	sst s10  }
0x32: {  	s10 =	sld [smem:$0x3FB6];
	_ =	sdelay $0x3  }
0x33: {  	p0 =	seq.s32 s10, $0x1;
	s10 =	sld [smem:$0x3FB8];
	_ =	sdelay $0x3  }
0x34: {  	[smem:$0x3FB8] =	sst s10  }
0x35: {  	s10 =	sld [smem:$0x3FB7];
	_ =	sdelay $0x3  }
0x36: {  	p1 =	seq.s32 s10, $0x1;
	s10 =	sld [smem:$0x3FB8];
	_ =	sdelay $0x3  }
0x37: {  	[smem:$0x3FB8] =	sst s10  }
0x38: {  	s10 =	sld [smem:$0x3FB9]  }
0x39: {  	_ = 	snop;
	(pc) =	sbr.ind lr, $3  }
0x3a: {  	_ = 	snop  }
0x3b: {  	_ = 	snop  }
0x3c: {  	p2 =	seq.s32 s10, $0x1;
	s10 =	sld [smem:$0x3FB8]  }
0x3d: {  	_ =	shalt  }
0x3e: {  	_ =	shalt  }
0x3f: {  	_ =	shalt  }
0x40: {  	_ =	shalt  }
0x41: {  	_ =	shalt  }
0x42: {  	_ =	shalt  }
0x43: {  	_ =	shalt  }
0x44: {  	_ =	shalt  }
0x45: {  	_ =	shalt  }
0x46: {  	_ =	shalt  }
0x47: {  	_ =	shalt  }
0x48: {  	_ =	shalt  }
0x49: {  	_ =	shalt  }
0x4a: {  	_ =	shalt  }
0x4b: {  	_ =	shalt  }
0x4c: {  	_ =	shalt  }
0x4d: {  	_ =	shalt  }
0x4e: {  	_ =	shalt  }
0x4f: {  	_ =	shalt  }
0x50: {  	_ =	shalt  }
0x51: {  	_ =	shalt  }
0x52: {  	_ =	shalt  }
0x53: {  	_ =	shalt  }
0x54: {  	_ =	shalt  }
0x55: {  	_ =	shalt  }
0x56: {  	_ =	shalt  }
0x57: {  	_ =	shalt  }
0x58: {  	_ =	shalt  }
0x59: {  	_ =	shalt  }
0x5a: {  	_ =	shalt  }
0x5b: {  	_ =	shalt  }
0x5c: {  	_ =	shalt  }
0x5d: {  	_ =	shalt  }
0x5e: {  	_ =	shalt  }
0x5f: {  	_ =	shalt  }
0x60: {  	_ =	shalt  }
0x61: {  	_ =	shalt  }
0x62: {  	_ =	shalt  }
0x63: {  	_ =	shalt  }
0x64: {  	_ =	shalt  }
0x65: {  	_ =	shalt  }
0x66: {  	_ =	shalt  }
0x67: {  	_ =	shalt  }
0x68: {  	_ =	shalt  }
0x69: {  	_ =	shalt  }
0x6a: {  	_ =	shalt  }
0x6b: {  	_ =	shalt  }
0x6c: {  	_ =	shalt  }
0x6d: {  	_ =	shalt  }
0x6e: {  	_ =	shalt  }
0x6f: {  	_ =	shalt  }
0x70: {  	_ =	shalt  }
0x71: {  	_ =	shalt  }
0x72: {  	_ =	shalt  }
0x73: {  	_ =	shalt  }
0x74: {  	_ =	shalt  }
0x75: {  	_ =	shalt  }
0x76: {  	_ =	shalt  }
0x77: {  	_ =	shalt  }
0x78: {  	_ =	shalt  }
0x79: {  	_ =	shalt  }
0x7a: {  	_ =	shalt  }
0x7b: {  	_ =	shalt  }
0x7c: {  	_ =	shalt  }
0x7d: {  	_ =	shalt  }
0x7e: {  	_ =	shalt  }
0x7f: {  	_ =	shalt  }
0x80: {  	_ =	shalt  }
0x81: {  	_ =	shalt  }
0x82: {  	_ =	shalt  }
0x83: {  	_ =	shalt  }
0x84: {  	_ =	shalt  }
0x85: {  	_ =	shalt  }
0x86: {  	_ =	shalt  }
0x87: {  	_ =	shalt  }
.Lfunc_end0:
.L_simem_size_0:
called_computation.1_lowered:
.L_overlay_start_0:
0x88: {  	s2 =	sld [smem:$0x3FD9]  }
0x89: {  	s3 =	sld [smem:$0x3FFE];
	_ =	sdelay $0x1  }
0x8a: {  	s1 =	srdreg.scid  }
0x8b: {  	s0 =	sand.u32 $0x1, s1  }
0x8c: {  	s17 =	sshll.u32 s0, $0xA;
	s2 =	sadd.s32 s3, s2  }
0x8d: {  	s2 =	sadd.s32 s2, s17  }
0x8e: {  	[smem:$0x3FC4] =	sst s2  }
0x8f: {  	_ = 	snop  }
0x90: {  	s2 =	sld [smem:$0x3FD0];
	(tm) =	ssettm $0x1  }
0x91: {  	s18 =	sld [smem:$0x3FFB];
	_ =	sdelay $0x3  }
0x92: {  	_ =	strace s18  }
0x93: {  	s3 =	sld [smem:$0x3FFC];
	_ =	sdelay $0x3  }
0x94: {  	_ =	strace s3  }
0x95: {  	s3 =	sld [smem:$0x3FFD];
	_ =	sdelay $0x3  }
0x96: {  	_ =	strace s3  }
0x97: {  	_ =	strace $0x8FFFFFFF  }
0x98: {  	s19 =	sld [smem:$0x3FDB];
	_ =	sdelay $0x1  }
0x99: {  	s4 =	simm.s32 $_scs_section_size  }
0x9a: {  	s5 =	simm.s32 $_size__tile_overlayer_lowered;
	s6 =	simm.s32 $_tile_overlayer_lowered  }
0x9b: {  	s22 =	simm.s32 $0x1BFF;
	s21 =	sshll.u32 s6, $0x1;
	s3 =	sadd.s32 s4, s19  }
0x9c: {  	s7 =	simm.s32 $0x0;
	s20 =	sshll.u32 s5, $0x1;
	s5 =	sadd.s32 s21, s3  }
0x9d: {  	[timem:s7], [sflag:s22] =	dma.local [hbm:s5], s20  }
0x9e: {  	_ =	swait.ge [sflag:s22], s20  }
0x9f: {  	s4 =	ssub.s32 $0x0, s20;
	[sflag:s22] =	ssyncset.done $0x0  }
0xa0: {  	[sflag:s22] =	ssyncadd.s32 s4;
	_ =	sdelay $0x1  }
0xa1: {  	s23 =	simm.s32 $0x1B8B  }
0xa2: {  	_ =	swait.ge [sflag:s23], $0x1  }
0xa3: {  	[sflag:s23] =	ssyncset.done $0x0  }
0xa4: {  	s25 =	simm.s32 $0x1B8E;
	s24 =	sld [smem:$0x3FFE];
	[sflag:s23] =	ssyncadd.s32 $0xFFFFFFFF  }
0xa5: {  	s26 =	simm.s32 $execute0_lowered;
	[smem:$0x3FD2] =	sst s25  }
0xa6: {  	s5 =	sshll.u32 s26, $0x1;
	_ =	strace $0x80000049;
	[dreg:$0x1] =	wrdreg $0xFFFFFFFF  }
0xa7: {  	s28 =	simm.s32 $_size_execute0_lowered;
	s3 =	sadd.s32 s3, s5;
	[dreg:$0x0] =	wrdreg $0x0  }
0xa8: {  	s5 =	sshll.u32 s28, $0x1;
	[dreg:$0x2] =	wrdreg s3  }
0xa9: {  	[dreg:$0x3] =	wrdreg s5  }
0xaa: {  	[dreg:$0x4] =	wrdreg $0xC0  }
0xab: {  	_ =	task [dreg:s7], $0x5FFFF  }
0xac: {  	[dreg:$0x1] =	wrdreg $0xFFFFFFFF  }
0xad: {  	[dreg:$0x0] =	wrdreg $0x60  }
0xae: {  	[dreg:$0x2] =	wrdreg s2  }
0xaf: {  	[dreg:$0x3] =	wrdreg s24  }
0xb0: {  	[dreg:$0x4] =	wrdreg $0x8D000  }
0xb1: {  	[dreg:$0x5] =	wrdreg $0x9  }
0xb2: {  	_ =	task.clear_ibuf [dreg:s7], $0x6FFFF;
	_ =	strace $0x90000049  }
0xb3: {  	s29 =	simm.s32 $0x9;
	_ =	strace $0x8000004B  }
0xb4: {  	_ =	swait.ge [sflag:s29], $0x1  }
0xb5: {  	[sflag:s29] =	ssyncadd.s32 $0xFFFFFFFF  }
0xb6: {  	_ =	strace $0x9000004B  }
0xb7: {  	_ =	sfence  }
0xb8: {  	s30 =	sld [smem:$0x0];
	_ =	sdelay $0x2  }
0xb9: {  	s31 =	sshll.u32 s1, $0xD;
	s1 =	sshrl.u32 s1, $0x2  }
0xba: {  	s3 =	sand.u32 $0x4000, s31;
	s1 =	sadd.s32 s1, s30  }
0xbb: {  	s0 =	sor.u32 s3, s0;
	s1 =	sshll.u32 s1, $0x11  }
0xbc: {  	s0 =	sor.u32 s1, s0  }
0xbd: {  	s0 =	sadd.s32 $0x8F2B, s0  }
0xbe: {  	[sflag:s0] =	ssyncadd.remote.s32 $0x1  }
0xbf: {  	_ =	sfence.sel $0xFFFF  }
0xc0: {  	[dreg:$0x0] =	wrdreg $0xFFFFFFFF;
	(pc) =	sbr.abs _section_cstart, $3  }
0xc1: {  	[dreg:$0x1] =	wrdreg $0xFFFFFFFF  }
0xc2: {  	_ =	task.clear_ibuf [dreg:s7], $0x2FFFF;
	_ =	strace $0x9FFFFFFF  }
0xc3: {  	(tm) =	ssettm $0x7FFFFFFF  }
tec
execute0_lowered:
.L_overlay_start_1:
0x0: {  	(tag) =	ssettag $0x1  }
0x1: {  	s1 =	rddreg [dreg:$0x0]  }
0x2: {  	s0 =	rddreg [dreg:$0x1]  }
0x3: {  	s2 =	rddreg [dreg:$0x2];
	s3 =	srdreg.scid  }
0x4: {  	s4 =	simm.s32 $0x0;
	s11 =	stileid.u32;
	s12 =	simm.s32 $0x3  }
0x5: {  	s21 =	simm.s32 $0x100;
	s22 =	simm.s32 $0x700;
	s23 =	simm.s32 $0x180  }
0x6: {  	s24 =	simm.s32 $0x780;
	s25 =	simm.s32 $0x200;
	s26 =	simm.s32 $0x800  }
0x7: {  	s28 =	simm.s32 $0x480;
	s29 =	simm.s32 $0xA80;
	s30 =	simm.s32 $0x500  }
0x8: {  	s31 =	simm.s32 $0xB00;
	s3 =	sand.u32 $0x1, s3;
	[smem:$0x7FF] =	sst s4  }
0x9: {  	s6 =	smul.u32 $0x14000, s11;
	s7 =	sshll.u32 s11, $0x1;
	s13 =	sadd.s32 $0x16000, s0  }
0xa: {  	s14 =	smul.u32 $0x50000, s11;
	_ =	strace $0x8000004A;
	[dreg:$0xc] =	wrdreg s13  }
0xb: {  	s8 =	sadd.s32 $0x2600, s0;
	s9 =	smul.u32 $0x4E20, s11;
	[dreg:$0x6] =	wrdreg s21  }
0xc: {  	s17 =	sshll.u32 s11, $0x6;
	s5 =	smul.u32 $0x140000, s3;
	[dreg:$0x7] =	wrdreg s22  }
0xd: {  	s7 =	sor.u32 s3, s7;
	s15 =	ssub.s32 $0x2, s3;
	[dreg:$0x8] =	wrdreg s23  }
0xe: {  	s3 =	smul.u32 $0x2710, s3;
	s11 =	sor.u32 $0x1C03, s17;
	[dreg:$0x9] =	wrdreg s24  }
0xf: {  	s13 =	simm.s32 $0x680;
	s17 =	simm.s32 $0x1;
	[dreg:$0xa] =	wrdreg s25  }
0x10: {  	[dreg:$0xb] =	wrdreg s26;
	s21 =	simm.s32 $0x300;
	s22 =	simm.s32 $0x900  }
0x11: {  	s23 =	simm.s32 $0x380;
	s24 =	simm.s32 $0x980;
	s25 =	simm.s32 $0x400  }
0x12: {  	s26 =	simm.s32 $0xA00;
	s7 =	smul.u32 $0x2710, s7;
	s10 =	sshrl.u32 s15, $0x1  }
0x13: {  	[dreg:$0xd] =	wrdreg s11;
	s5 =	sadd.s32 s6, s5;
	s6 =	sshrl.u32 s14, $0x2  }
0x14: {  	s3 =	sadd.s32 s3, s9;
	s14 =	simm.s32 $0x80;
	s5 =	sshrl.u32 s5, $0x3  }
0x15: {  	s16 =	sadd.s32 s6, s2;
	s7 =	sshrl.u32 s7, $0x3;
	s9 =	sshrl.u32 s3, $0x3  }
0x16: {  	s3 =	sadd.s32 $0x4E200, s3;
	s0 =	sadd.s32 s5, s0;
	s5 =	ssub.s32 s15, s10  }
0x17: {  	s7 =	sadd.s32 s8, s7;
	s9 =	sadd.s32 s9, s8;
	s3 =	sshrl.u32 s3, $0x3  }
0x18: {  	s15 =	simm.s32 $0xD00;
	s18 =	sadd.s32 $0xA120, s7;
	[dreg:$0x4] =	wrdreg s9  }
0x19: {  	s10 =	simm.s32 $0x0;
	s19 =	sadd.s32 $0x4E0, s7;
	[dreg:$0xe] =	wrdreg s18  }
0x1a: {  	s3 =	sadd.s32 s3, s8;
	s0 =	sadd.s32 $0x18800, s0;
	[dreg:$0xf] =	wrdreg s19  }
0x1b: {  	s20 =	smax.u32 s5, $0x1;
	s9 =	sshrl.u32 s16, $0x3;
	[dreg:$0x10] =	wrdreg s0  }
0x1c: {  	s16 =	simm.s32 $0x4D00;
	s5 =	simm.s32 $0x600;
	[dreg:$0x11] =	wrdreg s20  }
0x1d: {  	s7 =	simm.s32 $0xC00;
	s8 =	simm.s32 $0xC80;
	[dreg:$0x5] =	wrdreg s3  }
0x1e: {  	s18 =	simm.s32 $0x2;
	s19 =	simm.s32 $0x280;
	s20 =	simm.s32 $0x880  }
0x1f: {  	s0 =	simm.s32 $0x580;
	s3 =	simm.s32 $0xB80;
	[dreg:$0x12] =	wrdreg s9  }
.LBB2_1:
0x20: {  	s6 =	rddreg [dreg:$0xc]  }
0x21: {  	[spmem:s9], [sflag:s11] =	dma.local [hbm:s6], $0x2800  }
0x22: {  	_ =	swait.ge [sflag:s12], $0x2800  }
0x23: {  	[sflag:s12] =	ssyncset.done $0x0  }
0x24: {  	[sflag:s12] =	ssyncadd.s32 $0xFFFFD800  }
0x25: {  	[bflag:$0x0] =	sbarrier.arrive $0xFFFF  }
0x26: {  	s6 =	rddreg [dreg:$0x5]  }
0x27: {  	s9 =	sadd.s32 $0x0, s6  }
0x28: {  	[tilespmem:s4], [sflag:$0x3] =	stream.linear.gather [hbm4b:s9+s4], $0x680, $0x38;
	[tilespmem:$0x1CD00] =	vst v63  }
0x29: {  	_ =	swait.ge [sflag:s12], $0x680  }
0x2a: {  	s11 =	rddreg [dreg:$0x4];
	[sflag:s12] =	ssyncset.done $0x0  }
0x2b: {  	[sflag:s12] =	ssyncadd.s32 $0xFFFFF980;
	s9 =	sadd.s32 $0x0, s11  }
0x2c: {  	[tilespmem:s13], [sflag:$0x3] =	stream.linear.gather [hbm4b:s9+s4], $0x680, $0x38;
	[tilespmem:$0x1CD00] =	vst v63  }
0x2d: {  	_ =	swait.ge [sflag:s12], $0x680  }
0x2e: {  	[sflag:s12] =	ssyncset.done $0x0  }
0x2f: {  	[sflag:s12] =	ssyncadd.s32 $0xFFFFF980  }
0x30: {  	[tilespmem:s15], [sflag:$0x1] =	stream.indirect.gather [hbm4b:s1+s14], $0x80, s4, s14, $0xb8;
	[tilespmem:$0x1CD00] =	vst v63  }
0x31: {  	_ = 	snop  }
0x32: {  	[tilespmem:s16], [sflag:$0x2] =	stream.indirect.gather [hbm4b:s1+s14], $0x80, s14, s14, $0xb8;
	[tilespmem:$0x1CD00] =	vst v63  }
0x33: {  	_ =	swait.ge [sflag:s17], $0x4000  }
0x34: {  	[sflag:s17] =	ssyncset.done $0x0  }
0x35: {  	[sflag:s17] =	ssyncadd.s32 $0xFFFFC000  }
0x36: {  	[spmem:s2] =	stream.indirect.scatter.add.f32 [tilespmem:s15], [sflag:$0x3], $0x80, s13, s14, $0xb8;
	[tilespmem:$0x1CD00] =	vst v63  }
0x37: {  	_ =	swait.ge [sflag:s12], $0x4000  }
0x38: {  	[sflag:s12] =	ssyncset.done $0x0  }
0x39: {  	s6 =	rddreg [dreg:$0x6];
	[sflag:s12] =	ssyncadd.s32 $0xFFFFC000  }
0x3a: {  	[tilespmem:s15], [sflag:$0x1] =	stream.indirect.gather [hbm4b:s1+s14], $0x80, s6, s14, $0xb8;
	[tilespmem:$0x1CD00] =	vst v63  }
0x3b: {  	_ =	swait.ge [sflag:s18], $0x4000  }
0x3c: {  	[sflag:s18] =	ssyncset.done $0x0  }
0x3d: {  	s11 =	rddreg [dreg:$0x7];
	[sflag:s18] =	ssyncadd.s32 $0xFFFFC000  }
0x3e: {  	[spmem:s2] =	stream.indirect.scatter.add.f32 [tilespmem:s16], [sflag:$0x3], $0x80, s11, s14, $0xb8;
	[tilespmem:$0x1CD00] =	vst v63  }
0x3f: {  	_ =	swait.ge [sflag:s12], $0x4000  }
0x40: {  	[sflag:s12] =	ssyncset.done $0x0  }
0x41: {  	s6 =	rddreg [dreg:$0x8];
	[sflag:s12] =	ssyncadd.s32 $0xFFFFC000  }
0x42: {  	[tilespmem:s16], [sflag:$0x2] =	stream.indirect.gather [hbm4b:s1+s14], $0x80, s6, s14, $0xb8;
	[tilespmem:$0x1CD00] =	vst v63  }
0x43: {  	_ =	swait.ge [sflag:s17], $0x4000  }
0x44: {  	[sflag:s17] =	ssyncset.done $0x0  }
0x45: {  	s11 =	rddreg [dreg:$0x9];
	[sflag:s17] =	ssyncadd.s32 $0xFFFFC000  }
0x46: {  	[spmem:s2] =	stream.indirect.scatter.add.f32 [tilespmem:s15], [sflag:$0x3], $0x80, s11, s14, $0xb8;
	[tilespmem:$0x1CD00] =	vst v63  }
0x47: {  	_ =	swait.ge [sflag:s12], $0x4000  }
0x48: {  	[sflag:s12] =	ssyncset.done $0x0  }
0x49: {  	s6 =	rddreg [dreg:$0xa];
	[sflag:s12] =	ssyncadd.s32 $0xFFFFC000  }
0x4a: {  	[tilespmem:s15], [sflag:$0x1] =	stream.indirect.gather [hbm4b:s1+s14], $0x80, s6, s14, $0xb8;
	[tilespmem:$0x1CD00] =	vst v63  }
0x4b: {  	_ =	swait.ge [sflag:s18], $0x4000  }
0x4c: {  	[sflag:s18] =	ssyncset.done $0x0  }
0x4d: {  	s11 =	rddreg [dreg:$0xb];
	[sflag:s18] =	ssyncadd.s32 $0xFFFFC000  }
0x4e: {  	[spmem:s2] =	stream.indirect.scatter.add.f32 [tilespmem:s16], [sflag:$0x3], $0x80, s11, s14, $0xb8;
	[tilespmem:$0x1CD00] =	vst v63  }
0x4f: {  	_ =	swait.ge [sflag:s12], $0x4000  }
0x50: {  	[sflag:s12] =	ssyncset.done $0x0  }
0x51: {  	[sflag:s12] =	ssyncadd.s32 $0xFFFFC000  }
0x52: {  	[tilespmem:s16], [sflag:$0x2] =	stream.indirect.gather [hbm4b:s1+s14], $0x80, s19, s14, $0xb8;
	[tilespmem:$0x1CD00] =	vst v63  }
0x53: {  	_ =	swait.ge [sflag:s17], $0x4000  }
0x54: {  	[sflag:s17] =	ssyncset.done $0x0  }
0x55: {  	[sflag:s17] =	ssyncadd.s32 $0xFFFFC000  }
0x56: {  	[spmem:s2] =	stream.indirect.scatter.add.f32 [tilespmem:s15], [sflag:$0x3], $0x80, s20, s14, $0xb8;
	[tilespmem:$0x1CD00] =	vst v63  }
0x57: {  	_ =	swait.ge [sflag:s12], $0x4000  }
0x58: {  	[sflag:s12] =	ssyncset.done $0x0  }
0x59: {  	[sflag:s12] =	ssyncadd.s32 $0xFFFFC000  }
0x5a: {  	[tilespmem:s15], [sflag:$0x1] =	stream.indirect.gather [hbm4b:s1+s14], $0x80, s21, s14, $0xb8;
	[tilespmem:$0x1CD00] =	vst v63  }
0x5b: {  	_ =	swait.ge [sflag:s18], $0x4000  }
0x5c: {  	[sflag:s18] =	ssyncset.done $0x0  }
0x5d: {  	[sflag:s18] =	ssyncadd.s32 $0xFFFFC000  }
0x5e: {  	[spmem:s2] =	stream.indirect.scatter.add.f32 [tilespmem:s16], [sflag:$0x3], $0x80, s22, s14, $0xb8;
	[tilespmem:$0x1CD00] =	vst v63  }
0x5f: {  	_ =	swait.ge [sflag:s12], $0x4000  }
0x60: {  	[sflag:s12] =	ssyncset.done $0x0  }
0x61: {  	[sflag:s12] =	ssyncadd.s32 $0xFFFFC000  }
0x62: {  	[tilespmem:s16], [sflag:$0x2] =	stream.indirect.gather [hbm4b:s1+s14], $0x80, s23, s14, $0xb8;
	[tilespmem:$0x1CD00] =	vst v63  }
0x63: {  	_ =	swait.ge [sflag:s17], $0x4000  }
0x64: {  	[sflag:s17] =	ssyncset.done $0x0  }
0x65: {  	[sflag:s17] =	ssyncadd.s32 $0xFFFFC000  }
0x66: {  	[spmem:s2] =	stream.indirect.scatter.add.f32 [tilespmem:s15], [sflag:$0x3], $0x80, s24, s14, $0xb8;
	[tilespmem:$0x1CD00] =	vst v63  }
0x67: {  	_ =	swait.ge [sflag:s12], $0x4000  }
0x68: {  	[sflag:s12] =	ssyncset.done $0x0  }
0x69: {  	[sflag:s12] =	ssyncadd.s32 $0xFFFFC000  }
0x6a: {  	[tilespmem:s15], [sflag:$0x1] =	stream.indirect.gather [hbm4b:s1+s14], $0x80, s25, s14, $0xb8;
	[tilespmem:$0x1CD00] =	vst v63  }
0x6b: {  	_ =	swait.ge [sflag:s18], $0x4000  }
0x6c: {  	[sflag:s18] =	ssyncset.done $0x0  }
0x6d: {  	[sflag:s18] =	ssyncadd.s32 $0xFFFFC000  }
0x6e: {  	[spmem:s2] =	stream.indirect.scatter.add.f32 [tilespmem:s16], [sflag:$0x3], $0x80, s26, s14, $0xb8;
	[tilespmem:$0x1CD00] =	vst v63  }
0x6f: {  	_ =	swait.ge [sflag:s12], $0x4000  }
0x70: {  	[sflag:s12] =	ssyncset.done $0x0  }
0x71: {  	[sflag:s12] =	ssyncadd.s32 $0xFFFFC000  }
0x72: {  	[tilespmem:s16], [sflag:$0x2] =	stream.indirect.gather [hbm4b:s1+s14], $0x80, s28, s14, $0xb8;
	[tilespmem:$0x1CD00] =	vst v63  }
0x73: {  	_ =	swait.ge [sflag:s17], $0x4000  }
0x74: {  	[sflag:s17] =	ssyncset.done $0x0  }
0x75: {  	[sflag:s17] =	ssyncadd.s32 $0xFFFFC000  }
0x76: {  	[spmem:s2] =	stream.indirect.scatter.add.f32 [tilespmem:s15], [sflag:$0x3], $0x80, s29, s14, $0xb8;
	[tilespmem:$0x1CD00] =	vst v63  }
0x77: {  	_ =	swait.ge [sflag:s12], $0x4000  }
0x78: {  	[sflag:s12] =	ssyncset.done $0x0  }
0x79: {  	[sflag:s12] =	ssyncadd.s32 $0xFFFFC000  }
0x7a: {  	[tilespmem:s15], [sflag:$0x1] =	stream.indirect.gather [hbm4b:s1+s14], $0x80, s30, s14, $0xb8;
	[tilespmem:$0x1CD00] =	vst v63  }
0x7b: {  	_ =	swait.ge [sflag:s18], $0x4000  }
0x7c: {  	[sflag:s18] =	ssyncset.done $0x0  }
0x7d: {  	[sflag:s18] =	ssyncadd.s32 $0xFFFFC000  }
0x7e: {  	[spmem:s2] =	stream.indirect.scatter.add.f32 [tilespmem:s16], [sflag:$0x3], $0x80, s31, s14, $0xb8;
	[tilespmem:$0x1CD00] =	vst v63  }
0x7f: {  	_ =	swait.ge [sflag:s12], $0x4000  }
0x80: {  	[sflag:s12] =	ssyncset.done $0x0  }
0x81: {  	[sflag:s12] =	ssyncadd.s32 $0xFFFFC000  }
0x82: {  	[tilespmem:s16], [sflag:$0x2] =	stream.indirect.gather [hbm4b:s1+s14], $0x80, s0, s14, $0xb8;
	[tilespmem:$0x1CD00] =	vst v63  }
0x83: {  	_ =	swait.ge [sflag:s17], $0x4000  }
0x84: {  	[sflag:s17] =	ssyncset.done $0x0  }
0x85: {  	[sflag:s17] =	ssyncadd.s32 $0xFFFFC000  }
0x86: {  	[spmem:s2] =	stream.indirect.scatter.add.f32 [tilespmem:s15], [sflag:$0x3], $0x80, s3, s14, $0xb8;
	[tilespmem:$0x1CD00] =	vst v63  }
0x87: {  	_ =	swait.ge [sflag:s12], $0x4000  }
0x88: {  	[sflag:s12] =	ssyncset.done $0x0  }
0x89: {  	[sflag:s12] =	ssyncadd.s32 $0xFFFFC000  }
0x8a: {  	[tilespmem:s15], [sflag:$0x1] =	stream.indirect.gather [hbm4b:s1+s14], $0x80, s5, s14, $0xb8;
	[tilespmem:$0x1CD00] =	vst v63  }
0x8b: {  	_ =	swait.ge [sflag:s18], $0x4000  }
0x8c: {  	[sflag:s18] =	ssyncset.done $0x0  }
0x8d: {  	[sflag:s18] =	ssyncadd.s32 $0xFFFFC000  }
0x8e: {  	[spmem:s2] =	stream.indirect.scatter.add.f32 [tilespmem:s16], [sflag:$0x3], $0x80, s7, s14, $0xb8;
	[tilespmem:$0x1CD00] =	vst v63  }
0x8f: {  	_ =	swait.ge [sflag:s12], $0x4000  }
0x90: {  	[sflag:s12] =	ssyncset.done $0x0  }
0x91: {  	[sflag:s12] =	ssyncadd.s32 $0xFFFFC000  }
0x92: {  	_ =	swait.ge [sflag:s17], $0x4000  }
0x93: {  	[sflag:s17] =	ssyncset.done $0x0  }
0x94: {  	[sflag:s17] =	ssyncadd.s32 $0xFFFFC000  }
0x95: {  	[spmem:s2] =	stream.indirect.scatter.add.f32 [tilespmem:s15], [sflag:$0x3], $0x80, s8, s14, $0xb8;
	[tilespmem:$0x1CD00] =	vst v63  }
0x96: {  	s9 =	simm.s32 $0xD0;
	_ =	swait.ge [sflag:s12], $0x4000  }
.LBB2_2:
0x97: {  	s6 =	rddreg [dreg:$0x5];
	s11 =	smov.u32 s9;
	[sflag:s12] =	ssyncset.done $0x0  }
0x98: {  	s6 =	sadd.s32 s11, s6;
	[sflag:s12] =	ssyncadd.s32 $0xFFFFC000  }
0x99: {  	[tilespmem:s4], [sflag:$0x3] =	stream.linear.gather [hbm4b:s6+s4], $0x680, $0x38;
	[tilespmem:$0x1CD00] =	vst v63  }
0x9a: {  	_ =	swait.ge [sflag:s12], $0x680  }
0x9b: {  	s6 =	rddreg [dreg:$0x4];
	[sflag:s12] =	ssyncset.done $0x0  }
0x9c: {  	[sflag:s12] =	ssyncadd.s32 $0xFFFFF980;
	s6 =	sadd.s32 s11, s6  }
0x9d: {  	[tilespmem:s13], [sflag:$0x3] =	stream.linear.gather [hbm4b:s6+s4], $0x680, $0x38;
	[tilespmem:$0x1CD00] =	vst v63  }
0x9e: {  	_ =	swait.ge [sflag:s12], $0x680  }
0x9f: {  	[sflag:s12] =	ssyncset.done $0x0  }
0xa0: {  	[sflag:s12] =	ssyncadd.s32 $0xFFFFF980  }
0xa1: {  	[tilespmem:s15], [sflag:$0x1] =	stream.indirect.gather [hbm4b:s1+s14], $0x80, s4, s14, $0xb8;
	[tilespmem:$0x1CD00] =	vst v63  }
0xa2: {  	_ = 	snop  }
0xa3: {  	[tilespmem:s16], [sflag:$0x2] =	stream.indirect.gather [hbm4b:s1+s14], $0x80, s14, s14, $0xb8;
	[tilespmem:$0x1CD00] =	vst v63  }
0xa4: {  	_ =	swait.ge [sflag:s17], $0x4000  }
0xa5: {  	[sflag:s17] =	ssyncset.done $0x0  }
0xa6: {  	[sflag:s17] =	ssyncadd.s32 $0xFFFFC000  }
0xa7: {  	[spmem:s2] =	stream.indirect.scatter.add.f32 [tilespmem:s15], [sflag:$0x3], $0x80, s13, s14, $0xb8;
	[tilespmem:$0x1CD00] =	vst v63  }
0xa8: {  	_ =	swait.ge [sflag:s12], $0x4000  }
0xa9: {  	[sflag:s12] =	ssyncset.done $0x0  }
0xaa: {  	s11 =	rddreg [dreg:$0x6];
	[sflag:s12] =	ssyncadd.s32 $0xFFFFC000  }
0xab: {  	[tilespmem:s15], [sflag:$0x1] =	stream.indirect.gather [hbm4b:s1+s14], $0x80, s11, s14, $0xb8;
	[tilespmem:$0x1CD00] =	vst v63  }
0xac: {  	_ =	swait.ge [sflag:s18], $0x4000  }
0xad: {  	[sflag:s18] =	ssyncset.done $0x0  }
0xae: {  	s11 =	rddreg [dreg:$0x7];
	[sflag:s18] =	ssyncadd.s32 $0xFFFFC000  }
0xaf: {  	[spmem:s2] =	stream.indirect.scatter.add.f32 [tilespmem:s16], [sflag:$0x3], $0x80, s11, s14, $0xb8;
	[tilespmem:$0x1CD00] =	vst v63  }
0xb0: {  	_ =	swait.ge [sflag:s12], $0x4000  }
0xb1: {  	[sflag:s12] =	ssyncset.done $0x0  }
0xb2: {  	s11 =	rddreg [dreg:$0x8];
	[sflag:s12] =	ssyncadd.s32 $0xFFFFC000  }
0xb3: {  	[tilespmem:s16], [sflag:$0x2] =	stream.indirect.gather [hbm4b:s1+s14], $0x80, s11, s14, $0xb8;
	[tilespmem:$0x1CD00] =	vst v63  }
0xb4: {  	_ =	swait.ge [sflag:s17], $0x4000  }
0xb5: {  	[sflag:s17] =	ssyncset.done $0x0  }
0xb6: {  	s11 =	rddreg [dreg:$0x9];
	[sflag:s17] =	ssyncadd.s32 $0xFFFFC000  }
0xb7: {  	[spmem:s2] =	stream.indirect.scatter.add.f32 [tilespmem:s15], [sflag:$0x3], $0x80, s11, s14, $0xb8;
	[tilespmem:$0x1CD00] =	vst v63  }
0xb8: {  	_ =	swait.ge [sflag:s12], $0x4000  }
0xb9: {  	[sflag:s12] =	ssyncset.done $0x0  }
0xba: {  	s11 =	rddreg [dreg:$0xa];
	[sflag:s12] =	ssyncadd.s32 $0xFFFFC000  }
0xbb: {  	[tilespmem:s15], [sflag:$0x1] =	stream.indirect.gather [hbm4b:s1+s14], $0x80, s11, s14, $0xb8;
	[tilespmem:$0x1CD00] =	vst v63  }
0xbc: {  	_ =	swait.ge [sflag:s18], $0x4000  }
0xbd: {  	[sflag:s18] =	ssyncset.done $0x0  }
0xbe: {  	s11 =	rddreg [dreg:$0xb];
	[sflag:s18] =	ssyncadd.s32 $0xFFFFC000  }
0xbf: {  	[spmem:s2] =	stream.indirect.scatter.add.f32 [tilespmem:s16], [sflag:$0x3], $0x80, s11, s14, $0xb8;
	[tilespmem:$0x1CD00] =	vst v63  }
0xc0: {  	_ =	swait.ge [sflag:s12], $0x4000  }
0xc1: {  	[sflag:s12] =	ssyncset.done $0x0  }
0xc2: {  	[sflag:s12] =	ssyncadd.s32 $0xFFFFC000  }
0xc3: {  	[tilespmem:s16], [sflag:$0x2] =	stream.indirect.gather [hbm4b:s1+s14], $0x80, s19, s14, $0xb8;
	[tilespmem:$0x1CD00] =	vst v63  }
0xc4: {  	_ =	swait.ge [sflag:s17], $0x4000  }
0xc5: {  	[sflag:s17] =	ssyncset.done $0x0  }
0xc6: {  	[sflag:s17] =	ssyncadd.s32 $0xFFFFC000  }
0xc7: {  	[spmem:s2] =	stream.indirect.scatter.add.f32 [tilespmem:s15], [sflag:$0x3], $0x80, s20, s14, $0xb8;
	[tilespmem:$0x1CD00] =	vst v63  }
0xc8: {  	_ =	swait.ge [sflag:s12], $0x4000  }
0xc9: {  	[sflag:s12] =	ssyncset.done $0x0  }
0xca: {  	[sflag:s12] =	ssyncadd.s32 $0xFFFFC000  }
0xcb: {  	[tilespmem:s15], [sflag:$0x1] =	stream.indirect.gather [hbm4b:s1+s14], $0x80, s21, s14, $0xb8;
	[tilespmem:$0x1CD00] =	vst v63  }
0xcc: {  	_ =	swait.ge [sflag:s18], $0x4000  }
0xcd: {  	[sflag:s18] =	ssyncset.done $0x0  }
0xce: {  	[sflag:s18] =	ssyncadd.s32 $0xFFFFC000  }
0xcf: {  	[spmem:s2] =	stream.indirect.scatter.add.f32 [tilespmem:s16], [sflag:$0x3], $0x80, s22, s14, $0xb8;
	[tilespmem:$0x1CD00] =	vst v63  }
0xd0: {  	_ =	swait.ge [sflag:s12], $0x4000  }
0xd1: {  	[sflag:s12] =	ssyncset.done $0x0  }
0xd2: {  	[sflag:s12] =	ssyncadd.s32 $0xFFFFC000  }
0xd3: {  	[tilespmem:s16], [sflag:$0x2] =	stream.indirect.gather [hbm4b:s1+s14], $0x80, s23, s14, $0xb8;
	[tilespmem:$0x1CD00] =	vst v63  }
0xd4: {  	_ =	swait.ge [sflag:s17], $0x4000  }
0xd5: {  	[sflag:s17] =	ssyncset.done $0x0  }
0xd6: {  	[sflag:s17] =	ssyncadd.s32 $0xFFFFC000  }
0xd7: {  	[spmem:s2] =	stream.indirect.scatter.add.f32 [tilespmem:s15], [sflag:$0x3], $0x80, s24, s14, $0xb8;
	[tilespmem:$0x1CD00] =	vst v63  }
0xd8: {  	_ =	swait.ge [sflag:s12], $0x4000  }
0xd9: {  	[sflag:s12] =	ssyncset.done $0x0  }
0xda: {  	[sflag:s12] =	ssyncadd.s32 $0xFFFFC000  }
0xdb: {  	[tilespmem:s15], [sflag:$0x1] =	stream.indirect.gather [hbm4b:s1+s14], $0x80, s25, s14, $0xb8;
	[tilespmem:$0x1CD00] =	vst v63  }
0xdc: {  	_ =	swait.ge [sflag:s18], $0x4000  }
0xdd: {  	[sflag:s18] =	ssyncset.done $0x0  }
0xde: {  	[sflag:s18] =	ssyncadd.s32 $0xFFFFC000  }
0xdf: {  	[spmem:s2] =	stream.indirect.scatter.add.f32 [tilespmem:s16], [sflag:$0x3], $0x80, s26, s14, $0xb8;
	[tilespmem:$0x1CD00] =	vst v63  }
0xe0: {  	_ =	swait.ge [sflag:s12], $0x4000  }
0xe1: {  	[sflag:s12] =	ssyncset.done $0x0  }
0xe2: {  	[sflag:s12] =	ssyncadd.s32 $0xFFFFC000  }
0xe3: {  	[tilespmem:s16], [sflag:$0x2] =	stream.indirect.gather [hbm4b:s1+s14], $0x80, s28, s14, $0xb8;
	[tilespmem:$0x1CD00] =	vst v63  }
0xe4: {  	_ =	swait.ge [sflag:s17], $0x4000  }
0xe5: {  	[sflag:s17] =	ssyncset.done $0x0  }
0xe6: {  	[sflag:s17] =	ssyncadd.s32 $0xFFFFC000  }
0xe7: {  	[spmem:s2] =	stream.indirect.scatter.add.f32 [tilespmem:s15], [sflag:$0x3], $0x80, s29, s14, $0xb8;
	[tilespmem:$0x1CD00] =	vst v63  }
0xe8: {  	_ =	swait.ge [sflag:s12], $0x4000  }
0xe9: {  	[sflag:s12] =	ssyncset.done $0x0  }
0xea: {  	[sflag:s12] =	ssyncadd.s32 $0xFFFFC000  }
0xeb: {  	[tilespmem:s15], [sflag:$0x1] =	stream.indirect.gather [hbm4b:s1+s14], $0x80, s30, s14, $0xb8;
	[tilespmem:$0x1CD00] =	vst v63  }
0xec: {  	_ =	swait.ge [sflag:s18], $0x4000  }
0xed: {  	[sflag:s18] =	ssyncset.done $0x0  }
0xee: {  	[sflag:s18] =	ssyncadd.s32 $0xFFFFC000  }
0xef: {  	[spmem:s2] =	stream.indirect.scatter.add.f32 [tilespmem:s16], [sflag:$0x3], $0x80, s31, s14, $0xb8;
	[tilespmem:$0x1CD00] =	vst v63  }
0xf0: {  	_ =	swait.ge [sflag:s12], $0x4000  }
0xf1: {  	[sflag:s12] =	ssyncset.done $0x0  }
0xf2: {  	[sflag:s12] =	ssyncadd.s32 $0xFFFFC000  }
0xf3: {  	[tilespmem:s16], [sflag:$0x2] =	stream.indirect.gather [hbm4b:s1+s14], $0x80, s0, s14, $0xb8;
	[tilespmem:$0x1CD00] =	vst v63  }
0xf4: {  	_ =	swait.ge [sflag:s17], $0x4000  }
0xf5: {  	[sflag:s17] =	ssyncset.done $0x0  }
0xf6: {  	[sflag:s17] =	ssyncadd.s32 $0xFFFFC000  }
0xf7: {  	[spmem:s2] =	stream.indirect.scatter.add.f32 [tilespmem:s15], [sflag:$0x3], $0x80, s3, s14, $0xb8;
	[tilespmem:$0x1CD00] =	vst v63  }
0xf8: {  	_ =	swait.ge [sflag:s12], $0x4000  }
0xf9: {  	[sflag:s12] =	ssyncset.done $0x0  }
0xfa: {  	[sflag:s12] =	ssyncadd.s32 $0xFFFFC000  }
0xfb: {  	[tilespmem:s15], [sflag:$0x1] =	stream.indirect.gather [hbm4b:s1+s14], $0x80, s5, s14, $0xb8;
	[tilespmem:$0x1CD00] =	vst v63  }
0xfc: {  	_ =	swait.ge [sflag:s18], $0x4000  }
0xfd: {  	[sflag:s18] =	ssyncset.done $0x0  }
0xfe: {  	[sflag:s18] =	ssyncadd.s32 $0xFFFFC000  }
0xff: {  	[spmem:s2] =	stream.indirect.scatter.add.f32 [tilespmem:s16], [sflag:$0x3], $0x80, s7, s14, $0xb8;
	[tilespmem:$0x1CD00] =	vst v63  }
0x100: {  	_ =	swait.ge [sflag:s12], $0x4000  }
0x101: {  	[sflag:s12] =	ssyncset.done $0x0  }
0x102: {  	p0 =	sne.s32 s9, $0x410;
	[sflag:s12] =	ssyncadd.s32 $0xFFFFC000  }
.Ltmp0:
0x103: {  	_ =	swait.ge [sflag:s17], $0x4000;
	(pc) =	sbr.rel @p0 .LBB2_2-.Ltmp0, $4  }
0x104: {  	[sflag:s17] =	ssyncset.done $0x0  }
0x105: {  	[sflag:s17] =	ssyncadd.s32 $0xFFFFC000  }
0x106: {  	[spmem:s2] =	stream.indirect.scatter.add.f32 [tilespmem:s15], [sflag:$0x3], $0x80, s8, s14, $0xb8;
	[tilespmem:$0x1CD00] =	vst v63  }
0x107: {  	s9 =	sadd.s32 $0xD0, s9;
	_ =	swait.ge [sflag:s12], $0x4000  }
0x108: {  	[sflag:s12] =	ssyncset.done $0x0  }
0x109: {  	s6 =	rddreg [dreg:$0xe];
	[sflag:s12] =	ssyncadd.s32 $0xFFFFC000  }
0x10a: {  	[tilespmem:s4], [sflag:$0x3] =	stream.linear.gather [hbm4b:s6+s4], $0x10, $0x38;
	[tilespmem:$0x1CD00] =	vst v63  }
0x10b: {  	_ =	swait.ge [sflag:s12], $0x10  }
0x10c: {  	[sflag:s12] =	ssyncset.done $0x0  }
0x10d: {  	s9 =	rddreg [dreg:$0xf];
	[sflag:s12] =	ssyncadd.s32 $0xFFFFFFF0  }
0x10e: {  	[tilespmem:s13], [sflag:$0x3] =	stream.linear.gather [hbm4b:s9+s4], $0x10, $0x38;
	[tilespmem:$0x1CD00] =	vst v63  }
0x10f: {  	_ =	swait.ge [sflag:s12], $0x10  }
0x110: {  	[sflag:s12] =	ssyncset.done $0x0  }
0x111: {  	s11 =	simm.s32 $0x10;
	[sflag:s12] =	ssyncadd.s32 $0xFFFFFFF0  }
0x112: {  	[tilespmem:s15], [sflag:$0x1] =	stream.indirect.gather [hbm4b:s1+s11], $0x80, s4, s11, $0xb8;
	[tilespmem:$0x1CD00] =	vst v63  }
0x113: {  	_ =	swait.ge [sflag:s17], $0x800  }
0x114: {  	[sflag:s17] =	ssyncset.done $0x0  }
0x115: {  	[sflag:s17] =	ssyncadd.s32 $0xFFFFF800  }
0x116: {  	[spmem:s2] =	stream.indirect.scatter.add.f32 [tilespmem:s15], [sflag:$0x3], $0x80, s13, s11, $0xb8;
	[tilespmem:$0x1CD00] =	vst v63  }
0x117: {  	_ =	swait.ge [sflag:s12], $0x800  }
0x118: {  	[sflag:s12] =	ssyncset.done $0x0  }
0x119: {  	[sflag:s12] =	ssyncadd.s32 $0xFFFFF800  }
0x11a: {  	[bflag:$0x0] =	sbarrier.arrive $0xFFFF  }
0x11b: {  	s11 =	rddreg [dreg:$0xd]  }
0x11c: {  	s6 =	rddreg [dreg:$0x10]  }
0x11d: {  	s9 =	rddreg [dreg:$0x12]  }
0x11e: {  	[hbm:s6], [sflag:s11] =	dma.local [spmem:s9], $0x2800  }
0x11f: {  	_ =	swait.ge [sflag:s12], $0x2800  }
0x120: {  	s10 =	sadd.s32 $0x1, s10;
	s6 =	rddreg [dreg:$0x11]  }
0x121: {  	p0 =	sne.s32 s10, s6  }
.Ltmp1:
0x122: {  	_ = 	snop;
	(pc) =	sbr.rel @p0 .LBB2_1-.Ltmp1, $3  }
0x123: {  	_ =	sdelay $0x1  }
0x124: {  	[sflag:s12] =	ssyncset.done $0x0  }
0x125: {  	[sflag:s12] =	ssyncadd.s32 $0xFFFFD800  }
0x126: {  	_ =	sfence.sel $0x180000  }
0x127: {  	[bflag:$0x0] =	sbarrier.arrive $0xFFFF  }
0x128: {  	_ =	strace $0x9000004A  }
0x129: {  	s0 =	stileid.u32;
	[bflag:$0x2] =	sbarrier.arrive $0xFFFF  }
0x12a: {  	p0 =	sne.s32 s0, $0x0;
	s0 =	rddreg [dreg:$0x3]  }
0x12b: {  	s0 =	sadd.s32 @!p0 $0x100000, s0  }
0x12c: {  	[sflag:s0] =	ssyncadd.tile.s32 @!p0 $0x1;
	_ =	shalt  }
.Lfunc_end2:
_tile_overlayer_lowered:
.L_overlay_start_2:
0x12d: {  	(tag) =	ssettag $0x2  }
0x12e: {  	s0 =	rddreg [dreg:$0x0];
	s2 =	stileid.u32  }
0x12f: {  	s1 =	rddreg [dreg:$0x1];
	p0 =	sne.s32 s2, $0x0  }
0x130: {  	s3 =	rddreg [dreg:$0x2];
	[bflag:$0x3] =	sbarrier.arrive $0xFFFF;
	s2 =	simm.s32 @!p0 $0x1C03  }
0x131: {  	[timem:s3], [sflag:s2] =	dma.local @!p0 [hbm:s0], s1  }
0x132: {  	s0 =	simm.s32 @!p0 $0x3  }
0x133: {  	_ =	swait.ge @!p0 [sflag:s0], s1  }
0x134: {  	s1 =	ssub.s32 @!p0 $0x0, s1;
	[sflag:s0] =	ssyncset.done @!p0 $0x0  }
0x135: {  	[sflag:s0] =	ssyncadd.s32 @!p0 s1  }
0x136: {  	[bflag:$0x3] =	sbarrier.arrive $0xFFFF  }
0x137: {  	_ =	shalt  }

// kernel: kernel.15.cloned.1.call-start
scs
__scs_entry_jumppad:
0x0: {  	(pc) =	sbr.rel $0x88, $3  }
0x1: {  	(tag) =	ssettag $0x0;
	lr =	simm.s32 $0x1  }
0x2: {  	[smem:$0x3F9D] =	sst lr;
	_ =	strace $0xD0000000  }
0x3: {  	_ = 	snop  }
0x4: {  	_ = 	snop  }
0x5: {  	_ = 	snop  }
0x6: {  	_ = 	snop  }
0x7: {  	_ = 	snop  }
__scs_overlays_trampoline_lowered:
0x8: {  	[smem:$0x3FAC] =	sst s0  }
0x9: {  	[smem:$0x3FAD] =	sst s1  }
0xa: {  	[smem:$0x3FAE] =	sst s2  }
0xb: {  	[smem:$0x3FAF] =	sst s3  }
0xc: {  	[smem:$0x3FB0] =	sst s4  }
0xd: {  	[smem:$0x3FB1] =	sst s5  }
0xe: {  	[smem:$0x3FB2] =	sst s6  }
0xf: {  	[smem:$0x3FB3] =	sst s7  }
0x10: {  	[smem:$0x3FB4] =	sst s8  }
0x11: {  	[smem:$0x3FB5] =	sst s9;
	s0 =	simm.s32 @!p0 $0x0  }
0x12: {  	s1 =	sld [smem:$0x3F9B];
	s0 =	simm.s32 @p0 $0x1  }
0x13: {  	[smem:$0x3FB6] =	sst s0;
	s0 =	simm.s32 @!p1 $0x0  }
0x14: {  	s2 =	sld [smem:$0x3F9A];
	s0 =	simm.s32 @p1 $0x1  }
0x15: {  	[smem:$0x3FB7] =	sst s0;
	s0 =	simm.s32 @!p2 $0x0  }
0x16: {  	s3 =	sld [smem:$0x3FDB];
	s0 =	simm.s32 @p2 $0x1  }
0x17: {  	s4 =	simm.s32 $0x1BF5;
	[smem:$0x3FB9] =	sst s0  }
0x18: {  	s0 =	sld [smem:$0x3F9C];
	_ =	swait.ge [sflag:s4], $0x0  }
0x19: {  	s7 =	sld [smem:$0x3F9D]  }
0x1a: {  	s8 =	sadd.s32 $0xFFFFE003, lr  }
0x1b: {  	s9 =	sadd.s32 $0xFFFFFEF7, lr;
	s5 =	simm.s32 $0xFFFFFFFF;
	p2 =	slt.u32 s8, $0xFFFFF086  }
0x1c: {  	p1 =	slt.u32 s9, $0xF7A;
	s5 =	simm.s32 @!p2 $0x0  }
0x1d: {  	s5 =	simm.s32 @p1 $0x1;
	p0 =	seq.s32 s7, s2  }
0x1e: {  	s7 =	smul.u32 @!p0 $0xF7A, s2;
	p2 =	seq.s32 @!p0 s5, $0x0  }
0x1f: {  	s9 =	smul.u32 $0xF7A, s1;
	s8 =	simm.s32 @!p0 $0x1BF5;
	p2 =	por !p2, p0  }
0x20: {  	[sflag:s8] =	ssyncset.s32 @!p0 $0xFFFFF086;
	s6 =	sadd.s32 @!p0 s3, s7;
	s7 =	simm.s32 @!p0 $0x108  }
0x21: {  	s3 =	sadd.s32 s3, s9;
	s6 =	sadd.s32 @!p0 $0x88, s6;
	s7 =	simm.s32 @p2 $0x1082  }
0x22: {  	[simem:s7], [sflag:s8] =	dma.local @!p0 [hbm:s6], $0xF7A  }
0x23: {  	s9 =	sor.u32 $0xD0000000, s2;
	s6 =	simm.s32 $0x108;
	_ =	swait.ge @!p0 [sflag:s8], $0x0  }
0x24: {  	s3 =	sadd.s32 $0x88, s3;
	s6 =	simm.s32 @!p1 $0x1082;
	[sflag:s4] =	ssyncset.s32 $0xFFFFF086  }
0x25: {  	[simem:s6], [sflag:s4] =	dma.local [hbm:s3], $0xF7A  }
0x26: {  	[smem:$0x3F9D] =	sst s1;
	(tag) =	ssettag s2;
	_ =	strace s9  }
0x27: {  	s1 =	sld [smem:$0x3FAD]  }
0x28: {  	s2 =	sld [smem:$0x3FAE]  }
0x29: {  	s4 =	sld [smem:$0x3FB0]  }
0x2a: {  	p0 =	seq.s32 s5, $0x0;
	s5 =	sld [smem:$0x3FB1]  }
0x2b: {  	s6 =	sld [smem:$0x3FB2]  }
0x2c: {  	s7 =	sld [smem:$0x3FB3]  }
0x2d: {  	s3 =	simm.s32 $0x108;
	s8 =	sld [smem:$0x3FB4]  }
0x2e: {  	s3 =	simm.s32 @!p0 $0x1082;
	s9 =	sld [smem:$0x3FB5]  }
0x2f: {  	lr =	sadd.s32 s0, s3;
	s0 =	sld [smem:$0x3FAC]  }
0x30: {  	s3 =	sld [smem:$0x3FAF]  }
0x31: {  	[smem:$0x3FB8] =	sst s10  }
0x32: {  	s10 =	sld [smem:$0x3FB6];
	_ =	sdelay $0x3  }
0x33: {  	p0 =	seq.s32 s10, $0x1;
	s10 =	sld [smem:$0x3FB8];
	_ =	sdelay $0x3  }
0x34: {  	[smem:$0x3FB8] =	sst s10  }
0x35: {  	s10 =	sld [smem:$0x3FB7];
	_ =	sdelay $0x3  }
0x36: {  	p1 =	seq.s32 s10, $0x1;
	s10 =	sld [smem:$0x3FB8];
	_ =	sdelay $0x3  }
0x37: {  	[smem:$0x3FB8] =	sst s10  }
0x38: {  	s10 =	sld [smem:$0x3FB9]  }
0x39: {  	_ = 	snop;
	(pc) =	sbr.ind lr, $3  }
0x3a: {  	_ = 	snop  }
0x3b: {  	_ = 	snop  }
0x3c: {  	p2 =	seq.s32 s10, $0x1;
	s10 =	sld [smem:$0x3FB8]  }
0x3d: {  	_ =	shalt  }
0x3e: {  	_ =	shalt  }
0x3f: {  	_ =	shalt  }
0x40: {  	_ =	shalt  }
0x41: {  	_ =	shalt  }
0x42: {  	_ =	shalt  }
0x43: {  	_ =	shalt  }
0x44: {  	_ =	shalt  }
0x45: {  	_ =	shalt  }
0x46: {  	_ =	shalt  }
0x47: {  	_ =	shalt  }
0x48: {  	_ =	shalt  }
0x49: {  	_ =	shalt  }
0x4a: {  	_ =	shalt  }
0x4b: {  	_ =	shalt  }
0x4c: {  	_ =	shalt  }
0x4d: {  	_ =	shalt  }
0x4e: {  	_ =	shalt  }
0x4f: {  	_ =	shalt  }
0x50: {  	_ =	shalt  }
0x51: {  	_ =	shalt  }
0x52: {  	_ =	shalt  }
0x53: {  	_ =	shalt  }
0x54: {  	_ =	shalt  }
0x55: {  	_ =	shalt  }
0x56: {  	_ =	shalt  }
0x57: {  	_ =	shalt  }
0x58: {  	_ =	shalt  }
0x59: {  	_ =	shalt  }
0x5a: {  	_ =	shalt  }
0x5b: {  	_ =	shalt  }
0x5c: {  	_ =	shalt  }
0x5d: {  	_ =	shalt  }
0x5e: {  	_ =	shalt  }
0x5f: {  	_ =	shalt  }
0x60: {  	_ =	shalt  }
0x61: {  	_ =	shalt  }
0x62: {  	_ =	shalt  }
0x63: {  	_ =	shalt  }
0x64: {  	_ =	shalt  }
0x65: {  	_ =	shalt  }
0x66: {  	_ =	shalt  }
0x67: {  	_ =	shalt  }
0x68: {  	_ =	shalt  }
0x69: {  	_ =	shalt  }
0x6a: {  	_ =	shalt  }
0x6b: {  	_ =	shalt  }
0x6c: {  	_ =	shalt  }
0x6d: {  	_ =	shalt  }
0x6e: {  	_ =	shalt  }
0x6f: {  	_ =	shalt  }
0x70: {  	_ =	shalt  }
0x71: {  	_ =	shalt  }
0x72: {  	_ =	shalt  }
0x73: {  	_ =	shalt  }
0x74: {  	_ =	shalt  }
0x75: {  	_ =	shalt  }
0x76: {  	_ =	shalt  }
0x77: {  	_ =	shalt  }
0x78: {  	_ =	shalt  }
0x79: {  	_ =	shalt  }
0x7a: {  	_ =	shalt  }
0x7b: {  	_ =	shalt  }
0x7c: {  	_ =	shalt  }
0x7d: {  	_ =	shalt  }
0x7e: {  	_ =	shalt  }
0x7f: {  	_ =	shalt  }
0x80: {  	_ =	shalt  }
0x81: {  	_ =	shalt  }
0x82: {  	_ =	shalt  }
0x83: {  	_ =	shalt  }
0x84: {  	_ =	shalt  }
0x85: {  	_ =	shalt  }
0x86: {  	_ =	shalt  }
0x87: {  	_ =	shalt  }
.Lfunc_end0:
.L_simem_size_0:
called_computation.2_lowered:
.L_overlay_start_0:
0x88: {  	s2 =	sld [smem:$0x3FD9]  }
0x89: {  	s3 =	sld [smem:$0x3FFE];
	_ =	sdelay $0x1  }
0x8a: {  	s1 =	srdreg.scid  }
0x8b: {  	s0 =	sand.u32 $0x1, s1  }
0x8c: {  	s17 =	sshll.u32 s0, $0xA;
	s2 =	sadd.s32 s3, s2  }
0x8d: {  	s2 =	sadd.s32 s2, s17  }
0x8e: {  	[smem:$0x3FC4] =	sst s2  }
0x8f: {  	_ = 	snop  }
0x90: {  	s2 =	sld [smem:$0x3FD0];
	(tm) =	ssettm $0x1  }
0x91: {  	s18 =	sld [smem:$0x3FFB];
	_ =	sdelay $0x3  }
0x92: {  	_ =	strace s18  }
0x93: {  	s3 =	sld [smem:$0x3FFC];
	_ =	sdelay $0x3  }
0x94: {  	_ =	strace s3  }
0x95: {  	s3 =	sld [smem:$0x3FFD];
	_ =	sdelay $0x3  }
0x96: {  	_ =	strace s3  }
0x97: {  	_ =	strace $0x8FFFFFFF  }
0x98: {  	s19 =	sld [smem:$0x3FDB];
	_ =	sdelay $0x1  }
0x99: {  	s4 =	simm.s32 $_scs_section_size  }
0x9a: {  	s5 =	simm.s32 $_size__tile_overlayer_lowered;
	s6 =	simm.s32 $_tile_overlayer_lowered  }
0x9b: {  	s22 =	simm.s32 $0x1BFF;
	s21 =	sshll.u32 s6, $0x1;
	s3 =	sadd.s32 s4, s19  }
0x9c: {  	s7 =	simm.s32 $0x0;
	s20 =	sshll.u32 s5, $0x1;
	s5 =	sadd.s32 s21, s3  }
0x9d: {  	[timem:s7], [sflag:s22] =	dma.local [hbm:s5], s20  }
0x9e: {  	_ =	swait.ge [sflag:s22], s20  }
0x9f: {  	s4 =	ssub.s32 $0x0, s20;
	[sflag:s22] =	ssyncset.done $0x0  }
0xa0: {  	[sflag:s22] =	ssyncadd.s32 s4;
	_ =	sdelay $0x1  }
0xa1: {  	s23 =	simm.s32 $0x1B8B  }
0xa2: {  	_ =	swait.ge [sflag:s23], $0x1  }
0xa3: {  	[sflag:s23] =	ssyncset.done $0x0  }
0xa4: {  	s25 =	simm.s32 $0x1B8E;
	s24 =	sld [smem:$0x3FFE];
	[sflag:s23] =	ssyncadd.s32 $0xFFFFFFFF  }
0xa5: {  	s26 =	simm.s32 $execute0_lowered;
	[smem:$0x3FD2] =	sst s25  }
0xa6: {  	s5 =	sshll.u32 s26, $0x1;
	_ =	strace $0x8000004C;
	[dreg:$0x1] =	wrdreg $0xFFFFFFFF  }
0xa7: {  	s28 =	simm.s32 $_size_execute0_lowered;
	s3 =	sadd.s32 s3, s5;
	[dreg:$0x0] =	wrdreg $0x0  }
0xa8: {  	s5 =	sshll.u32 s28, $0x1;
	[dreg:$0x2] =	wrdreg s3  }
0xa9: {  	[dreg:$0x3] =	wrdreg s5  }
0xaa: {  	[dreg:$0x4] =	wrdreg $0xC0  }
0xab: {  	_ =	task [dreg:s7], $0x5FFFF  }
0xac: {  	[dreg:$0x1] =	wrdreg $0xFFFFFFFF  }
0xad: {  	[dreg:$0x0] =	wrdreg $0x60  }
0xae: {  	[dreg:$0x2] =	wrdreg s2  }
0xaf: {  	[dreg:$0x3] =	wrdreg s24  }
0xb0: {  	[dreg:$0x4] =	wrdreg $0x8D000  }
0xb1: {  	[dreg:$0x5] =	wrdreg $0x9  }
0xb2: {  	_ =	task.clear_ibuf [dreg:s7], $0x6FFFF;
	_ =	strace $0x9000004C  }
0xb3: {  	s29 =	simm.s32 $0x9;
	_ =	strace $0x8000004E  }
0xb4: {  	_ =	swait.ge [sflag:s29], $0x1  }
0xb5: {  	[sflag:s29] =	ssyncadd.s32 $0xFFFFFFFF  }
0xb6: {  	_ =	strace $0x9000004E  }
0xb7: {  	_ =	sfence  }
0xb8: {  	s30 =	sld [smem:$0x0];
	_ =	sdelay $0x2  }
0xb9: {  	s31 =	sshll.u32 s1, $0xD;
	s1 =	sshrl.u32 s1, $0x2  }
0xba: {  	s3 =	sand.u32 $0x4000, s31;
	s1 =	sadd.s32 s1, s30  }
0xbb: {  	s0 =	sor.u32 s3, s0;
	s1 =	sshll.u32 s1, $0x11  }
0xbc: {  	s0 =	sor.u32 s1, s0  }
0xbd: {  	s0 =	sadd.s32 $0x8F2B, s0  }
0xbe: {  	[sflag:s0] =	ssyncadd.remote.s32 $0x1  }
0xbf: {  	_ =	sfence.sel $0xFFFF  }
0xc0: {  	[dreg:$0x0] =	wrdreg $0xFFFFFFFF;
	(pc) =	sbr.abs _section_cstart, $3  }
0xc1: {  	[dreg:$0x1] =	wrdreg $0xFFFFFFFF  }
0xc2: {  	_ =	task.clear_ibuf [dreg:s7], $0x2FFFF;
	_ =	strace $0x9FFFFFFF  }
0xc3: {  	(tm) =	ssettm $0x7FFFFFFF  }
tec
execute0_lowered:
.L_overlay_start_1:
0x0: {  	(tag) =	ssettag $0x1  }
0x1: {  	s1 =	rddreg [dreg:$0x0]  }
0x2: {  	s0 =	rddreg [dreg:$0x1]  }
0x3: {  	s2 =	rddreg [dreg:$0x2];
	s3 =	srdreg.scid  }
0x4: {  	s4 =	simm.s32 $0x0;
	s11 =	stileid.u32;
	s12 =	simm.s32 $0x3  }
0x5: {  	s21 =	simm.s32 $0x100;
	s22 =	simm.s32 $0x700;
	s23 =	simm.s32 $0x180  }
0x6: {  	s24 =	simm.s32 $0x780;
	s25 =	simm.s32 $0x200;
	s26 =	simm.s32 $0x800  }
0x7: {  	s28 =	simm.s32 $0x480;
	s29 =	simm.s32 $0xA80;
	s30 =	simm.s32 $0x500  }
0x8: {  	s31 =	simm.s32 $0xB00;
	s3 =	sand.u32 $0x1, s3;
	[smem:$0x7FF] =	sst s4  }
0x9: {  	s6 =	smul.u32 $0x14000, s11;
	s7 =	sshll.u32 s11, $0x1;
	s13 =	sadd.s32 $0x16000, s0  }
0xa: {  	s14 =	smul.u32 $0x50000, s11;
	_ =	strace $0x8000004D;
	[dreg:$0xc] =	wrdreg s13  }
0xb: {  	s8 =	sadd.s32 $0x2600, s0;
	s9 =	smul.u32 $0x4E20, s11;
	[dreg:$0x6] =	wrdreg s21  }
0xc: {  	s17 =	sshll.u32 s11, $0x6;
	s5 =	smul.u32 $0x140000, s3;
	[dreg:$0x7] =	wrdreg s22  }
0xd: {  	s7 =	sor.u32 s3, s7;
	s15 =	ssub.s32 $0x2, s3;
	[dreg:$0x8] =	wrdreg s23  }
0xe: {  	s3 =	smul.u32 $0x2710, s3;
	s11 =	sor.u32 $0x1C03, s17;
	[dreg:$0x9] =	wrdreg s24  }
0xf: {  	s13 =	simm.s32 $0x680;
	s17 =	simm.s32 $0x1;
	[dreg:$0xa] =	wrdreg s25  }
0x10: {  	[dreg:$0xb] =	wrdreg s26;
	s21 =	simm.s32 $0x300;
	s22 =	simm.s32 $0x900  }
0x11: {  	s23 =	simm.s32 $0x380;
	s24 =	simm.s32 $0x980;
	s25 =	simm.s32 $0x400  }
0x12: {  	s26 =	simm.s32 $0xA00;
	s7 =	smul.u32 $0x2710, s7;
	s10 =	sshrl.u32 s15, $0x1  }
0x13: {  	[dreg:$0xd] =	wrdreg s11;
	s5 =	sadd.s32 s6, s5;
	s6 =	sshrl.u32 s14, $0x2  }
0x14: {  	s3 =	sadd.s32 s3, s9;
	s14 =	simm.s32 $0x80;
	s5 =	sshrl.u32 s5, $0x3  }
0x15: {  	s16 =	sadd.s32 s6, s2;
	s7 =	sshrl.u32 s7, $0x3;
	s9 =	sshrl.u32 s3, $0x3  }
0x16: {  	s3 =	sadd.s32 $0x4E200, s3;
	s0 =	sadd.s32 s5, s0;
	s5 =	ssub.s32 s15, s10  }
0x17: {  	s7 =	sadd.s32 s8, s7;
	s9 =	sadd.s32 s9, s8;
	s3 =	sshrl.u32 s3, $0x3  }
0x18: {  	s15 =	simm.s32 $0xD00;
	s18 =	sadd.s32 $0xA120, s7;
	[dreg:$0x4] =	wrdreg s9  }
0x19: {  	s10 =	simm.s32 $0x0;
	s19 =	sadd.s32 $0x4E0, s7;
	[dreg:$0xe] =	wrdreg s18  }
0x1a: {  	s3 =	sadd.s32 s3, s8;
	s0 =	sadd.s32 $0x18800, s0;
	[dreg:$0xf] =	wrdreg s19  }
0x1b: {  	s20 =	smax.u32 s5, $0x1;
	s9 =	sshrl.u32 s16, $0x3;
	[dreg:$0x10] =	wrdreg s0  }
0x1c: {  	s16 =	simm.s32 $0x4D00;
	s5 =	simm.s32 $0x600;
	[dreg:$0x11] =	wrdreg s20  }
0x1d: {  	s7 =	simm.s32 $0xC00;
	s8 =	simm.s32 $0xC80;
	[dreg:$0x5] =	wrdreg s3  }
0x1e: {  	s18 =	simm.s32 $0x2;
	s19 =	simm.s32 $0x280;
	s20 =	simm.s32 $0x880  }
0x1f: {  	s0 =	simm.s32 $0x580;
	s3 =	simm.s32 $0xB80;
	[dreg:$0x12] =	wrdreg s9  }
.LBB2_1:
0x20: {  	s6 =	rddreg [dreg:$0xc]  }
0x21: {  	[spmem:s9], [sflag:s11] =	dma.local [hbm:s6], $0x2800  }
0x22: {  	_ =	swait.ge [sflag:s12], $0x2800  }
0x23: {  	[sflag:s12] =	ssyncset.done $0x0  }
0x24: {  	[sflag:s12] =	ssyncadd.s32 $0xFFFFD800  }
0x25: {  	[bflag:$0x0] =	sbarrier.arrive $0xFFFF  }
0x26: {  	s6 =	rddreg [dreg:$0x5]  }
0x27: {  	s9 =	sadd.s32 $0x0, s6  }
0x28: {  	[tilespmem:s4], [sflag:$0x3] =	stream.linear.gather [hbm4b:s9+s4], $0x680, $0x38;
	[tilespmem:$0x1CD00] =	vst v63  }
0x29: {  	_ =	swait.ge [sflag:s12], $0x680  }
0x2a: {  	s11 =	rddreg [dreg:$0x4];
	[sflag:s12] =	ssyncset.done $0x0  }
0x2b: {  	[sflag:s12] =	ssyncadd.s32 $0xFFFFF980;
	s9 =	sadd.s32 $0x0, s11  }
0x2c: {  	[tilespmem:s13], [sflag:$0x3] =	stream.linear.gather [hbm4b:s9+s4], $0x680, $0x38;
	[tilespmem:$0x1CD00] =	vst v63  }
0x2d: {  	_ =	swait.ge [sflag:s12], $0x680  }
0x2e: {  	[sflag:s12] =	ssyncset.done $0x0  }
0x2f: {  	[sflag:s12] =	ssyncadd.s32 $0xFFFFF980  }
0x30: {  	[tilespmem:s15], [sflag:$0x1] =	stream.indirect.gather [hbm4b:s1+s14], $0x80, s4, s14, $0xb8;
	[tilespmem:$0x1CD00] =	vst v63  }
0x31: {  	_ = 	snop  }
0x32: {  	[tilespmem:s16], [sflag:$0x2] =	stream.indirect.gather [hbm4b:s1+s14], $0x80, s14, s14, $0xb8;
	[tilespmem:$0x1CD00] =	vst v63  }
0x33: {  	_ =	swait.ge [sflag:s17], $0x4000  }
0x34: {  	[sflag:s17] =	ssyncset.done $0x0  }
0x35: {  	[sflag:s17] =	ssyncadd.s32 $0xFFFFC000  }
0x36: {  	[spmem:s2] =	stream.indirect.scatter.add.f32 [tilespmem:s15], [sflag:$0x3], $0x80, s13, s14, $0xb8;
	[tilespmem:$0x1CD00] =	vst v63  }
0x37: {  	_ =	swait.ge [sflag:s12], $0x4000  }
0x38: {  	[sflag:s12] =	ssyncset.done $0x0  }
0x39: {  	s6 =	rddreg [dreg:$0x6];
	[sflag:s12] =	ssyncadd.s32 $0xFFFFC000  }
0x3a: {  	[tilespmem:s15], [sflag:$0x1] =	stream.indirect.gather [hbm4b:s1+s14], $0x80, s6, s14, $0xb8;
	[tilespmem:$0x1CD00] =	vst v63  }
0x3b: {  	_ =	swait.ge [sflag:s18], $0x4000  }
0x3c: {  	[sflag:s18] =	ssyncset.done $0x0  }
0x3d: {  	s11 =	rddreg [dreg:$0x7];
	[sflag:s18] =	ssyncadd.s32 $0xFFFFC000  }
0x3e: {  	[spmem:s2] =	stream.indirect.scatter.add.f32 [tilespmem:s16], [sflag:$0x3], $0x80, s11, s14, $0xb8;
	[tilespmem:$0x1CD00] =	vst v63  }
0x3f: {  	_ =	swait.ge [sflag:s12], $0x4000  }
0x40: {  	[sflag:s12] =	ssyncset.done $0x0  }
0x41: {  	s6 =	rddreg [dreg:$0x8];
	[sflag:s12] =	ssyncadd.s32 $0xFFFFC000  }
0x42: {  	[tilespmem:s16], [sflag:$0x2] =	stream.indirect.gather [hbm4b:s1+s14], $0x80, s6, s14, $0xb8;
	[tilespmem:$0x1CD00] =	vst v63  }
0x43: {  	_ =	swait.ge [sflag:s17], $0x4000  }
0x44: {  	[sflag:s17] =	ssyncset.done $0x0  }
0x45: {  	s11 =	rddreg [dreg:$0x9];
	[sflag:s17] =	ssyncadd.s32 $0xFFFFC000  }
0x46: {  	[spmem:s2] =	stream.indirect.scatter.add.f32 [tilespmem:s15], [sflag:$0x3], $0x80, s11, s14, $0xb8;
	[tilespmem:$0x1CD00] =	vst v63  }
0x47: {  	_ =	swait.ge [sflag:s12], $0x4000  }
0x48: {  	[sflag:s12] =	ssyncset.done $0x0  }
0x49: {  	s6 =	rddreg [dreg:$0xa];
	[sflag:s12] =	ssyncadd.s32 $0xFFFFC000  }
0x4a: {  	[tilespmem:s15], [sflag:$0x1] =	stream.indirect.gather [hbm4b:s1+s14], $0x80, s6, s14, $0xb8;
	[tilespmem:$0x1CD00] =	vst v63  }
0x4b: {  	_ =	swait.ge [sflag:s18], $0x4000  }
0x4c: {  	[sflag:s18] =	ssyncset.done $0x0  }
0x4d: {  	s11 =	rddreg [dreg:$0xb];
	[sflag:s18] =	ssyncadd.s32 $0xFFFFC000  }
0x4e: {  	[spmem:s2] =	stream.indirect.scatter.add.f32 [tilespmem:s16], [sflag:$0x3], $0x80, s11, s14, $0xb8;
	[tilespmem:$0x1CD00] =	vst v63  }
0x4f: {  	_ =	swait.ge [sflag:s12], $0x4000  }
0x50: {  	[sflag:s12] =	ssyncset.done $0x0  }
0x51: {  	[sflag:s12] =	ssyncadd.s32 $0xFFFFC000  }
0x52: {  	[tilespmem:s16], [sflag:$0x2] =	stream.indirect.gather [hbm4b:s1+s14], $0x80, s19, s14, $0xb8;
	[tilespmem:$0x1CD00] =	vst v63  }
0x53: {  	_ =	swait.ge [sflag:s17], $0x4000  }
0x54: {  	[sflag:s17] =	ssyncset.done $0x0  }
0x55: {  	[sflag:s17] =	ssyncadd.s32 $0xFFFFC000  }
0x56: {  	[spmem:s2] =	stream.indirect.scatter.add.f32 [tilespmem:s15], [sflag:$0x3], $0x80, s20, s14, $0xb8;
	[tilespmem:$0x1CD00] =	vst v63  }
0x57: {  	_ =	swait.ge [sflag:s12], $0x4000  }
0x58: {  	[sflag:s12] =	ssyncset.done $0x0  }
0x59: {  	[sflag:s12] =	ssyncadd.s32 $0xFFFFC000  }
0x5a: {  	[tilespmem:s15], [sflag:$0x1] =	stream.indirect.gather [hbm4b:s1+s14], $0x80, s21, s14, $0xb8;
	[tilespmem:$0x1CD00] =	vst v63  }
0x5b: {  	_ =	swait.ge [sflag:s18], $0x4000  }
0x5c: {  	[sflag:s18] =	ssyncset.done $0x0  }
0x5d: {  	[sflag:s18] =	ssyncadd.s32 $0xFFFFC000  }
0x5e: {  	[spmem:s2] =	stream.indirect.scatter.add.f32 [tilespmem:s16], [sflag:$0x3], $0x80, s22, s14, $0xb8;
	[tilespmem:$0x1CD00] =	vst v63  }
0x5f: {  	_ =	swait.ge [sflag:s12], $0x4000  }
0x60: {  	[sflag:s12] =	ssyncset.done $0x0  }
0x61: {  	[sflag:s12] =	ssyncadd.s32 $0xFFFFC000  }
0x62: {  	[tilespmem:s16], [sflag:$0x2] =	stream.indirect.gather [hbm4b:s1+s14], $0x80, s23, s14, $0xb8;
	[tilespmem:$0x1CD00] =	vst v63  }
0x63: {  	_ =	swait.ge [sflag:s17], $0x4000  }
0x64: {  	[sflag:s17] =	ssyncset.done $0x0  }
0x65: {  	[sflag:s17] =	ssyncadd.s32 $0xFFFFC000  }
0x66: {  	[spmem:s2] =	stream.indirect.scatter.add.f32 [tilespmem:s15], [sflag:$0x3], $0x80, s24, s14, $0xb8;
	[tilespmem:$0x1CD00] =	vst v63  }
0x67: {  	_ =	swait.ge [sflag:s12], $0x4000  }
0x68: {  	[sflag:s12] =	ssyncset.done $0x0  }
0x69: {  	[sflag:s12] =	ssyncadd.s32 $0xFFFFC000  }
0x6a: {  	[tilespmem:s15], [sflag:$0x1] =	stream.indirect.gather [hbm4b:s1+s14], $0x80, s25, s14, $0xb8;
	[tilespmem:$0x1CD00] =	vst v63  }
0x6b: {  	_ =	swait.ge [sflag:s18], $0x4000  }
0x6c: {  	[sflag:s18] =	ssyncset.done $0x0  }
0x6d: {  	[sflag:s18] =	ssyncadd.s32 $0xFFFFC000  }
0x6e: {  	[spmem:s2] =	stream.indirect.scatter.add.f32 [tilespmem:s16], [sflag:$0x3], $0x80, s26, s14, $0xb8;
	[tilespmem:$0x1CD00] =	vst v63  }
0x6f: {  	_ =	swait.ge [sflag:s12], $0x4000  }
0x70: {  	[sflag:s12] =	ssyncset.done $0x0  }
0x71: {  	[sflag:s12] =	ssyncadd.s32 $0xFFFFC000  }
0x72: {  	[tilespmem:s16], [sflag:$0x2] =	stream.indirect.gather [hbm4b:s1+s14], $0x80, s28, s14, $0xb8;
	[tilespmem:$0x1CD00] =	vst v63  }
0x73: {  	_ =	swait.ge [sflag:s17], $0x4000  }
0x74: {  	[sflag:s17] =	ssyncset.done $0x0  }
0x75: {  	[sflag:s17] =	ssyncadd.s32 $0xFFFFC000  }
0x76: {  	[spmem:s2] =	stream.indirect.scatter.add.f32 [tilespmem:s15], [sflag:$0x3], $0x80, s29, s14, $0xb8;
	[tilespmem:$0x1CD00] =	vst v63  }
0x77: {  	_ =	swait.ge [sflag:s12], $0x4000  }
0x78: {  	[sflag:s12] =	ssyncset.done $0x0  }
0x79: {  	[sflag:s12] =	ssyncadd.s32 $0xFFFFC000  }
0x7a: {  	[tilespmem:s15], [sflag:$0x1] =	stream.indirect.gather [hbm4b:s1+s14], $0x80, s30, s14, $0xb8;
	[tilespmem:$0x1CD00] =	vst v63  }
0x7b: {  	_ =	swait.ge [sflag:s18], $0x4000  }
0x7c: {  	[sflag:s18] =	ssyncset.done $0x0  }
0x7d: {  	[sflag:s18] =	ssyncadd.s32 $0xFFFFC000  }
0x7e: {  	[spmem:s2] =	stream.indirect.scatter.add.f32 [tilespmem:s16], [sflag:$0x3], $0x80, s31, s14, $0xb8;
	[tilespmem:$0x1CD00] =	vst v63  }
0x7f: {  	_ =	swait.ge [sflag:s12], $0x4000  }
0x80: {  	[sflag:s12] =	ssyncset.done $0x0  }
0x81: {  	[sflag:s12] =	ssyncadd.s32 $0xFFFFC000  }
0x82: {  	[tilespmem:s16], [sflag:$0x2] =	stream.indirect.gather [hbm4b:s1+s14], $0x80, s0, s14, $0xb8;
	[tilespmem:$0x1CD00] =	vst v63  }
0x83: {  	_ =	swait.ge [sflag:s17], $0x4000  }
0x84: {  	[sflag:s17] =	ssyncset.done $0x0  }
0x85: {  	[sflag:s17] =	ssyncadd.s32 $0xFFFFC000  }
0x86: {  	[spmem:s2] =	stream.indirect.scatter.add.f32 [tilespmem:s15], [sflag:$0x3], $0x80, s3, s14, $0xb8;
	[tilespmem:$0x1CD00] =	vst v63  }
0x87: {  	_ =	swait.ge [sflag:s12], $0x4000  }
0x88: {  	[sflag:s12] =	ssyncset.done $0x0  }
0x89: {  	[sflag:s12] =	ssyncadd.s32 $0xFFFFC000  }
0x8a: {  	[tilespmem:s15], [sflag:$0x1] =	stream.indirect.gather [hbm4b:s1+s14], $0x80, s5, s14, $0xb8;
	[tilespmem:$0x1CD00] =	vst v63  }
0x8b: {  	_ =	swait.ge [sflag:s18], $0x4000  }
0x8c: {  	[sflag:s18] =	ssyncset.done $0x0  }
0x8d: {  	[sflag:s18] =	ssyncadd.s32 $0xFFFFC000  }
0x8e: {  	[spmem:s2] =	stream.indirect.scatter.add.f32 [tilespmem:s16], [sflag:$0x3], $0x80, s7, s14, $0xb8;
	[tilespmem:$0x1CD00] =	vst v63  }
0x8f: {  	_ =	swait.ge [sflag:s12], $0x4000  }
0x90: {  	[sflag:s12] =	ssyncset.done $0x0  }
0x91: {  	[sflag:s12] =	ssyncadd.s32 $0xFFFFC000  }
0x92: {  	_ =	swait.ge [sflag:s17], $0x4000  }
0x93: {  	[sflag:s17] =	ssyncset.done $0x0  }
0x94: {  	[sflag:s17] =	ssyncadd.s32 $0xFFFFC000  }
0x95: {  	[spmem:s2] =	stream.indirect.scatter.add.f32 [tilespmem:s15], [sflag:$0x3], $0x80, s8, s14, $0xb8;
	[tilespmem:$0x1CD00] =	vst v63  }
0x96: {  	s9 =	simm.s32 $0xD0;
	_ =	swait.ge [sflag:s12], $0x4000  }
.LBB2_2:
0x97: {  	s6 =	rddreg [dreg:$0x5];
	s11 =	smov.u32 s9;
	[sflag:s12] =	ssyncset.done $0x0  }
0x98: {  	s6 =	sadd.s32 s11, s6;
	[sflag:s12] =	ssyncadd.s32 $0xFFFFC000  }
0x99: {  	[tilespmem:s4], [sflag:$0x3] =	stream.linear.gather [hbm4b:s6+s4], $0x680, $0x38;
	[tilespmem:$0x1CD00] =	vst v63  }
0x9a: {  	_ =	swait.ge [sflag:s12], $0x680  }
0x9b: {  	s6 =	rddreg [dreg:$0x4];
	[sflag:s12] =	ssyncset.done $0x0  }
0x9c: {  	[sflag:s12] =	ssyncadd.s32 $0xFFFFF980;
	s6 =	sadd.s32 s11, s6  }
0x9d: {  	[tilespmem:s13], [sflag:$0x3] =	stream.linear.gather [hbm4b:s6+s4], $0x680, $0x38;
	[tilespmem:$0x1CD00] =	vst v63  }
0x9e: {  	_ =	swait.ge [sflag:s12], $0x680  }
0x9f: {  	[sflag:s12] =	ssyncset.done $0x0  }
0xa0: {  	[sflag:s12] =	ssyncadd.s32 $0xFFFFF980  }
0xa1: {  	[tilespmem:s15], [sflag:$0x1] =	stream.indirect.gather [hbm4b:s1+s14], $0x80, s4, s14, $0xb8;
	[tilespmem:$0x1CD00] =	vst v63  }
0xa2: {  	_ = 	snop  }
0xa3: {  	[tilespmem:s16], [sflag:$0x2] =	stream.indirect.gather [hbm4b:s1+s14], $0x80, s14, s14, $0xb8;
	[tilespmem:$0x1CD00] =	vst v63  }
0xa4: {  	_ =	swait.ge [sflag:s17], $0x4000  }
0xa5: {  	[sflag:s17] =	ssyncset.done $0x0  }
0xa6: {  	[sflag:s17] =	ssyncadd.s32 $0xFFFFC000  }
0xa7: {  	[spmem:s2] =	stream.indirect.scatter.add.f32 [tilespmem:s15], [sflag:$0x3], $0x80, s13, s14, $0xb8;
	[tilespmem:$0x1CD00] =	vst v63  }
0xa8: {  	_ =	swait.ge [sflag:s12], $0x4000  }
0xa9: {  	[sflag:s12] =	ssyncset.done $0x0  }
0xaa: {  	s11 =	rddreg [dreg:$0x6];
	[sflag:s12] =	ssyncadd.s32 $0xFFFFC000  }
0xab: {  	[tilespmem:s15], [sflag:$0x1] =	stream.indirect.gather [hbm4b:s1+s14], $0x80, s11, s14, $0xb8;
	[tilespmem:$0x1CD00] =	vst v63  }
0xac: {  	_ =	swait.ge [sflag:s18], $0x4000  }
0xad: {  	[sflag:s18] =	ssyncset.done $0x0  }
0xae: {  	s11 =	rddreg [dreg:$0x7];
	[sflag:s18] =	ssyncadd.s32 $0xFFFFC000  }
0xaf: {  	[spmem:s2] =	stream.indirect.scatter.add.f32 [tilespmem:s16], [sflag:$0x3], $0x80, s11, s14, $0xb8;
	[tilespmem:$0x1CD00] =	vst v63  }
0xb0: {  	_ =	swait.ge [sflag:s12], $0x4000  }
0xb1: {  	[sflag:s12] =	ssyncset.done $0x0  }
0xb2: {  	s11 =	rddreg [dreg:$0x8];
	[sflag:s12] =	ssyncadd.s32 $0xFFFFC000  }
0xb3: {  	[tilespmem:s16], [sflag:$0x2] =	stream.indirect.gather [hbm4b:s1+s14], $0x80, s11, s14, $0xb8;
	[tilespmem:$0x1CD00] =	vst v63  }
0xb4: {  	_ =	swait.ge [sflag:s17], $0x4000  }
0xb5: {  	[sflag:s17] =	ssyncset.done $0x0  }
0xb6: {  	s11 =	rddreg [dreg:$0x9];
	[sflag:s17] =	ssyncadd.s32 $0xFFFFC000  }
0xb7: {  	[spmem:s2] =	stream.indirect.scatter.add.f32 [tilespmem:s15], [sflag:$0x3], $0x80, s11, s14, $0xb8;
	[tilespmem:$0x1CD00] =	vst v63  }
0xb8: {  	_ =	swait.ge [sflag:s12], $0x4000  }
0xb9: {  	[sflag:s12] =	ssyncset.done $0x0  }
0xba: {  	s11 =	rddreg [dreg:$0xa];
	[sflag:s12] =	ssyncadd.s32 $0xFFFFC000  }
0xbb: {  	[tilespmem:s15], [sflag:$0x1] =	stream.indirect.gather [hbm4b:s1+s14], $0x80, s11, s14, $0xb8;
	[tilespmem:$0x1CD00] =	vst v63  }
0xbc: {  	_ =	swait.ge [sflag:s18], $0x4000  }
0xbd: {  	[sflag:s18] =	ssyncset.done $0x0  }
0xbe: {  	s11 =	rddreg [dreg:$0xb];
	[sflag:s18] =	ssyncadd.s32 $0xFFFFC000  }
0xbf: {  	[spmem:s2] =	stream.indirect.scatter.add.f32 [tilespmem:s16], [sflag:$0x3], $0x80, s11, s14, $0xb8;
	[tilespmem:$0x1CD00] =	vst v63  }
0xc0: {  	_ =	swait.ge [sflag:s12], $0x4000  }
0xc1: {  	[sflag:s12] =	ssyncset.done $0x0  }
0xc2: {  	[sflag:s12] =	ssyncadd.s32 $0xFFFFC000  }
0xc3: {  	[tilespmem:s16], [sflag:$0x2] =	stream.indirect.gather [hbm4b:s1+s14], $0x80, s19, s14, $0xb8;
	[tilespmem:$0x1CD00] =	vst v63  }
0xc4: {  	_ =	swait.ge [sflag:s17], $0x4000  }
0xc5: {  	[sflag:s17] =	ssyncset.done $0x0  }
0xc6: {  	[sflag:s17] =	ssyncadd.s32 $0xFFFFC000  }
0xc7: {  	[spmem:s2] =	stream.indirect.scatter.add.f32 [tilespmem:s15], [sflag:$0x3], $0x80, s20, s14, $0xb8;
	[tilespmem:$0x1CD00] =	vst v63  }
0xc8: {  	_ =	swait.ge [sflag:s12], $0x4000  }
0xc9: {  	[sflag:s12] =	ssyncset.done $0x0  }
0xca: {  	[sflag:s12] =	ssyncadd.s32 $0xFFFFC000  }
0xcb: {  	[tilespmem:s15], [sflag:$0x1] =	stream.indirect.gather [hbm4b:s1+s14], $0x80, s21, s14, $0xb8;
	[tilespmem:$0x1CD00] =	vst v63  }
0xcc: {  	_ =	swait.ge [sflag:s18], $0x4000  }
0xcd: {  	[sflag:s18] =	ssyncset.done $0x0  }
0xce: {  	[sflag:s18] =	ssyncadd.s32 $0xFFFFC000  }
0xcf: {  	[spmem:s2] =	stream.indirect.scatter.add.f32 [tilespmem:s16], [sflag:$0x3], $0x80, s22, s14, $0xb8;
	[tilespmem:$0x1CD00] =	vst v63  }
0xd0: {  	_ =	swait.ge [sflag:s12], $0x4000  }
0xd1: {  	[sflag:s12] =	ssyncset.done $0x0  }
0xd2: {  	[sflag:s12] =	ssyncadd.s32 $0xFFFFC000  }
0xd3: {  	[tilespmem:s16], [sflag:$0x2] =	stream.indirect.gather [hbm4b:s1+s14], $0x80, s23, s14, $0xb8;
	[tilespmem:$0x1CD00] =	vst v63  }
0xd4: {  	_ =	swait.ge [sflag:s17], $0x4000  }
0xd5: {  	[sflag:s17] =	ssyncset.done $0x0  }
0xd6: {  	[sflag:s17] =	ssyncadd.s32 $0xFFFFC000  }
0xd7: {  	[spmem:s2] =	stream.indirect.scatter.add.f32 [tilespmem:s15], [sflag:$0x3], $0x80, s24, s14, $0xb8;
	[tilespmem:$0x1CD00] =	vst v63  }
0xd8: {  	_ =	swait.ge [sflag:s12], $0x4000  }
0xd9: {  	[sflag:s12] =	ssyncset.done $0x0  }
0xda: {  	[sflag:s12] =	ssyncadd.s32 $0xFFFFC000  }
0xdb: {  	[tilespmem:s15], [sflag:$0x1] =	stream.indirect.gather [hbm4b:s1+s14], $0x80, s25, s14, $0xb8;
	[tilespmem:$0x1CD00] =	vst v63  }
0xdc: {  	_ =	swait.ge [sflag:s18], $0x4000  }
0xdd: {  	[sflag:s18] =	ssyncset.done $0x0  }
0xde: {  	[sflag:s18] =	ssyncadd.s32 $0xFFFFC000  }
0xdf: {  	[spmem:s2] =	stream.indirect.scatter.add.f32 [tilespmem:s16], [sflag:$0x3], $0x80, s26, s14, $0xb8;
	[tilespmem:$0x1CD00] =	vst v63  }
0xe0: {  	_ =	swait.ge [sflag:s12], $0x4000  }
0xe1: {  	[sflag:s12] =	ssyncset.done $0x0  }
0xe2: {  	[sflag:s12] =	ssyncadd.s32 $0xFFFFC000  }
0xe3: {  	[tilespmem:s16], [sflag:$0x2] =	stream.indirect.gather [hbm4b:s1+s14], $0x80, s28, s14, $0xb8;
	[tilespmem:$0x1CD00] =	vst v63  }
0xe4: {  	_ =	swait.ge [sflag:s17], $0x4000  }
0xe5: {  	[sflag:s17] =	ssyncset.done $0x0  }
0xe6: {  	[sflag:s17] =	ssyncadd.s32 $0xFFFFC000  }
0xe7: {  	[spmem:s2] =	stream.indirect.scatter.add.f32 [tilespmem:s15], [sflag:$0x3], $0x80, s29, s14, $0xb8;
	[tilespmem:$0x1CD00] =	vst v63  }
0xe8: {  	_ =	swait.ge [sflag:s12], $0x4000  }
0xe9: {  	[sflag:s12] =	ssyncset.done $0x0  }
0xea: {  	[sflag:s12] =	ssyncadd.s32 $0xFFFFC000  }
0xeb: {  	[tilespmem:s15], [sflag:$0x1] =	stream.indirect.gather [hbm4b:s1+s14], $0x80, s30, s14, $0xb8;
	[tilespmem:$0x1CD00] =	vst v63  }
0xec: {  	_ =	swait.ge [sflag:s18], $0x4000  }
0xed: {  	[sflag:s18] =	ssyncset.done $0x0  }
0xee: {  	[sflag:s18] =	ssyncadd.s32 $0xFFFFC000  }
0xef: {  	[spmem:s2] =	stream.indirect.scatter.add.f32 [tilespmem:s16], [sflag:$0x3], $0x80, s31, s14, $0xb8;
	[tilespmem:$0x1CD00] =	vst v63  }
0xf0: {  	_ =	swait.ge [sflag:s12], $0x4000  }
0xf1: {  	[sflag:s12] =	ssyncset.done $0x0  }
0xf2: {  	[sflag:s12] =	ssyncadd.s32 $0xFFFFC000  }
0xf3: {  	[tilespmem:s16], [sflag:$0x2] =	stream.indirect.gather [hbm4b:s1+s14], $0x80, s0, s14, $0xb8;
	[tilespmem:$0x1CD00] =	vst v63  }
0xf4: {  	_ =	swait.ge [sflag:s17], $0x4000  }
0xf5: {  	[sflag:s17] =	ssyncset.done $0x0  }
0xf6: {  	[sflag:s17] =	ssyncadd.s32 $0xFFFFC000  }
0xf7: {  	[spmem:s2] =	stream.indirect.scatter.add.f32 [tilespmem:s15], [sflag:$0x3], $0x80, s3, s14, $0xb8;
	[tilespmem:$0x1CD00] =	vst v63  }
0xf8: {  	_ =	swait.ge [sflag:s12], $0x4000  }
0xf9: {  	[sflag:s12] =	ssyncset.done $0x0  }
0xfa: {  	[sflag:s12] =	ssyncadd.s32 $0xFFFFC000  }
0xfb: {  	[tilespmem:s15], [sflag:$0x1] =	stream.indirect.gather [hbm4b:s1+s14], $0x80, s5, s14, $0xb8;
	[tilespmem:$0x1CD00] =	vst v63  }
0xfc: {  	_ =	swait.ge [sflag:s18], $0x4000  }
0xfd: {  	[sflag:s18] =	ssyncset.done $0x0  }
0xfe: {  	[sflag:s18] =	ssyncadd.s32 $0xFFFFC000  }
0xff: {  	[spmem:s2] =	stream.indirect.scatter.add.f32 [tilespmem:s16], [sflag:$0x3], $0x80, s7, s14, $0xb8;
	[tilespmem:$0x1CD00] =	vst v63  }
0x100: {  	_ =	swait.ge [sflag:s12], $0x4000  }
0x101: {  	[sflag:s12] =	ssyncset.done $0x0  }
0x102: {  	p0 =	sne.s32 s9, $0x410;
	[sflag:s12] =	ssyncadd.s32 $0xFFFFC000  }
.Ltmp0:
0x103: {  	_ =	swait.ge [sflag:s17], $0x4000;
	(pc) =	sbr.rel @p0 .LBB2_2-.Ltmp0, $4  }
0x104: {  	[sflag:s17] =	ssyncset.done $0x0  }
0x105: {  	[sflag:s17] =	ssyncadd.s32 $0xFFFFC000  }
0x106: {  	[spmem:s2] =	stream.indirect.scatter.add.f32 [tilespmem:s15], [sflag:$0x3], $0x80, s8, s14, $0xb8;
	[tilespmem:$0x1CD00] =	vst v63  }
0x107: {  	s9 =	sadd.s32 $0xD0, s9;
	_ =	swait.ge [sflag:s12], $0x4000  }
0x108: {  	[sflag:s12] =	ssyncset.done $0x0  }
0x109: {  	s6 =	rddreg [dreg:$0xe];
	[sflag:s12] =	ssyncadd.s32 $0xFFFFC000  }
0x10a: {  	[tilespmem:s4], [sflag:$0x3] =	stream.linear.gather [hbm4b:s6+s4], $0x10, $0x38;
	[tilespmem:$0x1CD00] =	vst v63  }
0x10b: {  	_ =	swait.ge [sflag:s12], $0x10  }
0x10c: {  	[sflag:s12] =	ssyncset.done $0x0  }
0x10d: {  	s9 =	rddreg [dreg:$0xf];
	[sflag:s12] =	ssyncadd.s32 $0xFFFFFFF0  }
0x10e: {  	[tilespmem:s13], [sflag:$0x3] =	stream.linear.gather [hbm4b:s9+s4], $0x10, $0x38;
	[tilespmem:$0x1CD00] =	vst v63  }
0x10f: {  	_ =	swait.ge [sflag:s12], $0x10  }
0x110: {  	[sflag:s12] =	ssyncset.done $0x0  }
0x111: {  	s11 =	simm.s32 $0x10;
	[sflag:s12] =	ssyncadd.s32 $0xFFFFFFF0  }
0x112: {  	[tilespmem:s15], [sflag:$0x1] =	stream.indirect.gather [hbm4b:s1+s11], $0x80, s4, s11, $0xb8;
	[tilespmem:$0x1CD00] =	vst v63  }
0x113: {  	_ =	swait.ge [sflag:s17], $0x800  }
0x114: {  	[sflag:s17] =	ssyncset.done $0x0  }
0x115: {  	[sflag:s17] =	ssyncadd.s32 $0xFFFFF800  }
0x116: {  	[spmem:s2] =	stream.indirect.scatter.add.f32 [tilespmem:s15], [sflag:$0x3], $0x80, s13, s11, $0xb8;
	[tilespmem:$0x1CD00] =	vst v63  }
0x117: {  	_ =	swait.ge [sflag:s12], $0x800  }
0x118: {  	[sflag:s12] =	ssyncset.done $0x0  }
0x119: {  	[sflag:s12] =	ssyncadd.s32 $0xFFFFF800  }
0x11a: {  	[bflag:$0x0] =	sbarrier.arrive $0xFFFF  }
0x11b: {  	s11 =	rddreg [dreg:$0xd]  }
0x11c: {  	s6 =	rddreg [dreg:$0x10]  }
0x11d: {  	s9 =	rddreg [dreg:$0x12]  }
0x11e: {  	[hbm:s6], [sflag:s11] =	dma.local [spmem:s9], $0x2800  }
0x11f: {  	_ =	swait.ge [sflag:s12], $0x2800  }
0x120: {  	s10 =	sadd.s32 $0x1, s10;
	s6 =	rddreg [dreg:$0x11]  }
0x121: {  	p0 =	sne.s32 s10, s6  }
.Ltmp1:
0x122: {  	_ = 	snop;
	(pc) =	sbr.rel @p0 .LBB2_1-.Ltmp1, $3  }
0x123: {  	_ =	sdelay $0x1  }
0x124: {  	[sflag:s12] =	ssyncset.done $0x0  }
0x125: {  	[sflag:s12] =	ssyncadd.s32 $0xFFFFD800  }
0x126: {  	_ =	sfence.sel $0x180000  }
0x127: {  	[bflag:$0x0] =	sbarrier.arrive $0xFFFF  }
0x128: {  	_ =	strace $0x9000004D  }
0x129: {  	s0 =	stileid.u32;
	[bflag:$0x2] =	sbarrier.arrive $0xFFFF  }
0x12a: {  	p0 =	sne.s32 s0, $0x0;
	s0 =	rddreg [dreg:$0x3]  }
0x12b: {  	s0 =	sadd.s32 @!p0 $0x100000, s0  }
0x12c: {  	[sflag:s0] =	ssyncadd.tile.s32 @!p0 $0x1;
	_ =	shalt  }
.Lfunc_end2:
_tile_overlayer_lowered:
.L_overlay_start_2:
0x12d: {  	(tag) =	ssettag $0x2  }
0x12e: {  	s0 =	rddreg [dreg:$0x0];
	s2 =	stileid.u32  }
0x12f: {  	s1 =	rddreg [dreg:$0x1];
	p0 =	sne.s32 s2, $0x0  }
0x130: {  	s3 =	rddreg [dreg:$0x2];
	[bflag:$0x3] =	sbarrier.arrive $0xFFFF;
	s2 =	simm.s32 @!p0 $0x1C03  }
0x131: {  	[timem:s3], [sflag:s2] =	dma.local @!p0 [hbm:s0], s1  }
0x132: {  	s0 =	simm.s32 @!p0 $0x3  }
0x133: {  	_ =	swait.ge @!p0 [sflag:s0], s1  }
0x134: {  	s1 =	ssub.s32 @!p0 $0x0, s1;
	[sflag:s0] =	ssyncset.done @!p0 $0x0  }
0x135: {  	[sflag:s0] =	ssyncadd.s32 @!p0 s1  }
0x136: {  	[bflag:$0x3] =	sbarrier.arrive $0xFFFF  }
0x137: {  	_ =	shalt  }

// kernel: kernel.9.cloned.1.call-start
scs
__scs_entry_jumppad:
0x0: {  	(pc) =	sbr.rel $0x88, $3  }
0x1: {  	(tag) =	ssettag $0x0;
	lr =	simm.s32 $0x1  }
0x2: {  	[smem:$0x3F9D] =	sst lr;
	_ =	strace $0xD0000000  }
0x3: {  	_ = 	snop  }
0x4: {  	_ = 	snop  }
0x5: {  	_ = 	snop  }
0x6: {  	_ = 	snop  }
0x7: {  	_ = 	snop  }
__scs_overlays_trampoline_lowered:
0x8: {  	[smem:$0x3FAC] =	sst s0  }
0x9: {  	[smem:$0x3FAD] =	sst s1  }
0xa: {  	[smem:$0x3FAE] =	sst s2  }
0xb: {  	[smem:$0x3FAF] =	sst s3  }
0xc: {  	[smem:$0x3FB0] =	sst s4  }
0xd: {  	[smem:$0x3FB1] =	sst s5  }
0xe: {  	[smem:$0x3FB2] =	sst s6  }
0xf: {  	[smem:$0x3FB3] =	sst s7  }
0x10: {  	[smem:$0x3FB4] =	sst s8  }
0x11: {  	[smem:$0x3FB5] =	sst s9;
	s0 =	simm.s32 @!p0 $0x0  }
0x12: {  	s1 =	sld [smem:$0x3F9B];
	s0 =	simm.s32 @p0 $0x1  }
0x13: {  	[smem:$0x3FB6] =	sst s0;
	s0 =	simm.s32 @!p1 $0x0  }
0x14: {  	s2 =	sld [smem:$0x3F9A];
	s0 =	simm.s32 @p1 $0x1  }
0x15: {  	[smem:$0x3FB7] =	sst s0;
	s0 =	simm.s32 @!p2 $0x0  }
0x16: {  	s3 =	sld [smem:$0x3FDB];
	s0 =	simm.s32 @p2 $0x1  }
0x17: {  	s4 =	simm.s32 $0x1BF5;
	[smem:$0x3FB9] =	sst s0  }
0x18: {  	s0 =	sld [smem:$0x3F9C];
	_ =	swait.ge [sflag:s4], $0x0  }
0x19: {  	s7 =	sld [smem:$0x3F9D]  }
0x1a: {  	s8 =	sadd.s32 $0xFFFFE003, lr  }
0x1b: {  	s9 =	sadd.s32 $0xFFFFFEF7, lr;
	s5 =	simm.s32 $0xFFFFFFFF;
	p2 =	slt.u32 s8, $0xFFFFF086  }
0x1c: {  	p1 =	slt.u32 s9, $0xF7A;
	s5 =	simm.s32 @!p2 $0x0  }
0x1d: {  	s5 =	simm.s32 @p1 $0x1;
	p0 =	seq.s32 s7, s2  }
0x1e: {  	s7 =	smul.u32 @!p0 $0xF7A, s2;
	p2 =	seq.s32 @!p0 s5, $0x0  }
0x1f: {  	s9 =	smul.u32 $0xF7A, s1;
	s8 =	simm.s32 @!p0 $0x1BF5;
	p2 =	por !p2, p0  }
0x20: {  	[sflag:s8] =	ssyncset.s32 @!p0 $0xFFFFF086;
	s6 =	sadd.s32 @!p0 s3, s7;
	s7 =	simm.s32 @!p0 $0x108  }
0x21: {  	s3 =	sadd.s32 s3, s9;
	s6 =	sadd.s32 @!p0 $0x88, s6;
	s7 =	simm.s32 @p2 $0x1082  }
0x22: {  	[simem:s7], [sflag:s8] =	dma.local @!p0 [hbm:s6], $0xF7A  }
0x23: {  	s9 =	sor.u32 $0xD0000000, s2;
	s6 =	simm.s32 $0x108;
	_ =	swait.ge @!p0 [sflag:s8], $0x0  }
0x24: {  	s3 =	sadd.s32 $0x88, s3;
	s6 =	simm.s32 @!p1 $0x1082;
	[sflag:s4] =	ssyncset.s32 $0xFFFFF086  }
0x25: {  	[simem:s6], [sflag:s4] =	dma.local [hbm:s3], $0xF7A  }
0x26: {  	[smem:$0x3F9D] =	sst s1;
	(tag) =	ssettag s2;
	_ =	strace s9  }
0x27: {  	s1 =	sld [smem:$0x3FAD]  }
0x28: {  	s2 =	sld [smem:$0x3FAE]  }
0x29: {  	s4 =	sld [smem:$0x3FB0]  }
0x2a: {  	p0 =	seq.s32 s5, $0x0;
	s5 =	sld [smem:$0x3FB1]  }
0x2b: {  	s6 =	sld [smem:$0x3FB2]  }
0x2c: {  	s7 =	sld [smem:$0x3FB3]  }
0x2d: {  	s3 =	simm.s32 $0x108;
	s8 =	sld [smem:$0x3FB4]  }
0x2e: {  	s3 =	simm.s32 @!p0 $0x1082;
	s9 =	sld [smem:$0x3FB5]  }
0x2f: {  	lr =	sadd.s32 s0, s3;
	s0 =	sld [smem:$0x3FAC]  }
0x30: {  	s3 =	sld [smem:$0x3FAF]  }
0x31: {  	[smem:$0x3FB8] =	sst s10  }
0x32: {  	s10 =	sld [smem:$0x3FB6];
	_ =	sdelay $0x3  }
0x33: {  	p0 =	seq.s32 s10, $0x1;
	s10 =	sld [smem:$0x3FB8];
	_ =	sdelay $0x3  }
0x34: {  	[smem:$0x3FB8] =	sst s10  }
0x35: {  	s10 =	sld [smem:$0x3FB7];
	_ =	sdelay $0x3  }
0x36: {  	p1 =	seq.s32 s10, $0x1;
	s10 =	sld [smem:$0x3FB8];
	_ =	sdelay $0x3  }
0x37: {  	[smem:$0x3FB8] =	sst s10  }
0x38: {  	s10 =	sld [smem:$0x3FB9]  }
0x39: {  	_ = 	snop;
	(pc) =	sbr.ind lr, $3  }
0x3a: {  	_ = 	snop  }
0x3b: {  	_ = 	snop  }
0x3c: {  	p2 =	seq.s32 s10, $0x1;
	s10 =	sld [smem:$0x3FB8]  }
0x3d: {  	_ =	shalt  }
0x3e: {  	_ =	shalt  }
0x3f: {  	_ =	shalt  }
0x40: {  	_ =	shalt  }
0x41: {  	_ =	shalt  }
0x42: {  	_ =	shalt  }
0x43: {  	_ =	shalt  }
0x44: {  	_ =	shalt  }
0x45: {  	_ =	shalt  }
0x46: {  	_ =	shalt  }
0x47: {  	_ =	shalt  }
0x48: {  	_ =	shalt  }
0x49: {  	_ =	shalt  }
0x4a: {  	_ =	shalt  }
0x4b: {  	_ =	shalt  }
0x4c: {  	_ =	shalt  }
0x4d: {  	_ =	shalt  }
0x4e: {  	_ =	shalt  }
0x4f: {  	_ =	shalt  }
0x50: {  	_ =	shalt  }
0x51: {  	_ =	shalt  }
0x52: {  	_ =	shalt  }
0x53: {  	_ =	shalt  }
0x54: {  	_ =	shalt  }
0x55: {  	_ =	shalt  }
0x56: {  	_ =	shalt  }
0x57: {  	_ =	shalt  }
0x58: {  	_ =	shalt  }
0x59: {  	_ =	shalt  }
0x5a: {  	_ =	shalt  }
0x5b: {  	_ =	shalt  }
0x5c: {  	_ =	shalt  }
0x5d: {  	_ =	shalt  }
0x5e: {  	_ =	shalt  }
0x5f: {  	_ =	shalt  }
0x60: {  	_ =	shalt  }
0x61: {  	_ =	shalt  }
0x62: {  	_ =	shalt  }
0x63: {  	_ =	shalt  }
0x64: {  	_ =	shalt  }
0x65: {  	_ =	shalt  }
0x66: {  	_ =	shalt  }
0x67: {  	_ =	shalt  }
0x68: {  	_ =	shalt  }
0x69: {  	_ =	shalt  }
0x6a: {  	_ =	shalt  }
0x6b: {  	_ =	shalt  }
0x6c: {  	_ =	shalt  }
0x6d: {  	_ =	shalt  }
0x6e: {  	_ =	shalt  }
0x6f: {  	_ =	shalt  }
0x70: {  	_ =	shalt  }
0x71: {  	_ =	shalt  }
0x72: {  	_ =	shalt  }
0x73: {  	_ =	shalt  }
0x74: {  	_ =	shalt  }
0x75: {  	_ =	shalt  }
0x76: {  	_ =	shalt  }
0x77: {  	_ =	shalt  }
0x78: {  	_ =	shalt  }
0x79: {  	_ =	shalt  }
0x7a: {  	_ =	shalt  }
0x7b: {  	_ =	shalt  }
0x7c: {  	_ =	shalt  }
0x7d: {  	_ =	shalt  }
0x7e: {  	_ =	shalt  }
0x7f: {  	_ =	shalt  }
0x80: {  	_ =	shalt  }
0x81: {  	_ =	shalt  }
0x82: {  	_ =	shalt  }
0x83: {  	_ =	shalt  }
0x84: {  	_ =	shalt  }
0x85: {  	_ =	shalt  }
0x86: {  	_ =	shalt  }
0x87: {  	_ =	shalt  }
.Lfunc_end0:
.L_simem_size_0:
called_computation_lowered:
.L_overlay_start_0:
0x88: {  	s2 =	sld [smem:$0x3FD9]  }
0x89: {  	s3 =	sld [smem:$0x3FFE];
	_ =	sdelay $0x1  }
0x8a: {  	s1 =	srdreg.scid  }
0x8b: {  	s0 =	sand.u32 $0x1, s1  }
0x8c: {  	s17 =	sshll.u32 s0, $0xA;
	s2 =	sadd.s32 s3, s2  }
0x8d: {  	s2 =	sadd.s32 s2, s17  }
0x8e: {  	[smem:$0x3FC4] =	sst s2  }
0x8f: {  	_ = 	snop  }
0x90: {  	s2 =	sld [smem:$0x3FD0];
	(tm) =	ssettm $0x1  }
0x91: {  	s18 =	sld [smem:$0x3FFB];
	_ =	sdelay $0x3  }
0x92: {  	_ =	strace s18  }
0x93: {  	s3 =	sld [smem:$0x3FFC];
	_ =	sdelay $0x3  }
0x94: {  	_ =	strace s3  }
0x95: {  	s3 =	sld [smem:$0x3FFD];
	_ =	sdelay $0x3  }
0x96: {  	_ =	strace s3  }
0x97: {  	_ =	strace $0x8FFFFFFF  }
0x98: {  	s19 =	sld [smem:$0x3FDB];
	_ =	sdelay $0x1  }
0x99: {  	s4 =	simm.s32 $_scs_section_size  }
0x9a: {  	s5 =	simm.s32 $_size__tile_overlayer_lowered;
	s6 =	simm.s32 $_tile_overlayer_lowered  }
0x9b: {  	s22 =	simm.s32 $0x1BFF;
	s21 =	sshll.u32 s6, $0x1;
	s3 =	sadd.s32 s4, s19  }
0x9c: {  	s7 =	simm.s32 $0x0;
	s20 =	sshll.u32 s5, $0x1;
	s5 =	sadd.s32 s21, s3  }
0x9d: {  	[timem:s7], [sflag:s22] =	dma.local [hbm:s5], s20  }
0x9e: {  	_ =	swait.ge [sflag:s22], s20  }
0x9f: {  	s4 =	ssub.s32 $0x0, s20;
	[sflag:s22] =	ssyncset.done $0x0  }
0xa0: {  	[sflag:s22] =	ssyncadd.s32 s4;
	_ =	sdelay $0x1  }
0xa1: {  	s23 =	simm.s32 $0x1B8B  }
0xa2: {  	_ =	swait.ge [sflag:s23], $0x1  }
0xa3: {  	[sflag:s23] =	ssyncset.done $0x0  }
0xa4: {  	s25 =	simm.s32 $0x1B8E;
	s24 =	sld [smem:$0x3FFE];
	[sflag:s23] =	ssyncadd.s32 $0xFFFFFFFF  }
0xa5: {  	s26 =	simm.s32 $execute0_lowered;
	[smem:$0x3FD2] =	sst s25  }
0xa6: {  	s5 =	sshll.u32 s26, $0x1;
	_ =	strace $0x80000046;
	[dreg:$0x1] =	wrdreg $0xFFFFFFFF  }
0xa7: {  	s28 =	simm.s32 $_size_execute0_lowered;
	s3 =	sadd.s32 s3, s5;
	[dreg:$0x0] =	wrdreg $0x0  }
0xa8: {  	s5 =	sshll.u32 s28, $0x1;
	[dreg:$0x2] =	wrdreg s3  }
0xa9: {  	[dreg:$0x3] =	wrdreg s5  }
0xaa: {  	[dreg:$0x4] =	wrdreg $0xC0  }
0xab: {  	_ =	task [dreg:s7], $0x5FFFF  }
0xac: {  	[dreg:$0x1] =	wrdreg $0xFFFFFFFF  }
0xad: {  	[dreg:$0x0] =	wrdreg $0x60  }
0xae: {  	[dreg:$0x2] =	wrdreg s24  }
0xaf: {  	[dreg:$0x3] =	wrdreg s2  }
0xb0: {  	[dreg:$0x4] =	wrdreg $0x7A000  }
0xb1: {  	[dreg:$0x5] =	wrdreg $0x9  }
0xb2: {  	_ =	task.clear_ibuf [dreg:s7], $0x6FFFF;
	_ =	strace $0x90000046  }
0xb3: {  	s29 =	simm.s32 $0x9;
	_ =	strace $0x80000048  }
0xb4: {  	_ =	swait.ge [sflag:s29], $0x1  }
0xb5: {  	[sflag:s29] =	ssyncadd.s32 $0xFFFFFFFF  }
0xb6: {  	_ =	strace $0x90000048  }
0xb7: {  	_ =	sfence  }
0xb8: {  	s30 =	sld [smem:$0x0];
	_ =	sdelay $0x2  }
0xb9: {  	s31 =	sshll.u32 s1, $0xD;
	s1 =	sshrl.u32 s1, $0x2  }
0xba: {  	s3 =	sand.u32 $0x4000, s31;
	s1 =	sadd.s32 s1, s30  }
0xbb: {  	s0 =	sor.u32 s3, s0;
	s1 =	sshll.u32 s1, $0x11  }
0xbc: {  	s0 =	sor.u32 s1, s0  }
0xbd: {  	s0 =	sadd.s32 $0x8F2B, s0  }
0xbe: {  	[sflag:s0] =	ssyncadd.remote.s32 $0x1  }
0xbf: {  	_ =	sfence.sel $0xFFFF  }
0xc0: {  	[dreg:$0x0] =	wrdreg $0xFFFFFFFF;
	(pc) =	sbr.abs _section_cstart, $3  }
0xc1: {  	[dreg:$0x1] =	wrdreg $0xFFFFFFFF  }
0xc2: {  	_ =	task.clear_ibuf [dreg:s7], $0x2FFFF;
	_ =	strace $0x9FFFFFFF  }
0xc3: {  	(tm) =	ssettm $0x7FFFFFFF  }
tec
execute0_lowered:
.L_overlay_start_1:
0x0: {  	(tag) =	ssettag $0x1  }
0x1: {  	s3 =	rddreg [dreg:$0x0]  }
0x2: {  	s7 =	rddreg [dreg:$0x1];
	s1 =	srdreg.scid  }
0x3: {  	s0 =	stileid.u32;
	s6 =	rddreg [dreg:$0x2];
	s2 =	simm.s32 $0x0  }
0x4: {  	s13 =	simm.s32 $0x1400;
	s14 =	simm.s32 $0x14000;
	s15 =	simm.s32 $0x4F80  }
0x5: {  	s16 =	simm.s32 $0x100;
	s17 =	simm.s32 $0x7780;
	s18 =	simm.s32 $0x0  }
0x6: {  	s5 =	sand.u32 $0x1, s1;
	s4 =	sshll.u32 s0, $0x1;
	s1 =	rddreg [dreg:$0x3]  }
0x7: {  	[smem:$0x7FF] =	sst s2;
	s9 =	sshrl.u32 s0, $0x3;
	s30 =	smul.u32 $0x5000, s0  }
0x8: {  	s11 =	sshll.u32 s0, $0x7;
	s12 =	smul.u32 $0x500, s0;
	s4 =	sor.u32 s5, s4  }
0x9: {  	_ =	strace $0x80000047;
	s8 =	ssub.s32 $0x2, s5;
	s9 =	smul.u32 $0x50000, s9  }
0xa: {  	s11 =	sand.u32 $0x380, s11;
	s5 =	sshll.u32 s5, $0x7;
	s10 =	sshrl.u32 s8, $0x1  }
0xb: {  	s4 =	smul.u32 $0x4E2, s4;
	s12 =	sor.u32 s5, s12;
	s8 =	ssub.s32 s8, s10  }
0xc: {  	s9 =	sshrl.u32 s9, $0x2;
	s10 =	sshrl.u32 s30, $0x2;
	s31 =	sshrl.u32 s12, $0x3  }
0xd: {  	s12 =	simm.s32 $0x400;
	s4 =	sadd.s32 s4, s3;
	s3 =	sadd.s32 $0x16000, s3  }
0xe: {  	s9 =	sadd.s32 s9, s6;
	s6 =	sadd.s32 s10, s6;
	s7 =	sadd.s32 s7, s31  }
0xf: {  	s8 =	smax.u32 s8, $0x1;
	s10 =	simm.s32 $0x2780;
	s4 =	sadd.s32 $0x2600, s4  }
0x10: {  	v0 =	vimm.f32 $1.000000000e+00;
	s5 =	sadd.s32 s11, s9;
	s9 =	simm.s32 $0x1;
	s11 =	simm.s32 $0x80  }
.LBB2_1:
0x11: {  	[tilespmem:s2], [sflag:$0x1] =	stream.linear.gather [hbm4b:s4+s2], $0x2710, $0x38;
	[tilespmem:$0xA200] =	vst v63  }
0x12: {  	_ =	swait.ge [sflag:s9], $0x2710  }
0x13: {  	[sflag:s9] =	ssyncset.done $0x0  }
0x14: {  	[sflag:s9] =	ssyncadd.s32 $0xFFFFD8F0  }
0x15: {  	[tilespmem:s10], [sflag:$0x1] =	stream.linear.gather [hbm4b:s3+s2], $0x2800, $0x38;
	[tilespmem:$0xA200] =	vst v63  }
0x16: {  	_ =	swait.ge [sflag:s9], $0x2800  }
0x17: {  	s19 =	simm.s32 $0xFFFFFFE7;
	[sflag:s9] =	ssyncset.done $0x0  }
0x18: {  	s20 =	simm.s32 $0xC0;
	s21 =	simm.s32 $0x0;
	[sflag:s9] =	ssyncadd.s32 $0xFFFFD800  }
.LBB2_2:
0x19: {  	v1 =	vld [tilespmem:s20+$0xFFFFFF40];
	_ =	sdelay $0x7  }
0x1a: {  	[tilespmem:v1+s10+$0x0] =	vst.idx.add.f32.msk $0xffff, v0  }
0x1b: {  	v1 =	vld [tilespmem:s20+$0xFFFFFF50];
	_ =	sdelay $0x7  }
0x1c: {  	[tilespmem:v1+s10+$0x0] =	vst.idx.add.f32.msk $0xffff, v0  }
0x1d: {  	v1 =	vld [tilespmem:s20+$0xFFFFFF60];
	_ =	sdelay $0x7  }
0x1e: {  	[tilespmem:v1+s10+$0x0] =	vst.idx.add.f32.msk $0xffff, v0  }
0x1f: {  	v1 =	vld [tilespmem:s20+$0xFFFFFF70];
	_ =	sdelay $0x7  }
0x20: {  	[tilespmem:v1+s10+$0x0] =	vst.idx.add.f32.msk $0xffff, v0  }
0x21: {  	v1 =	vld [tilespmem:s20+$0xFFFFFF80];
	_ =	sdelay $0x7  }
0x22: {  	[tilespmem:v1+s10+$0x0] =	vst.idx.add.f32.msk $0xffff, v0  }
0x23: {  	v1 =	vld [tilespmem:s20+$0xFFFFFF90];
	_ =	sdelay $0x7  }
0x24: {  	[tilespmem:v1+s10+$0x0] =	vst.idx.add.f32.msk $0xffff, v0  }
0x25: {  	v1 =	vld [tilespmem:s20+$0xFFFFFFA0];
	_ =	sdelay $0x7  }
0x26: {  	[tilespmem:v1+s10+$0x0] =	vst.idx.add.f32.msk $0xffff, v0  }
0x27: {  	v1 =	vld [tilespmem:s20+$0xFFFFFFB0];
	_ =	sdelay $0x7  }
0x28: {  	s22 =	sand.u32 $0x3FF0, s21;
	[tilespmem:v1+s10+$0x0] =	vst.idx.add.f32.msk $0xffff, v0  }
0x29: {  	v1 =	vld [tilespmem:s22+$0x80];
	_ =	sdelay $0x7  }
0x2a: {  	[tilespmem:v1+s10+$0x0] =	vst.idx.add.f32.msk $0xffff, v0  }
0x2b: {  	v1 =	vld [tilespmem:s20+$0xFFFFFFD0];
	_ =	sdelay $0x7  }
0x2c: {  	[tilespmem:v1+s10+$0x0] =	vst.idx.add.f32.msk $0xffff, v0  }
0x2d: {  	v1 =	vld [tilespmem:s20+$0xFFFFFFE0];
	_ =	sdelay $0x7  }
0x2e: {  	[tilespmem:v1+s10+$0x0] =	vst.idx.add.f32.msk $0xffff, v0  }
0x2f: {  	v1 =	vld [tilespmem:s20+$0xFFFFFFF0];
	_ =	sdelay $0x7  }
0x30: {  	[tilespmem:v1+s10+$0x0] =	vst.idx.add.f32.msk $0xffff, v0  }
0x31: {  	v1 =	vld [tilespmem:s20+$0x0];
	_ =	sdelay $0x7  }
0x32: {  	[tilespmem:v1+s10+$0x0] =	vst.idx.add.f32.msk $0xffff, v0  }
0x33: {  	v1 =	vld [tilespmem:s20+$0x10];
	_ =	sdelay $0x7  }
0x34: {  	[tilespmem:v1+s10+$0x0] =	vst.idx.add.f32.msk $0xffff, v0  }
0x35: {  	v1 =	vld [tilespmem:s20+$0x20];
	_ =	sdelay $0x7  }
0x36: {  	[tilespmem:v1+s10+$0x0] =	vst.idx.add.f32.msk $0xffff, v0  }
0x37: {  	v1 =	vld [tilespmem:s20+$0x30];
	_ =	sdelay $0x7  }
0x38: {  	[tilespmem:v1+s10+$0x0] =	vst.idx.add.f32.msk $0xffff, v0  }
0x39: {  	v1 =	vld [tilespmem:s22+$0x100];
	_ =	sdelay $0x7  }
0x3a: {  	[tilespmem:v1+s10+$0x0] =	vst.idx.add.f32.msk $0xffff, v0  }
0x3b: {  	v1 =	vld [tilespmem:s20+$0x50];
	_ =	sdelay $0x7  }
0x3c: {  	[tilespmem:v1+s10+$0x0] =	vst.idx.add.f32.msk $0xffff, v0  }
0x3d: {  	v1 =	vld [tilespmem:s20+$0x60];
	_ =	sdelay $0x7  }
0x3e: {  	[tilespmem:v1+s10+$0x0] =	vst.idx.add.f32.msk $0xffff, v0  }
0x3f: {  	v1 =	vld [tilespmem:s20+$0x70];
	_ =	sdelay $0x7  }
0x40: {  	[tilespmem:v1+s10+$0x0] =	vst.idx.add.f32.msk $0xffff, v0  }
0x41: {  	v1 =	vld [tilespmem:s20+$0x80];
	_ =	sdelay $0x7  }
0x42: {  	[tilespmem:v1+s10+$0x0] =	vst.idx.add.f32.msk $0xffff, v0  }
0x43: {  	v1 =	vld [tilespmem:s20+$0x90];
	_ =	sdelay $0x7  }
0x44: {  	[tilespmem:v1+s10+$0x0] =	vst.idx.add.f32.msk $0xffff, v0  }
0x45: {  	v1 =	vld [tilespmem:s20+$0xA0];
	_ =	sdelay $0x7  }
0x46: {  	[tilespmem:v1+s10+$0x0] =	vst.idx.add.f32.msk $0xffff, v0  }
0x47: {  	v1 =	vld [tilespmem:s20+$0xB0];
	_ =	sdelay $0x7  }
0x48: {  	[tilespmem:v1+s10+$0x0] =	vst.idx.add.f32.msk $0xffff, v0  }
0x49: {  	v1 =	vld [tilespmem:s22+$0x180];
	_ =	sdelay $0x1  }
0x4a: {  	s19 =	sadd.s32 $0x19, s19  }
0x4b: {  	p0 =	slt.u32 s19, $0x258  }
.Ltmp0:
0x4c: {  	_ = 	snop;
	(pc) =	sbr.rel @p0 .LBB2_2-.Ltmp0, $2  }
0x4d: {  	_ =	sdelay $0x2  }
0x4e: {  	s21 =	sadd.s32 $0x190, s21;
	s20 =	sadd.s32 $0x190, s20;
	[tilespmem:v1+s10+$0x0] =	vst.idx.add.f32.msk $0xffff, v0  }
0x4f: {  	[spmem:s5] =	stream.strided.scatter [tilespmem:s10], [sflag:$0x1], $0x2800, s12, s11, $0x38;
	[tilespmem:$0xA200] =	vst v63  }
0x50: {  	_ =	swait.ge [sflag:s9], $0x2800  }
0x51: {  	[sflag:s9] =	ssyncset.done $0x0  }
0x52: {  	[sflag:s9] =	ssyncadd.s32 $0xFFFFD800  }
0x53: {  	[bflag:$0x0] =	sbarrier.arrive $0xFFFF  }
0x54: {  	[tilespmem:s15], [sflag:$0x1] =	stream.strided.gather [spmem:s6], $0x2800, s14, s13, $0x38;
	[tilespmem:$0xA200] =	vst v63  }
0x55: {  	s19 =	simm.s32 $0x0;
	_ =	swait.ge [sflag:s9], $0x2800  }
0x56: {  	s20 =	sand.u32 $0x70, s19;
	s19 =	sand.u32 $0x1C00, s19;
	[sflag:s9] =	ssyncset.done $0x0  }
0x57: {  	s19 =	sor.u32 s20, s19;
	[sflag:s9] =	ssyncadd.s32 $0xFFFFD800  }
0x58: {  	v1 =	vld [tilespmem:s19+$0x5000]  }
0x59: {  	v2 =	vld [tilespmem:s19+$0x4F80];
	_ =	sdelay $0x1  }
0x5a: {  	v3 =	vld [tilespmem:s19+$0x5080];
	_ =	sdelay $0x1  }
0x5b: {  	v4 =	vld [tilespmem:s19+$0x5100]  }
0x5c: {  	v1 =	vadd.f32 v1, v2  }
0x5d: {  	v2 =	vld [tilespmem:s19+$0x5180]  }
0x5e: {  	v1 =	vadd.f32 v3, v1  }
0x5f: {  	v3 =	vld [tilespmem:s19+$0x5200]  }
0x60: {  	v1 =	vadd.f32 v4, v1  }
0x61: {  	v60 =	vld [tilespmem:s19+$0x5280]  }
0x62: {  	v1 =	vadd.f32 v2, v1  }
0x63: {  	v2 =	vld [tilespmem:s19+$0x5300]  }
0x64: {  	v1 =	vadd.f32 v3, v1  }
0x65: {  	v3 =	vld [tilespmem:s19+$0x6380]  }
0x66: {  	v1 =	vadd.f32 v60, v1  }
0x67: {  	v61 =	vld [tilespmem:s19+$0x6400]  }
0x68: {  	v1 =	vadd.f32 v2, v1  }
0x69: {  	v2 =	vld [tilespmem:s19+$0x6480]  }
0x6a: {  	v1 =	vadd.f32 v3, v1  }
0x6b: {  	v3 =	vld [tilespmem:s19+$0x6500]  }
0x6c: {  	v1 =	vadd.f32 v61, v1  }
0x6d: {  	v62 =	vld [tilespmem:s19+$0x6580]  }
0x6e: {  	v1 =	vadd.f32 v2, v1  }
0x6f: {  	v2 =	vld [tilespmem:s19+$0x6600]  }
0x70: {  	v1 =	vadd.f32 v3, v1  }
0x71: {  	v3 =	vld [tilespmem:s19+$0x6680]  }
0x72: {  	v1 =	vadd.f32 v62, v1  }
0x73: {  	v63 =	vld [tilespmem:s19+$0x6700]  }
0x74: {  	v1 =	vadd.f32 v2, v1;
	_ =	sdelay $0x1  }
0x75: {  	v1 =	vadd.f32 v3, v1;
	_ =	sdelay $0x1  }
0x76: {  	s31 =	simm.s32 $0x10;
	s21 =	simm.s32 $0x80;
	v1 =	vadd.f32 v63, v1  }
0x77: {  	s22 =	sand.u32 $0x1C00, s21;
	s20 =	sand.u32 $0x70, s31;
	s19 =	simm.s32 $0x7780  }
0x78: {  	s20 =	sor.u32 s20, s22;
	s22 =	simm.s32 $0x20;
	[tilespmem:s19+$0x0] =	vst v1  }
.LBB2_4:
0x79: {  	p0 =	sne.s32 s22, $0x270;
	v1 =	vld [tilespmem:s20+$0x5000]  }
0x7a: {  	v2 =	vld [tilespmem:s20+$0x4F80];
	_ =	sdelay $0x1  }
0x7b: {  	v3 =	vld [tilespmem:s20+$0x5080];
	_ =	sdelay $0x1  }
0x7c: {  	v4 =	vld [tilespmem:s20+$0x5100]  }
0x7d: {  	v1 =	vadd.f32 v1, v2  }
0x7e: {  	v2 =	vld [tilespmem:s20+$0x5180]  }
0x7f: {  	v1 =	vadd.f32 v3, v1  }
0x80: {  	v3 =	vld [tilespmem:s20+$0x5200]  }
0x81: {  	v1 =	vadd.f32 v4, v1  }
0x82: {  	v4 =	vld [tilespmem:s20+$0x5280]  }
0x83: {  	v1 =	vadd.f32 v2, v1  }
0x84: {  	v2 =	vld [tilespmem:s20+$0x5300]  }
0x85: {  	v1 =	vadd.f32 v3, v1  }
0x86: {  	v3 =	vld [tilespmem:s20+$0x6380]  }
0x87: {  	v1 =	vadd.f32 v4, v1  }
0x88: {  	v4 =	vld [tilespmem:s20+$0x6400]  }
0x89: {  	v1 =	vadd.f32 v2, v1  }
0x8a: {  	v2 =	vld [tilespmem:s20+$0x6480]  }
0x8b: {  	v1 =	vadd.f32 v3, v1  }
0x8c: {  	v3 =	vld [tilespmem:s20+$0x6500]  }
0x8d: {  	v1 =	vadd.f32 v4, v1  }
0x8e: {  	v4 =	vld [tilespmem:s20+$0x6580]  }
0x8f: {  	v1 =	vadd.f32 v2, v1  }
0x90: {  	v2 =	vld [tilespmem:s20+$0x6600]  }
0x91: {  	v1 =	vadd.f32 v3, v1  }
0x92: {  	v3 =	vld [tilespmem:s20+$0x6680]  }
0x93: {  	v1 =	vadd.f32 v4, v1  }
0x94: {  	v4 =	vld [tilespmem:s20+$0x6700]  }
0x95: {  	v1 =	vadd.f32 v2, v1;
	_ =	sdelay $0x1  }
.Ltmp1:
0x96: {  	v1 =	vadd.f32 v3, v1;
	(pc) =	sbr.rel @p0 .LBB2_4-.Ltmp1, $4  }
0x97: {  	_ = 	snop  }
0x98: {  	s21 =	sadd.s32 $0x80, s21;
	v1 =	vadd.f32 v4, v1  }
0x99: {  	s19 =	sadd.s32 $0x10, s19;
	s23 =	sand.u32 $0x1C00, s21;
	s20 =	sand.u32 $0x70, s22  }
0x9a: {  	s22 =	sadd.s32 $0x10, s22;
	s20 =	sor.u32 s20, s23;
	[tilespmem:s19+$0x0] =	vst v1  }
0x9b: {  	v1 =	vld [tilespmem:s20+$0x5000]  }
0x9c: {  	v2 =	vld [tilespmem:s20+$0x4F80];
	_ =	sdelay $0x1  }
0x9d: {  	v3 =	vld [tilespmem:s20+$0x5080];
	_ =	sdelay $0x1  }
0x9e: {  	v4 =	vld [tilespmem:s20+$0x5100]  }
0x9f: {  	v1 =	vadd.f32 v1, v2  }
0xa0: {  	v2 =	vld [tilespmem:s20+$0x5180]  }
0xa1: {  	v1 =	vadd.f32 v3, v1  }
0xa2: {  	v3 =	vld [tilespmem:s20+$0x5200]  }
0xa3: {  	v1 =	vadd.f32 v4, v1  }
0xa4: {  	v60 =	vld [tilespmem:s20+$0x5280]  }
0xa5: {  	v1 =	vadd.f32 v2, v1  }
0xa6: {  	v2 =	vld [tilespmem:s20+$0x5300]  }
0xa7: {  	v1 =	vadd.f32 v3, v1  }
0xa8: {  	v3 =	vld [tilespmem:s20+$0x6380]  }
0xa9: {  	v1 =	vadd.f32 v60, v1  }
0xaa: {  	v61 =	vld [tilespmem:s20+$0x6400]  }
0xab: {  	v1 =	vadd.f32 v2, v1  }
0xac: {  	v2 =	vld [tilespmem:s20+$0x6480]  }
0xad: {  	v1 =	vadd.f32 v3, v1  }
0xae: {  	v3 =	vld [tilespmem:s20+$0x6500]  }
0xaf: {  	v1 =	vadd.f32 v61, v1  }
0xb0: {  	v62 =	vld [tilespmem:s20+$0x6580]  }
0xb1: {  	v1 =	vadd.f32 v2, v1  }
0xb2: {  	v2 =	vld [tilespmem:s20+$0x6600]  }
0xb3: {  	v1 =	vadd.f32 v3, v1  }
0xb4: {  	v3 =	vld [tilespmem:s20+$0x6680]  }
0xb5: {  	v1 =	vadd.f32 v62, v1  }
0xb6: {  	v63 =	vld [tilespmem:s20+$0x6700]  }
0xb7: {  	v1 =	vadd.f32 v2, v1;
	_ =	sdelay $0x1  }
0xb8: {  	v1 =	vadd.f32 v3, v1;
	_ =	sdelay $0x1  }
0xb9: {  	s18 =	sadd.s32 $0x1, s18;
	v1 =	vadd.f32 v63, v1  }
0xba: {  	s19 =	sadd.s32 $0x10, s19;
	p0 =	sne.s32 s18, s8  }
.Ltmp2:
0xbb: {  	[tilespmem:s19+$0x0] =	vst v1;
	(pc) =	sbr.rel @p0 .LBB2_1-.Ltmp2, $4  }
0xbc: {  	[hbm4b:s7+s11] =	stream.strided.scatter [tilespmem:s17], [sflag:$0x1], $0x280, s16, s11, $0x38;
	[tilespmem:$0xA200] =	vst v63  }
0xbd: {  	_ =	swait.ge [sflag:s9], $0x280  }
0xbe: {  	[sflag:s9] =	ssyncset.done $0x0  }
0xbf: {  	[sflag:s9] =	ssyncadd.s32 $0xFFFFFD80  }
0xc0: {  	_ =	sfence.sel $0x180000  }
0xc1: {  	[bflag:$0x0] =	sbarrier.arrive $0xFFFF  }
0xc2: {  	p0 =	sne.s32 s0, $0x0;
	_ =	strace $0x90000047  }
0xc3: {  	s0 =	sadd.s32 @!p0 $0x100000, s1;
	[bflag:$0x2] =	sbarrier.arrive $0xFFFF  }
0xc4: {  	[sflag:s0] =	ssyncadd.tile.s32 @!p0 $0x1;
	_ =	shalt  }
.Lfunc_end2:
_tile_overlayer_lowered:
.L_overlay_start_2:
0xc5: {  	(tag) =	ssettag $0x2  }
0xc6: {  	s0 =	rddreg [dreg:$0x0];
	s2 =	stileid.u32  }
0xc7: {  	s1 =	rddreg [dreg:$0x1];
	p0 =	sne.s32 s2, $0x0  }
0xc8: {  	s3 =	rddreg [dreg:$0x2];
	[bflag:$0x3] =	sbarrier.arrive $0xFFFF;
	s2 =	simm.s32 @!p0 $0x1C01  }
0xc9: {  	[timem:s3], [sflag:s2] =	dma.local @!p0 [hbm:s0], s1  }
0xca: {  	s0 =	simm.s32 @!p0 $0x1  }
0xcb: {  	_ =	swait.ge @!p0 [sflag:s0], s1  }
0xcc: {  	s1 =	ssub.s32 @!p0 $0x0, s1;
	[sflag:s0] =	ssyncset.done @!p0 $0x0  }
0xcd: {  	[sflag:s0] =	ssyncadd.s32 @!p0 s1  }
0xce: {  	[bflag:$0x3] =	sbarrier.arrive $0xFFFF  }
0xcf: {  	_ =	shalt  }

</sc_bundles>
